<compile_context>
chip_gen: v7x
topology: tpu7x:2x2x1
jax: 0.10.2.dev20260603
libtpu: 0.0.44.dev20260713+nightly
codegen_flags: <defaults>
</compile_context>

<pallas_src>
import jax
import jax.numpy as jnp
from jax import lax
from jax.experimental import pallas as pl
from jax.experimental.pallas import tpu as pltpu
from jax.experimental.pallas import tpu_sc as plsc

VOCAB_SIZE = 1_000_000
N_EMBD = 64
SEQ_LEN = 200
BATCH = 1024

_info = plsc.get_sparse_core_info()
_NC, _NS = _info.num_cores, _info.num_subcores
NW = _NC * _NS
SEQ_PER_W = BATCH // NW
HALF = SEQ_LEN // 2
NB = 2


def _emb_body(x_hbm, tok_hbm, pos_hbm, out_hbm, idx_v, pos_v, gbuf, sbuf,
              gsems, ssems):
    cid = lax.axis_index("c")
    sid = lax.axis_index("s")
    wid = sid * _NC + cid

    pltpu.sync_copy(pos_hbm, pos_v)
    pltpu.sync_copy(x_hbm.at[pl.ds(wid * SEQ_PER_W, SEQ_PER_W)], idx_v)

    def gather(s, b):
        pltpu.async_copy(tok_hbm.at[idx_v.at[s, 0]],
                         gbuf.at[b, pl.ds(0, HALF)], gsems.at[b])
        pltpu.async_copy(tok_hbm.at[idx_v.at[s, 1]],
                         gbuf.at[b, pl.ds(HALF, HALF)], gsems.at[b])

    def wait_gather(b):
        pltpu.make_async_copy(tok_hbm.at[idx_v.at[0, 0]],
                              gbuf.at[b, pl.ds(0, HALF)], gsems.at[b]).wait()
        pltpu.make_async_copy(tok_hbm.at[idx_v.at[0, 1]],
                              gbuf.at[b, pl.ds(HALF, HALF)], gsems.at[b]).wait()

    def store(s, b):
        out_base = (wid * SEQ_PER_W + s) * SEQ_LEN
        pltpu.async_copy(sbuf.at[b], out_hbm.at[pl.ds(out_base, SEQ_LEN)],
                         ssems.at[b])

    def wait_store(b):
        pltpu.make_async_copy(sbuf.at[b], out_hbm.at[pl.ds(0, SEQ_LEN)],
                              ssems.at[b]).wait()

    for b in range(NB):
        gather(b, b)

    def stage(i, carry):
        for b in range(NB):
            s = i * NB + b
            wait_gather(b)

            @pl.when(s >= NB)
            def _():
                wait_store(b)

            def add_body(r, c):
                base = r * 8
                for k in range(8):
                    rr = base + k
                    for blk in range(N_EMBD // 16):
                        sl = pl.ds(blk * 16, 16)
                        sbuf[b, rr, sl] = gbuf[b, rr, sl] + pos_v[rr, sl]
                return c

            lax.fori_loop(0, SEQ_LEN // 8, add_body, 0)
            store(s, b)

            @pl.when(s + NB < SEQ_PER_W)
            def _():
                gather(s + NB, b)
        return carry

    lax.fori_loop(0, SEQ_PER_W // NB, stage, 0)

    for b in range(NB):
        wait_store(b)


def kernel(x, token_table, position_table):
    x3 = x.reshape(BATCH, 2, HALF).astype(jnp.int32)
    tt_pad = jnp.pad(token_table, ((0, 0), (0, N_EMBD)))
    run = pl.kernel(
        _emb_body,
        out_type=jax.ShapeDtypeStruct((BATCH * SEQ_LEN, N_EMBD), jnp.float32),
        mesh=plsc.VectorSubcoreMesh(core_axis_name="c", subcore_axis_name="s"),
        scratch_types=[
            pltpu.VMEM((SEQ_PER_W, 2, HALF), jnp.int32),
            pltpu.VMEM((SEQ_LEN, N_EMBD), jnp.float32),
            pltpu.VMEM((NB, SEQ_LEN, 2 * N_EMBD), jnp.float32),
            pltpu.VMEM((NB, SEQ_LEN, N_EMBD), jnp.float32),
            pltpu.SemaphoreType.DMA((NB,)),
            pltpu.SemaphoreType.DMA((NB,)),
        ],
        compiler_params=pltpu.CompilerParams(use_tc_tiling_on_sc=False),
    )
    out = run(x3, tt_pad, position_table)
    return out.reshape(BATCH, SEQ_LEN, N_EMBD)

# --- scband reference (transcript-rebuilt; emitter-appended) ---
"""Pipeline reference for scband-embeddings-4784593567775 (READ-ONLY COPY).

The authoritative reference and input builder live on the scoring server;
editing this copy changes nothing except your own understanding.
"""

import jax, jax.numpy as jnp
import numpy as np

VOCAB_SIZE = 1000000
N_EMBD = 64
SEQ_LEN = 200
BATCH = 1024


def setup_inputs(seed: int = 0) -> dict:
    key = jax.random.key(seed)
    k_x, k_tok, k_pos = jax.random.split(key, 3)
    x = jax.random.randint(k_x, (BATCH, SEQ_LEN), 0, VOCAB_SIZE, dtype=jnp.int64 if jax.config.jax_enable_x64 else jnp.int32)
    token_table = jax.random.normal(k_tok, (VOCAB_SIZE, N_EMBD), dtype=jnp.float32) * 0.02
    position_table = jax.random.normal(k_pos, (SEQ_LEN, N_EMBD), dtype=jnp.float32) * 0.02
    return {"x": x, "token_table": token_table, "position_table": position_table}


def reference(x, token_table, position_table):
    # tokens = self.token_embedding(x)
    tokens = jnp.take(token_table, x, axis=0)  # [B, L, D]
    # positions = arange(L).unsqueeze(0).expand_as(x); self.position_embedding(positions)
    pos_idx = jnp.arange(x.shape[1])
    pos_idx = jnp.broadcast_to(pos_idx[None, :], x.shape)  # [B, L]
    positions = jnp.take(position_table, pos_idx, axis=0)  # [B, L, D]
    return tokens + positions

if __name__ == "__main__":
    import jax
    _d = setup_inputs()
    print(jax.jit(kernel)(*tuple(_d.values())))

</pallas_src>

<mosaic_0001>
#map = affine_map<(d0, d1) -> (0, 0, 0)>
#map1 = affine_map<(d0, d1) -> (0, 0)>
module attributes {stable_mosaic.version = 14 : i64} {
  func.func @_emb_body(%arg0: i32, %arg1: i32, %arg2: memref<1024x2x100xi32, #tpu.memory_space<hbm>>, %arg3: memref<1000000x128xf32, #tpu.memory_space<hbm>>, %arg4: memref<200x64xf32, #tpu.memory_space<hbm>>, %arg5: memref<204800x64xf32, #tpu.memory_space<hbm>>, %arg6: memref<32x2x100xi32, #tpu.memory_space<vmem>>, %arg7: memref<200x64xf32, #tpu.memory_space<vmem>>, %arg8: memref<2x200x128xf32, #tpu.memory_space<vmem>>, %arg9: memref<2x200x64xf32, #tpu.memory_space<vmem>>, %arg10: memref<2x!tpu.dma_semaphore, #tpu.memory_space<semaphore_mem>>, %arg11: memref<2x!tpu.dma_semaphore, #tpu.memory_space<semaphore_mem>>) attributes {dimension_semantics = [#tpu.dimension_semantics<core_parallel>, #tpu.dimension_semantics<subcore_parallel>], iteration_bounds = array<i64: 2, 16>, scalar_prefetch = 0 : i64, scratch_operands = 6 : i64, tpu.core_type = #tpu.core_type<sc_vector_subcore>, window_params = [{transform_indices = #map}, {transform_indices = #map1}, {transform_indices = #map1}, {transform_indices = #map1}]} {
    %mul3A = arith.constant 2 : i32
    %mul3A_0 = arith.muli %arg1, %mul3A : i32
    %add3A = arith.addi %mul3A_0, %arg0 : i32
    "tpu.region"() ({
      %run_scoped3A = tpu.sem_alloc : memref<!tpu.dma_semaphore, #tpu.memory_space<semaphore_mem>>
      tpu.enqueue_dma source(%arg4 : memref<200x64xf32, #tpu.memory_space<hbm>>) target(%arg7 : memref<200x64xf32, #tpu.memory_space<vmem>>) target_semaphore(%run_scoped3A : memref<!tpu.dma_semaphore, #tpu.memory_space<semaphore_mem>>)
      tpu.wait_dma2 semaphore(%run_scoped3A : memref<!tpu.dma_semaphore, #tpu.memory_space<semaphore_mem>>) src(%arg4 : memref<200x64xf32, #tpu.memory_space<hbm>>) dst(%arg7 : memref<200x64xf32, #tpu.memory_space<vmem>>)
      tpu.yield
    }) : () -> ()
    %mul3A_1 = arith.constant 32 : i32
    %mul3A_2 = arith.muli %add3A, %mul3A_1 : i32
    "tpu.region"() ({
      %run_scoped3A = tpu.sem_alloc : memref<!tpu.dma_semaphore, #tpu.memory_space<semaphore_mem>>
      %dma_start3A_106 = arith.constant 0 : i32
      %dma_start3A_107 = arith.constant 0 : i32
      %dma_start3A_108 = tpu.memref_slice %arg2[%mul3A_2, %dma_start3A_106, %dma_start3A_107] : memref<1024x2x100xi32, #tpu.memory_space<hbm>> -> memref<32x2x100xi32, #tpu.memory_space<hbm>>
      %dma_start3A_109 = arith.constant 0 : i32
      %dma_start3A_110 = arith.constant 0 : i32
      %dma_start3A_111 = tpu.memref_slice %arg2[%mul3A_2, %dma_start3A_109, %dma_start3A_110] : memref<1024x2x100xi32, #tpu.memory_space<hbm>> -> memref<32x2x100xi32, #tpu.memory_space<hbm>>
      tpu.enqueue_dma source(%dma_start3A_111 : memref<32x2x100xi32, #tpu.memory_space<hbm>>) target(%arg6 : memref<32x2x100xi32, #tpu.memory_space<vmem>>) target_semaphore(%run_scoped3A : memref<!tpu.dma_semaphore, #tpu.memory_space<semaphore_mem>>)
      %dma_wait3A_112 = arith.constant 0 : i32
      %dma_wait3A_113 = arith.constant 0 : i32
      %dma_wait3A_114 = tpu.memref_slice %arg2[%mul3A_2, %dma_wait3A_112, %dma_wait3A_113] : memref<1024x2x100xi32, #tpu.memory_space<hbm>> -> memref<32x2x100xi32, #tpu.memory_space<hbm>>
      %dma_wait3A_115 = arith.constant 0 : i32
      %dma_wait3A_116 = arith.constant 0 : i32
      %dma_wait3A_117 = tpu.memref_slice %arg2[%mul3A_2, %dma_wait3A_115, %dma_wait3A_116] : memref<1024x2x100xi32, #tpu.memory_space<hbm>> -> memref<32x2x100xi32, #tpu.memory_space<hbm>>
      tpu.wait_dma2 semaphore(%run_scoped3A : memref<!tpu.dma_semaphore, #tpu.memory_space<semaphore_mem>>) src(%dma_wait3A_117 : memref<32x2x100xi32, #tpu.memory_space<hbm>>) dst(%arg6 : memref<32x2x100xi32, #tpu.memory_space<vmem>>)
      tpu.yield
    }) : () -> ()
    %dma_start3A = arith.constant 0 : i32
    %dma_start3A_3 = arith.constant 0 : i32
    %dma_start3A_4 = arith.constant 0 : i32
    %dma_start3A_5 = arith.constant 0 : i32
    %dma_start3A_6 = arith.constant 0 : i32
    %dma_start3A_7 = arith.constant 0 : i32
    %dma_start3A_8 = tpu.memref_slice %arg8[%dma_start3A_4, %dma_start3A_6, %dma_start3A_7] : memref<2x200x128xf32, #tpu.memory_space<vmem>> -> memref<1x100x128xf32, #tpu.memory_space<vmem>>
    %dma_start3A_9 = tpu.memref_squeeze %dma_start3A_8 : memref<1x100x128xf32, #tpu.memory_space<vmem>> -> memref<100x128xf32, #tpu.memory_space<vmem>>
    %dma_start3A_10 = arith.constant 0 : i32
    %dma_start3A_11 = tpu.memref_slice %arg6[%dma_start3A, %dma_start3A_3, %dma_start3A_10] : memref<32x2x100xi32, #tpu.memory_space<vmem>> -> memref<1x1x100xi32, #tpu.memory_space<vmem>>
    %dma_start3A_12 = tpu.memref_squeeze %dma_start3A_11 : memref<1x1x100xi32, #tpu.memory_space<vmem>> -> memref<100xi32, #tpu.memory_space<vmem>>
    %dma_start3A_13 = arith.constant 0 : i32
    %dma_start3A_14 = arith.constant 0 : i32
    %dma_start3A_15 = tpu.memref_slice %arg3[%dma_start3A_13, %dma_start3A_14] : memref<1000000x128xf32, #tpu.memory_space<hbm>> -> memref<1000000x128xf32, #tpu.memory_space<hbm>>
    %dma_start3A_16 = tpu.memref_slice %arg10[%dma_start3A_5] : memref<2x!tpu.dma_semaphore, #tpu.memory_space<semaphore_mem>> -> memref<1x!tpu.dma_semaphore, #tpu.memory_space<semaphore_mem>>
    %dma_start3A_17 = tpu.memref_squeeze %dma_start3A_16 : memref<1x!tpu.dma_semaphore, #tpu.memory_space<semaphore_mem>> -> memref<!tpu.dma_semaphore, #tpu.memory_space<semaphore_mem>>
    tpu.enqueue_indirect_dma source(%dma_start3A_15 : memref<1000000x128xf32, #tpu.memory_space<hbm>>) target(%dma_start3A_9 : memref<100x128xf32, #tpu.memory_space<vmem>>) offsets(%dma_start3A_12 : memref<100xi32, #tpu.memory_space<vmem>>) semaphore(%dma_start3A_17 : memref<!tpu.dma_semaphore, #tpu.memory_space<semaphore_mem>>)
    %dma_start3A_18 = arith.constant 0 : i32
    %dma_start3A_19 = arith.constant 1 : i32
    %dma_start3A_20 = arith.constant 0 : i32
    %dma_start3A_21 = arith.constant 0 : i32
    %dma_start3A_22 = arith.constant 100 : i32
    %dma_start3A_23 = arith.constant 0 : i32
    %dma_start3A_24 = tpu.memref_slice %arg8[%dma_start3A_20, %dma_start3A_22, %dma_start3A_23] : memref<2x200x128xf32, #tpu.memory_space<vmem>> -> memref<1x100x128xf32, #tpu.memory_space<vmem>>
    %dma_start3A_25 = tpu.memref_squeeze %dma_start3A_24 : memref<1x100x128xf32, #tpu.memory_space<vmem>> -> memref<100x128xf32, #tpu.memory_space<vmem>>
    %dma_start3A_26 = arith.constant 0 : i32
    %dma_start3A_27 = tpu.memref_slice %arg6[%dma_start3A_18, %dma_start3A_19, %dma_start3A_26] : memref<32x2x100xi32, #tpu.memory_space<vmem>> -> memref<1x1x100xi32, #tpu.memory_space<vmem>>
    %dma_start3A_28 = tpu.memref_squeeze %dma_start3A_27 : memref<1x1x100xi32, #tpu.memory_space<vmem>> -> memref<100xi32, #tpu.memory_space<vmem>>
    %dma_start3A_29 = arith.constant 0 : i32
    %dma_start3A_30 = arith.constant 0 : i32
    %dma_start3A_31 = tpu.memref_slice %arg3[%dma_start3A_29, %dma_start3A_30] : memref<1000000x128xf32, #tpu.memory_space<hbm>> -> memref<1000000x128xf32, #tpu.memory_space<hbm>>
    %dma_start3A_32 = tpu.memref_slice %arg10[%dma_start3A_21] : memref<2x!tpu.dma_semaphore, #tpu.memory_space<semaphore_mem>> -> memref<1x!tpu.dma_semaphore, #tpu.memory_space<semaphore_mem>>
    %dma_start3A_33 = tpu.memref_squeeze %dma_start3A_32 : memref<1x!tpu.dma_semaphore, #tpu.memory_space<semaphore_mem>> -> memref<!tpu.dma_semaphore, #tpu.memory_space<semaphore_mem>>
    tpu.enqueue_indirect_dma source(%dma_start3A_31 : memref<1000000x128xf32, #tpu.memory_space<hbm>>) target(%dma_start3A_25 : memref<100x128xf32, #tpu.memory_space<vmem>>) offsets(%dma_start3A_28 : memref<100xi32, #tpu.memory_space<vmem>>) semaphore(%dma_start3A_33 : memref<!tpu.dma_semaphore, #tpu.memory_space<semaphore_mem>>)
    %dma_start3A_34 = arith.constant 1 : i32
    %dma_start3A_35 = arith.constant 0 : i32
    %dma_start3A_36 = arith.constant 1 : i32
    %dma_start3A_37 = arith.constant 1 : i32
    %dma_start3A_38 = arith.constant 0 : i32
    %dma_start3A_39 = arith.constant 0 : i32
    %dma_start3A_40 = tpu.memref_slice %arg8[%dma_start3A_36, %dma_start3A_38, %dma_start3A_39] : memref<2x200x128xf32, #tpu.memory_space<vmem>> -> memref<1x100x128xf32, #tpu.memory_space<vmem>>
    %dma_start3A_41 = tpu.memref_squeeze %dma_start3A_40 : memref<1x100x128xf32, #tpu.memory_space<vmem>> -> memref<100x128xf32, #tpu.memory_space<vmem>>
    %dma_start3A_42 = arith.constant 0 : i32
    %dma_start3A_43 = tpu.memref_slice %arg6[%dma_start3A_34, %dma_start3A_35, %dma_start3A_42] : memref<32x2x100xi32, #tpu.memory_space<vmem>> -> memref<1x1x100xi32, #tpu.memory_space<vmem>>
    %dma_start3A_44 = tpu.memref_squeeze %dma_start3A_43 : memref<1x1x100xi32, #tpu.memory_space<vmem>> -> memref<100xi32, #tpu.memory_space<vmem>>
    %dma_start3A_45 = arith.constant 0 : i32
    %dma_start3A_46 = arith.constant 0 : i32
    %dma_start3A_47 = tpu.memref_slice %arg3[%dma_start3A_45, %dma_start3A_46] : memref<1000000x128xf32, #tpu.memory_space<hbm>> -> memref<1000000x128xf32, #tpu.memory_space<hbm>>
    %dma_start3A_48 = tpu.memref_slice %arg10[%dma_start3A_37] : memref<2x!tpu.dma_semaphore, #tpu.memory_space<semaphore_mem>> -> memref<1x!tpu.dma_semaphore, #tpu.memory_space<semaphore_mem>>
    %dma_start3A_49 = tpu.memref_squeeze %dma_start3A_48 : memref<1x!tpu.dma_semaphore, #tpu.memory_space<semaphore_mem>> -> memref<!tpu.dma_semaphore, #tpu.memory_space<semaphore_mem>>
    tpu.enqueue_indirect_dma source(%dma_start3A_47 : memref<1000000x128xf32, #tpu.memory_space<hbm>>) target(%dma_start3A_41 : memref<100x128xf32, #tpu.memory_space<vmem>>) offsets(%dma_start3A_44 : memref<100xi32, #tpu.memory_space<vmem>>) semaphore(%dma_start3A_49 : memref<!tpu.dma_semaphore, #tpu.memory_space<semaphore_mem>>)
    %dma_start3A_50 = arith.constant 1 : i32
    %dma_start3A_51 = arith.constant 1 : i32
    %dma_start3A_52 = arith.constant 1 : i32
    %dma_start3A_53 = arith.constant 1 : i32
    %dma_start3A_54 = arith.constant 100 : i32
    %dma_start3A_55 = arith.constant 0 : i32
    %dma_start3A_56 = tpu.memref_slice %arg8[%dma_start3A_52, %dma_start3A_54, %dma_start3A_55] : memref<2x200x128xf32, #tpu.memory_space<vmem>> -> memref<1x100x128xf32, #tpu.memory_space<vmem>>
    %dma_start3A_57 = tpu.memref_squeeze %dma_start3A_56 : memref<1x100x128xf32, #tpu.memory_space<vmem>> -> memref<100x128xf32, #tpu.memory_space<vmem>>
    %dma_start3A_58 = arith.constant 0 : i32
    %dma_start3A_59 = tpu.memref_slice %arg6[%dma_start3A_50, %dma_start3A_51, %dma_start3A_58] : memref<32x2x100xi32, #tpu.memory_space<vmem>> -> memref<1x1x100xi32, #tpu.memory_space<vmem>>
    %dma_start3A_60 = tpu.memref_squeeze %dma_start3A_59 : memref<1x1x100xi32, #tpu.memory_space<vmem>> -> memref<100xi32, #tpu.memory_space<vmem>>
    %dma_start3A_61 = arith.constant 0 : i32
    %dma_start3A_62 = arith.constant 0 : i32
    %dma_start3A_63 = tpu.memref_slice %arg3[%dma_start3A_61, %dma_start3A_62] : memref<1000000x128xf32, #tpu.memory_space<hbm>> -> memref<1000000x128xf32, #tpu.memory_space<hbm>>
    %dma_start3A_64 = tpu.memref_slice %arg10[%dma_start3A_53] : memref<2x!tpu.dma_semaphore, #tpu.memory_space<semaphore_mem>> -> memref<1x!tpu.dma_semaphore, #tpu.memory_space<semaphore_mem>>
    %dma_start3A_65 = tpu.memref_squeeze %dma_start3A_64 : memref<1x!tpu.dma_semaphore, #tpu.memory_space<semaphore_mem>> -> memref<!tpu.dma_semaphore, #tpu.memory_space<semaphore_mem>>
    tpu.enqueue_indirect_dma source(%dma_start3A_63 : memref<1000000x128xf32, #tpu.memory_space<hbm>>) target(%dma_start3A_57 : memref<100x128xf32, #tpu.memory_space<vmem>>) offsets(%dma_start3A_60 : memref<100xi32, #tpu.memory_space<vmem>>) semaphore(%dma_start3A_65 : memref<!tpu.dma_semaphore, #tpu.memory_space<semaphore_mem>>)
    %scan3A = arith.constant 0 : i32
    %scan3A_66 = arith.constant 0 : i32
    %scan3A_67 = arith.constant 16 : i32
    %scan3A_68 = arith.addi %scan3A_66, %scan3A_67 : i32
    %scan3A_69 = arith.constant 1 : i32
    scf.for %scan3A_106 = %scan3A_66 to %scan3A_68 step %scan3A_69  : i32 {
      %mul3A_107 = arith.constant 2 : i32
      %mul3A_108 = arith.muli %scan3A_106, %mul3A_107 : i32
      %add3A_109 = arith.constant 0 : i32
      %add3A_110 = arith.addi %mul3A_108, %add3A_109 : i32
      %dma_wait3A_111 = arith.constant 0 : i32
      %dma_wait3A_112 = arith.constant 0 : i32
      %dma_wait3A_113 = arith.constant 0 : i32
      %dma_wait3A_114 = arith.constant 0 : i32
      %dma_wait3A_115 = arith.constant 0 : i32
      %dma_wait3A_116 = arith.constant 0 : i32
      %dma_wait3A_117 = tpu.memref_slice %arg8[%dma_wait3A_113, %dma_wait3A_115, %dma_wait3A_116] : memref<2x200x128xf32, #tpu.memory_space<vmem>> -> memref<1x100x128xf32, #tpu.memory_space<vmem>>
      %dma_wait3A_118 = tpu.memref_squeeze %dma_wait3A_117 : memref<1x100x128xf32, #tpu.memory_space<vmem>> -> memref<100x128xf32, #tpu.memory_space<vmem>>
      %dma_wait3A_119 = arith.constant 0 : i32
      %dma_wait3A_120 = tpu.memref_slice %arg6[%dma_wait3A_111, %dma_wait3A_112, %dma_wait3A_119] : memref<32x2x100xi32, #tpu.memory_space<vmem>> -> memref<1x1x100xi32, #tpu.memory_space<vmem>>
      %dma_wait3A_121 = tpu.memref_squeeze %dma_wait3A_120 : memref<1x1x100xi32, #tpu.memory_space<vmem>> -> memref<100xi32, #tpu.memory_space<vmem>>
      %dma_wait3A_122 = arith.constant 0 : i32
      %dma_wait3A_123 = arith.constant 0 : i32
      %dma_wait3A_124 = tpu.memref_slice %arg3[%dma_wait3A_122, %dma_wait3A_123] : memref<1000000x128xf32, #tpu.memory_space<hbm>> -> memref<1000000x128xf32, #tpu.memory_space<hbm>>
      %dma_wait3A_125 = tpu.memref_slice %arg10[%dma_wait3A_114] : memref<2x!tpu.dma_semaphore, #tpu.memory_space<semaphore_mem>> -> memref<1x!tpu.dma_semaphore, #tpu.memory_space<semaphore_mem>>
      %dma_wait3A_126 = tpu.memref_squeeze %dma_wait3A_125 : memref<1x!tpu.dma_semaphore, #tpu.memory_space<semaphore_mem>> -> memref<!tpu.dma_semaphore, #tpu.memory_space<semaphore_mem>>
      tpu.wait_indirect_dma semaphore(%dma_wait3A_126 : memref<!tpu.dma_semaphore, #tpu.memory_space<semaphore_mem>>) src(%dma_wait3A_124 : memref<1000000x128xf32, #tpu.memory_space<hbm>>) dst(%dma_wait3A_118 : memref<100x128xf32, #tpu.memory_space<vmem>>)
      %dma_wait3A_127 = arith.constant 0 : i32
      %dma_wait3A_128 = arith.constant 1 : i32
      %dma_wait3A_129 = arith.constant 0 : i32
      %dma_wait3A_130 = arith.constant 0 : i32
      %dma_wait3A_131 = arith.constant 100 : i32
      %dma_wait3A_132 = arith.constant 0 : i32
      %dma_wait3A_133 = tpu.memref_slice %arg8[%dma_wait3A_129, %dma_wait3A_131, %dma_wait3A_132] : memref<2x200x128xf32, #tpu.memory_space<vmem>> -> memref<1x100x128xf32, #tpu.memory_space<vmem>>
      %dma_wait3A_134 = tpu.memref_squeeze %dma_wait3A_133 : memref<1x100x128xf32, #tpu.memory_space<vmem>> -> memref<100x128xf32, #tpu.memory_space<vmem>>
      %dma_wait3A_135 = arith.constant 0 : i32
      %dma_wait3A_136 = tpu.memref_slice %arg6[%dma_wait3A_127, %dma_wait3A_128, %dma_wait3A_135] : memref<32x2x100xi32, #tpu.memory_space<vmem>> -> memref<1x1x100xi32, #tpu.memory_space<vmem>>
      %dma_wait3A_137 = tpu.memref_squeeze %dma_wait3A_136 : memref<1x1x100xi32, #tpu.memory_space<vmem>> -> memref<100xi32, #tpu.memory_space<vmem>>
      %dma_wait3A_138 = arith.constant 0 : i32
      %dma_wait3A_139 = arith.constant 0 : i32
      %dma_wait3A_140 = tpu.memref_slice %arg3[%dma_wait3A_138, %dma_wait3A_139] : memref<1000000x128xf32, #tpu.memory_space<hbm>> -> memref<1000000x128xf32, #tpu.memory_space<hbm>>
      %dma_wait3A_141 = tpu.memref_slice %arg10[%dma_wait3A_130] : memref<2x!tpu.dma_semaphore, #tpu.memory_space<semaphore_mem>> -> memref<1x!tpu.dma_semaphore, #tpu.memory_space<semaphore_mem>>
      %dma_wait3A_142 = tpu.memref_squeeze %dma_wait3A_141 : memref<1x!tpu.dma_semaphore, #tpu.memory_space<semaphore_mem>> -> memref<!tpu.dma_semaphore, #tpu.memory_space<semaphore_mem>>
      tpu.wait_indirect_dma semaphore(%dma_wait3A_142 : memref<!tpu.dma_semaphore, #tpu.memory_space<semaphore_mem>>) src(%dma_wait3A_140 : memref<1000000x128xf32, #tpu.memory_space<hbm>>) dst(%dma_wait3A_134 : memref<100x128xf32, #tpu.memory_space<vmem>>)
      %ge3A = arith.constant 2 : i32
      %ge3A_143 = arith.cmpi sge, %add3A_110, %ge3A : i32
      %convert_element_type3A = arith.extui %ge3A_143 : i1 to i32
      %cond3A = arith.constant 0 : i32
      %cond3A_144 = arith.cmpi ne, %convert_element_type3A, %cond3A : i32
      scf.if %cond3A_144 {
        %dma_wait3A_253 = arith.constant 0 : i32
        %dma_wait3A_254 = arith.constant 0 : i32
        %dma_wait3A_255 = arith.constant 0 : i32
        %dma_wait3A_256 = arith.constant 0 : i32
        %dma_wait3A_257 = tpu.memref_slice %arg9[%dma_wait3A_253, %dma_wait3A_255, %dma_wait3A_256] : memref<2x200x64xf32, #tpu.memory_space<vmem>> -> memref<1x200x64xf32, #tpu.memory_space<vmem>>
        %dma_wait3A_258 = tpu.memref_squeeze %dma_wait3A_257 : memref<1x200x64xf32, #tpu.memory_space<vmem>> -> memref<200x64xf32, #tpu.memory_space<vmem>>
        %dma_wait3A_259 = arith.constant 0 : i32
        %dma_wait3A_260 = arith.constant 0 : i32
        %dma_wait3A_261 = tpu.memref_slice %arg5[%dma_wait3A_259, %dma_wait3A_260] : memref<204800x64xf32, #tpu.memory_space<hbm>> -> memref<200x64xf32, #tpu.memory_space<hbm>>
        %dma_wait3A_262 = tpu.memref_slice %arg11[%dma_wait3A_254] : memref<2x!tpu.dma_semaphore, #tpu.memory_space<semaphore_mem>> -> memref<1x!tpu.dma_semaphore, #tpu.memory_space<semaphore_mem>>
        %dma_wait3A_263 = tpu.memref_squeeze %dma_wait3A_262 : memref<1x!tpu.dma_semaphore, #tpu.memory_space<semaphore_mem>> -> memref<!tpu.dma_semaphore, #tpu.memory_space<semaphore_mem>>
        %dma_wait3A_264 = arith.constant 0 : i32
        %dma_wait3A_265 = arith.constant 0 : i32
        %dma_wait3A_266 = tpu.memref_slice %arg5[%dma_wait3A_264, %dma_wait3A_265] : memref<204800x64xf32, #tpu.memory_space<hbm>> -> memref<200x64xf32, #tpu.memory_space<hbm>>
        %dma_wait3A_267 = arith.constant 0 : i32
        %dma_wait3A_268 = arith.constant 0 : i32
        %dma_wait3A_269 = tpu.memref_slice %arg9[%dma_wait3A_253, %dma_wait3A_267, %dma_wait3A_268] : memref<2x200x64xf32, #tpu.memory_space<vmem>> -> memref<1x200x64xf32, #tpu.memory_space<vmem>>
        %dma_wait3A_270 = tpu.memref_squeeze %dma_wait3A_269 : memref<1x200x64xf32, #tpu.memory_space<vmem>> -> memref<200x64xf32, #tpu.memory_space<vmem>>
        tpu.wait_dma2 semaphore(%dma_wait3A_263 : memref<!tpu.dma_semaphore, #tpu.memory_space<semaphore_mem>>) src(%dma_wait3A_270 : memref<200x64xf32, #tpu.memory_space<vmem>>) dst(%dma_wait3A_266 : memref<200x64xf32, #tpu.memory_space<hbm>>)
      } else {
      }
      %scan3A_145 = arith.constant 0 : i32
      %scan3A_146 = arith.constant 0 : i32
      %scan3A_147 = arith.constant 25 : i32
      %scan3A_148 = arith.addi %scan3A_146, %scan3A_147 : i32
      %scan3A_149 = arith.constant 1 : i32
      scf.for %scan3A_253 = %scan3A_146 to %scan3A_148 step %scan3A_149  : i32 {
        %mul3A_254 = arith.constant 8 : i32
        %mul3A_255 = arith.muli %scan3A_253, %mul3A_254 : i32
        %add3A_256 = arith.constant 0 : i32
        %add3A_257 = arith.addi %mul3A_255, %add3A_256 : i32
        %get3A = arith.constant 0 : i32
        %get3A_258 = arith.index_cast %get3A : i32 to index
        %get3A_259 = arith.index_cast %add3A_257 : i32 to index
        %get3A_260 = arith.constant 0 : index
        %get3A_261 = tpu.vector_load %arg8[%get3A_258, %get3A_259, %get3A_260] {strides = array<i32>} : memref<2x200x128xf32, #tpu.memory_space<vmem>>, vector<1x1x16xf32>,
        %get3A_262 = vector.shape_cast %get3A_261 : vector<1x1x16xf32> to vector<16xf32>
        %get3A_263 = arith.index_cast %add3A_257 : i32 to index
        %get3A_264 = arith.constant 0 : index
        %get3A_265 = tpu.vector_load %arg7[%get3A_263, %get3A_264] {strides = array<i32>} : memref<200x64xf32, #tpu.memory_space<vmem>>, vector<1x16xf32>,
        %get3A_266 = vector.shape_cast %get3A_265 : vector<1x16xf32> to vector<16xf32>
        %add3A_267 = arith.addf %get3A_262, %get3A_266 : vector<16xf32>
        %swap3A = arith.constant 0 : i32
        %swap3A_268 = arith.index_cast %swap3A : i32 to index
        %swap3A_269 = arith.index_cast %add3A_257 : i32 to index
        %swap3A_270 = arith.constant 0 : index
        %swap3A_271 = tpu.vector_load %arg9[%swap3A_268, %swap3A_269, %swap3A_270] {strides = array<i32>} : memref<2x200x64xf32, #tpu.memory_space<vmem>>, vector<1x1x16xf32>,
        %swap3A_272 = vector.shape_cast %swap3A_271 : vector<1x1x16xf32> to vector<16xf32>
        %swap3A_273 = vector.shape_cast %add3A_267 : vector<16xf32> to vector<1x1x16xf32>
        tpu.vector_store %arg9[%swap3A_268, %swap3A_269, %swap3A_270], %swap3A_273 {strides = array<i32>} : memref<2x200x64xf32, #tpu.memory_space<vmem>>, vector<1x1x16xf32>,
        %get3A_274 = arith.constant 0 : i32
        %get3A_275 = arith.index_cast %get3A_274 : i32 to index
        %get3A_276 = arith.index_cast %add3A_257 : i32 to index
        %get3A_277 = arith.constant 16 : index
        %get3A_278 = tpu.vector_load %arg8[%get3A_275, %get3A_276, %get3A_277] {strides = array<i32>} : memref<2x200x128xf32, #tpu.memory_space<vmem>>, vector<1x1x16xf32>,
        %get3A_279 = vector.shape_cast %get3A_278 : vector<1x1x16xf32> to vector<16xf32>
        %get3A_280 = arith.index_cast %add3A_257 : i32 to index
        %get3A_281 = arith.constant 16 : index
        %get3A_282 = tpu.vector_load %arg7[%get3A_280, %get3A_281] {strides = array<i32>} : memref<200x64xf32, #tpu.memory_space<vmem>>, vector<1x16xf32>,
        %get3A_283 = vector.shape_cast %get3A_282 : vector<1x16xf32> to vector<16xf32>
        %add3A_284 = arith.addf %get3A_279, %get3A_283 : vector<16xf32>
        %swap3A_285 = arith.constant 0 : i32
        %swap3A_286 = arith.index_cast %swap3A_285 : i32 to index
        %swap3A_287 = arith.index_cast %add3A_257 : i32 to index
        %swap3A_288 = arith.constant 16 : index
        %swap3A_289 = tpu.vector_load %arg9[%swap3A_286, %swap3A_287, %swap3A_288] {strides = array<i32>} : memref<2x200x64xf32, #tpu.memory_space<vmem>>, vector<1x1x16xf32>,
        %swap3A_290 = vector.shape_cast %swap3A_289 : vector<1x1x16xf32> to vector<16xf32>
        %swap3A_291 = vector.shape_cast %add3A_284 : vector<16xf32> to vector<1x1x16xf32>
        tpu.vector_store %arg9[%swap3A_286, %swap3A_287, %swap3A_288], %swap3A_291 {strides = array<i32>} : memref<2x200x64xf32, #tpu.memory_space<vmem>>, vector<1x1x16xf32>,
        %get3A_292 = arith.constant 0 : i32
        %get3A_293 = arith.index_cast %get3A_292 : i32 to index
        %get3A_294 = arith.index_cast %add3A_257 : i32 to index
        %get3A_295 = arith.constant 32 : index
        %get3A_296 = tpu.vector_load %arg8[%get3A_293, %get3A_294, %get3A_295] {strides = array<i32>} : memref<2x200x128xf32, #tpu.memory_space<vmem>>, vector<1x1x16xf32>,
        %get3A_297 = vector.shape_cast %get3A_296 : vector<1x1x16xf32> to vector<16xf32>
        %get3A_298 = arith.index_cast %add3A_257 : i32 to index
        %get3A_299 = arith.constant 32 : index
        %get3A_300 = tpu.vector_load %arg7[%get3A_298, %get3A_299] {strides = array<i32>} : memref<200x64xf32, #tpu.memory_space<vmem>>, vector<1x16xf32>,
        %get3A_301 = vector.shape_cast %get3A_300 : vector<1x16xf32> to vector<16xf32>
        %add3A_302 = arith.addf %get3A_297, %get3A_301 : vector<16xf32>
        %swap3A_303 = arith.constant 0 : i32
        %swap3A_304 = arith.index_cast %swap3A_303 : i32 to index
        %swap3A_305 = arith.index_cast %add3A_257 : i32 to index
        %swap3A_306 = arith.constant 32 : index
        %swap3A_307 = tpu.vector_load %arg9[%swap3A_304, %swap3A_305, %swap3A_306] {strides = array<i32>} : memref<2x200x64xf32, #tpu.memory_space<vmem>>, vector<1x1x16xf32>,
        %swap3A_308 = vector.shape_cast %swap3A_307 : vector<1x1x16xf32> to vector<16xf32>
        %swap3A_309 = vector.shape_cast %add3A_302 : vector<16xf32> to vector<1x1x16xf32>
        tpu.vector_store %arg9[%swap3A_304, %swap3A_305, %swap3A_306], %swap3A_309 {strides = array<i32>} : memref<2x200x64xf32, #tpu.memory_space<vmem>>, vector<1x1x16xf32>,
        %get3A_310 = arith.constant 0 : i32
        %get3A_311 = arith.index_cast %get3A_310 : i32 to index
        %get3A_312 = arith.index_cast %add3A_257 : i32 to index
        %get3A_313 = arith.constant 48 : index
        %get3A_314 = tpu.vector_load %arg8[%get3A_311, %get3A_312, %get3A_313] {strides = array<i32>} : memref<2x200x128xf32, #tpu.memory_space<vmem>>, vector<1x1x16xf32>,
        %get3A_315 = vector.shape_cast %get3A_314 : vector<1x1x16xf32> to vector<16xf32>
        %get3A_316 = arith.index_cast %add3A_257 : i32 to index
        %get3A_317 = arith.constant 48 : index
        %get3A_318 = tpu.vector_load %arg7[%get3A_316, %get3A_317] {strides = array<i32>} : memref<200x64xf32, #tpu.memory_space<vmem>>, vector<1x16xf32>,
        %get3A_319 = vector.shape_cast %get3A_318 : vector<1x16xf32> to vector<16xf32>
        %add3A_320 = arith.addf %get3A_315, %get3A_319 : vector<16xf32>
        %swap3A_321 = arith.constant 0 : i32
        %swap3A_322 = arith.index_cast %swap3A_321 : i32 to index
        %swap3A_323 = arith.index_cast %add3A_257 : i32 to index
        %swap3A_324 = arith.constant 48 : index
        %swap3A_325 = tpu.vector_load %arg9[%swap3A_322, %swap3A_323, %swap3A_324] {strides = array<i32>} : memref<2x200x64xf32, #tpu.memory_space<vmem>>, vector<1x1x16xf32>,
        %swap3A_326 = vector.shape_cast %swap3A_325 : vector<1x1x16xf32> to vector<16xf32>
        %swap3A_327 = vector.shape_cast %add3A_320 : vector<16xf32> to vector<1x1x16xf32>
        tpu.vector_store %arg9[%swap3A_322, %swap3A_323, %swap3A_324], %swap3A_327 {strides = array<i32>} : memref<2x200x64xf32, #tpu.memory_space<vmem>>, vector<1x1x16xf32>,
        %add3A_328 = arith.constant 1 : i32
        %add3A_329 = arith.addi %mul3A_255, %add3A_328 : i32
        %get3A_330 = arith.constant 0 : i32
        %get3A_331 = arith.index_cast %get3A_330 : i32 to index
        %get3A_332 = arith.index_cast %add3A_329 : i32 to index
        %get3A_333 = arith.constant 0 : index
        %get3A_334 = tpu.vector_load %arg8[%get3A_331, %get3A_332, %get3A_333] {strides = array<i32>} : memref<2x200x128xf32, #tpu.memory_space<vmem>>, vector<1x1x16xf32>,
        %get3A_335 = vector.shape_cast %get3A_334 : vector<1x1x16xf32> to vector<16xf32>
        %get3A_336 = arith.index_cast %add3A_329 : i32 to index
        %get3A_337 = arith.constant 0 : index
        %get3A_338 = tpu.vector_load %arg7[%get3A_336, %get3A_337] {strides = array<i32>} : memref<200x64xf32, #tpu.memory_space<vmem>>, vector<1x16xf32>,
        %get3A_339 = vector.shape_cast %get3A_338 : vector<1x16xf32> to vector<16xf32>
        %add3A_340 = arith.addf %get3A_335, %get3A_339 : vector<16xf32>
        %swap3A_341 = arith.constant 0 : i32
        %swap3A_342 = arith.index_cast %swap3A_341 : i32 to index
        %swap3A_343 = arith.index_cast %add3A_329 : i32 to index
        %swap3A_344 = arith.constant 0 : index
        %swap3A_345 = tpu.vector_load %arg9[%swap3A_342, %swap3A_343, %swap3A_344] {strides = array<i32>} : memref<2x200x64xf32, #tpu.memory_space<vmem>>, vector<1x1x16xf32>,
        %swap3A_346 = vector.shape_cast %swap3A_345 : vector<1x1x16xf32> to vector<16xf32>
        %swap3A_347 = vector.shape_cast %add3A_340 : vector<16xf32> to vector<1x1x16xf32>
        tpu.vector_store %arg9[%swap3A_342, %swap3A_343, %swap3A_344], %swap3A_347 {strides = array<i32>} : memref<2x200x64xf32, #tpu.memory_space<vmem>>, vector<1x1x16xf32>,
        %get3A_348 = arith.constant 0 : i32
        %get3A_349 = arith.index_cast %get3A_348 : i32 to index
        %get3A_350 = arith.index_cast %add3A_329 : i32 to index
        %get3A_351 = arith.constant 16 : index
        %get3A_352 = tpu.vector_load %arg8[%get3A_349, %get3A_350, %get3A_351] {strides = array<i32>} : memref<2x200x128xf32, #tpu.memory_space<vmem>>, vector<1x1x16xf32>,
        %get3A_353 = vector.shape_cast %get3A_352 : vector<1x1x16xf32> to vector<16xf32>
        %get3A_354 = arith.index_cast %add3A_329 : i32 to index
        %get3A_355 = arith.constant 16 : index
        %get3A_356 = tpu.vector_load %arg7[%get3A_354, %get3A_355] {strides = array<i32>} : memref<200x64xf32, #tpu.memory_space<vmem>>, vector<1x16xf32>,
        %get3A_357 = vector.shape_cast %get3A_356 : vector<1x16xf32> to vector<16xf32>
        %add3A_358 = arith.addf %get3A_353, %get3A_357 : vector<16xf32>
        %swap3A_359 = arith.constant 0 : i32
        %swap3A_360 = arith.index_cast %swap3A_359 : i32 to index
        %swap3A_361 = arith.index_cast %add3A_329 : i32 to index
        %swap3A_362 = arith.constant 16 : index
        %swap3A_363 = tpu.vector_load %arg9[%swap3A_360, %swap3A_361, %swap3A_362] {strides = array<i32>} : memref<2x200x64xf32, #tpu.memory_space<vmem>>, vector<1x1x16xf32>,
        %swap3A_364 = vector.shape_cast %swap3A_363 : vector<1x1x16xf32> to vector<16xf32>
        %swap3A_365 = vector.shape_cast %add3A_358 : vector<16xf32> to vector<1x1x16xf32>
        tpu.vector_store %arg9[%swap3A_360, %swap3A_361, %swap3A_362], %swap3A_365 {strides = array<i32>} : memref<2x200x64xf32, #tpu.memory_space<vmem>>, vector<1x1x16xf32>,
        %get3A_366 = arith.constant 0 : i32
        %get3A_367 = arith.index_cast %get3A_366 : i32 to index
        %get3A_368 = arith.index_cast %add3A_329 : i32 to index
        %get3A_369 = arith.constant 32 : index
        %get3A_370 = tpu.vector_load %arg8[%get3A_367, %get3A_368, %get3A_369] {strides = array<i32>} : memref<2x200x128xf32, #tpu.memory_space<vmem>>, vector<1x1x16xf32>,
        %get3A_371 = vector.shape_cast %get3A_370 : vector<1x1x16xf32> to vector<16xf32>
        %get3A_372 = arith.index_cast %add3A_329 : i32 to index
        %get3A_373 = arith.constant 32 : index
        %get3A_374 = tpu.vector_load %arg7[%get3A_372, %get3A_373] {strides = array<i32>} : memref<200x64xf32, #tpu.memory_space<vmem>>, vector<1x16xf32>,
        %get3A_375 = vector.shape_cast %get3A_374 : vector<1x16xf32> to vector<16xf32>
        %add3A_376 = arith.addf %get3A_371, %get3A_375 : vector<16xf32>
        %swap3A_377 = arith.constant 0 : i32
        %swap3A_378 = arith.index_cast %swap3A_377 : i32 to index
        %swap3A_379 = arith.index_cast %add3A_329 : i32 to index
        %swap3A_380 = arith.constant 32 : index
        %swap3A_381 = tpu.vector_load %arg9[%swap3A_378, %swap3A_379, %swap3A_380] {strides = array<i32>} : memref<2x200x64xf32, #tpu.memory_space<vmem>>, vector<1x1x16xf32>,
        %swap3A_382 = vector.shape_cast %swap3A_381 : vector<1x1x16xf32> to vector<16xf32>
        %swap3A_383 = vector.shape_cast %add3A_376 : vector<16xf32> to vector<1x1x16xf32>
        tpu.vector_store %arg9[%swap3A_378, %swap3A_379, %swap3A_380], %swap3A_383 {strides = array<i32>} : memref<2x200x64xf32, #tpu.memory_space<vmem>>, vector<1x1x16xf32>,
        %get3A_384 = arith.constant 0 : i32
        %get3A_385 = arith.index_cast %get3A_384 : i32 to index
        %get3A_386 = arith.index_cast %add3A_329 : i32 to index
        %get3A_387 = arith.constant 48 : index
        %get3A_388 = tpu.vector_load %arg8[%get3A_385, %get3A_386, %get3A_387] {strides = array<i32>} : memref<2x200x128xf32, #tpu.memory_space<vmem>>, vector<1x1x16xf32>,
        %get3A_389 = vector.shape_cast %get3A_388 : vector<1x1x16xf32> to vector<16xf32>
        %get3A_390 = arith.index_cast %add3A_329 : i32 to index
        %get3A_391 = arith.constant 48 : index
        %get3A_392 = tpu.vector_load %arg7[%get3A_390, %get3A_391] {strides = array<i32>} : memref<200x64xf32, #tpu.memory_space<vmem>>, vector<1x16xf32>,
        %get3A_393 = vector.shape_cast %get3A_392 : vector<1x16xf32> to vector<16xf32>
        %add3A_394 = arith.addf %get3A_389, %get3A_393 : vector<16xf32>
        %swap3A_395 = arith.constant 0 : i32
        %swap3A_396 = arith.index_cast %swap3A_395 : i32 to index
        %swap3A_397 = arith.index_cast %add3A_329 : i32 to index
        %swap3A_398 = arith.constant 48 : index
        %swap3A_399 = tpu.vector_load %arg9[%swap3A_396, %swap3A_397, %swap3A_398] {strides = array<i32>} : memref<2x200x64xf32, #tpu.memory_space<vmem>>, vector<1x1x16xf32>,
        %swap3A_400 = vector.shape_cast %swap3A_399 : vector<1x1x16xf32> to vector<16xf32>
        %swap3A_401 = vector.shape_cast %add3A_394 : vector<16xf32> to vector<1x1x16xf32>
        tpu.vector_store %arg9[%swap3A_396, %swap3A_397, %swap3A_398], %swap3A_401 {strides = array<i32>} : memref<2x200x64xf32, #tpu.memory_space<vmem>>, vector<1x1x16xf32>,
        %add3A_402 = arith.constant 2 : i32
        %add3A_403 = arith.addi %mul3A_255, %add3A_402 : i32
        %get3A_404 = arith.constant 0 : i32
        %get3A_405 = arith.index_cast %get3A_404 : i32 to index
        %get3A_406 = arith.index_cast %add3A_403 : i32 to index
        %get3A_407 = arith.constant 0 : index
        %get3A_408 = tpu.vector_load %arg8[%get3A_405, %get3A_406, %get3A_407] {strides = array<i32>} : memref<2x200x128xf32, #tpu.memory_space<vmem>>, vector<1x1x16xf32>,
        %get3A_409 = vector.shape_cast %get3A_408 : vector<1x1x16xf32> to vector<16xf32>
        %get3A_410 = arith.index_cast %add3A_403 : i32 to index
        %get3A_411 = arith.constant 0 : index
        %get3A_412 = tpu.vector_load %arg7[%get3A_410, %get3A_411] {strides = array<i32>} : memref<200x64xf32, #tpu.memory_space<vmem>>, vector<1x16xf32>,
        %get3A_413 = vector.shape_cast %get3A_412 : vector<1x16xf32> to vector<16xf32>
        %add3A_414 = arith.addf %get3A_409, %get3A_413 : vector<16xf32>
        %swap3A_415 = arith.constant 0 : i32
        %swap3A_416 = arith.index_cast %swap3A_415 : i32 to index
        %swap3A_417 = arith.index_cast %add3A_403 : i32 to index
        %swap3A_418 = arith.constant 0 : index
        %swap3A_419 = tpu.vector_load %arg9[%swap3A_416, %swap3A_417, %swap3A_418] {strides = array<i32>} : memref<2x200x64xf32, #tpu.memory_space<vmem>>, vector<1x1x16xf32>,
        %swap3A_420 = vector.shape_cast %swap3A_419 : vector<1x1x16xf32> to vector<16xf32>
        %swap3A_421 = vector.shape_cast %add3A_414 : vector<16xf32> to vector<1x1x16xf32>
        tpu.vector_store %arg9[%swap3A_416, %swap3A_417, %swap3A_418], %swap3A_421 {strides = array<i32>} : memref<2x200x64xf32, #tpu.memory_space<vmem>>, vector<1x1x16xf32>,
        %get3A_422 = arith.constant 0 : i32
        %get3A_423 = arith.index_cast %get3A_422 : i32 to index
        %get3A_424 = arith.index_cast %add3A_403 : i32 to index
        %get3A_425 = arith.constant 16 : index
        %get3A_426 = tpu.vector_load %arg8[%get3A_423, %get3A_424, %get3A_425] {strides = array<i32>} : memref<2x200x128xf32, #tpu.memory_space<vmem>>, vector<1x1x16xf32>,
        %get3A_427 = vector.shape_cast %get3A_426 : vector<1x1x16xf32> to vector<16xf32>
        %get3A_428 = arith.index_cast %add3A_403 : i32 to index
        %get3A_429 = arith.constant 16 : index
        %get3A_430 = tpu.vector_load %arg7[%get3A_428, %get3A_429] {strides = array<i32>} : memref<200x64xf32, #tpu.memory_space<vmem>>, vector<1x16xf32>,
        %get3A_431 = vector.shape_cast %get3A_430 : vector<1x16xf32> to vector<16xf32>
        %add3A_432 = arith.addf %get3A_427, %get3A_431 : vector<16xf32>
        %swap3A_433 = arith.constant 0 : i32
        %swap3A_434 = arith.index_cast %swap3A_433 : i32 to index
        %swap3A_435 = arith.index_cast %add3A_403 : i32 to index
        %swap3A_436 = arith.constant 16 : index
        %swap3A_437 = tpu.vector_load %arg9[%swap3A_434, %swap3A_435, %swap3A_436] {strides = array<i32>} : memref<2x200x64xf32, #tpu.memory_space<vmem>>, vector<1x1x16xf32>,
        %swap3A_438 = vector.shape_cast %swap3A_437 : vector<1x1x16xf32> to vector<16xf32>
        %swap3A_439 = vector.shape_cast %add3A_432 : vector<16xf32> to vector<1x1x16xf32>
        tpu.vector_store %arg9[%swap3A_434, %swap3A_435, %swap3A_436], %swap3A_439 {strides = array<i32>} : memref<2x200x64xf32, #tpu.memory_space<vmem>>, vector<1x1x16xf32>,
        %get3A_440 = arith.constant 0 : i32
        %get3A_441 = arith.index_cast %get3A_440 : i32 to index
        %get3A_442 = arith.index_cast %add3A_403 : i32 to index
        %get3A_443 = arith.constant 32 : index
        %get3A_444 = tpu.vector_load %arg8[%get3A_441, %get3A_442, %get3A_443] {strides = array<i32>} : memref<2x200x128xf32, #tpu.memory_space<vmem>>, vector<1x1x16xf32>,
        %get3A_445 = vector.shape_cast %get3A_444 : vector<1x1x16xf32> to vector<16xf32>
        %get3A_446 = arith.index_cast %add3A_403 : i32 to index
        %get3A_447 = arith.constant 32 : index
        %get3A_448 = tpu.vector_load %arg7[%get3A_446, %get3A_447] {strides = array<i32>} : memref<200x64xf32, #tpu.memory_space<vmem>>, vector<1x16xf32>,
        %get3A_449 = vector.shape_cast %get3A_448 : vector<1x16xf32> to vector<16xf32>
        %add3A_450 = arith.addf %get3A_445, %get3A_449 : vector<16xf32>
        %swap3A_451 = arith.constant 0 : i32
        %swap3A_452 = arith.index_cast %swap3A_451 : i32 to index
        %swap3A_453 = arith.index_cast %add3A_403 : i32 to index
        %swap3A_454 = arith.constant 32 : index
        %swap3A_455 = tpu.vector_load %arg9[%swap3A_452, %swap3A_453, %swap3A_454] {strides = array<i32>} : memref<2x200x64xf32, #tpu.memory_space<vmem>>, vector<1x1x16xf32>,
        %swap3A_456 = vector.shape_cast %swap3A_455 : vector<1x1x16xf32> to vector<16xf32>
        %swap3A_457 = vector.shape_cast %add3A_450 : vector<16xf32> to vector<1x1x16xf32>
        tpu.vector_store %arg9[%swap3A_452, %swap3A_453, %swap3A_454], %swap3A_457 {strides = array<i32>} : memref<2x200x64xf32, #tpu.memory_space<vmem>>, vector<1x1x16xf32>,
        %get3A_458 = arith.constant 0 : i32
        %get3A_459 = arith.index_cast %get3A_458 : i32 to index
        %get3A_460 = arith.index_cast %add3A_403 : i32 to index
        %get3A_461 = arith.constant 48 : index
        %get3A_462 = tpu.vector_load %arg8[%get3A_459, %get3A_460, %get3A_461] {strides = array<i32>} : memref<2x200x128xf32, #tpu.memory_space<vmem>>, vector<1x1x16xf32>,
        %get3A_463 = vector.shape_cast %get3A_462 : vector<1x1x16xf32> to vector<16xf32>
        %get3A_464 = arith.index_cast %add3A_403 : i32 to index
        %get3A_465 = arith.constant 48 : index
        %get3A_466 = tpu.vector_load %arg7[%get3A_464, %get3A_465] {strides = array<i32>} : memref<200x64xf32, #tpu.memory_space<vmem>>, vector<1x16xf32>,
        %get3A_467 = vector.shape_cast %get3A_466 : vector<1x16xf32> to vector<16xf32>
        %add3A_468 = arith.addf %get3A_463, %get3A_467 : vector<16xf32>
        %swap3A_469 = arith.constant 0 : i32
        %swap3A_470 = arith.index_cast %swap3A_469 : i32 to index
        %swap3A_471 = arith.index_cast %add3A_403 : i32 to index
        %swap3A_472 = arith.constant 48 : index
        %swap3A_473 = tpu.vector_load %arg9[%swap3A_470, %swap3A_471, %swap3A_472] {strides = array<i32>} : memref<2x200x64xf32, #tpu.memory_space<vmem>>, vector<1x1x16xf32>,
        %swap3A_474 = vector.shape_cast %swap3A_473 : vector<1x1x16xf32> to vector<16xf32>
        %swap3A_475 = vector.shape_cast %add3A_468 : vector<16xf32> to vector<1x1x16xf32>
        tpu.vector_store %arg9[%swap3A_470, %swap3A_471, %swap3A_472], %swap3A_475 {strides = array<i32>} : memref<2x200x64xf32, #tpu.memory_space<vmem>>, vector<1x1x16xf32>,
        %add3A_476 = arith.constant 3 : i32
        %add3A_477 = arith.addi %mul3A_255, %add3A_476 : i32
        %get3A_478 = arith.constant 0 : i32
        %get3A_479 = arith.index_cast %get3A_478 : i32 to index
        %get3A_480 = arith.index_cast %add3A_477 : i32 to index
        %get3A_481 = arith.constant 0 : index
        %get3A_482 = tpu.vector_load %arg8[%get3A_479, %get3A_480, %get3A_481] {strides = array<i32>} : memref<2x200x128xf32, #tpu.memory_space<vmem>>, vector<1x1x16xf32>,
        %get3A_483 = vector.shape_cast %get3A_482 : vector<1x1x16xf32> to vector<16xf32>
        %get3A_484 = arith.index_cast %add3A_477 : i32 to index
        %get3A_485 = arith.constant 0 : index
        %get3A_486 = tpu.vector_load %arg7[%get3A_484, %get3A_485] {strides = array<i32>} : memref<200x64xf32, #tpu.memory_space<vmem>>, vector<1x16xf32>,
        %get3A_487 = vector.shape_cast %get3A_486 : vector<1x16xf32> to vector<16xf32>
        %add3A_488 = arith.addf %get3A_483, %get3A_487 : vector<16xf32>
        %swap3A_489 = arith.constant 0 : i32
        %swap3A_490 = arith.index_cast %swap3A_489 : i32 to index
        %swap3A_491 = arith.index_cast %add3A_477 : i32 to index
        %swap3A_492 = arith.constant 0 : index
        %swap3A_493 = tpu.vector_load %arg9[%swap3A_490, %swap3A_491, %swap3A_492] {strides = array<i32>} : memref<2x200x64xf32, #tpu.memory_space<vmem>>, vector<1x1x16xf32>,
        %swap3A_494 = vector.shape_cast %swap3A_493 : vector<1x1x16xf32> to vector<16xf32>
        %swap3A_495 = vector.shape_cast %add3A_488 : vector<16xf32> to vector<1x1x16xf32>
        tpu.vector_store %arg9[%swap3A_490, %swap3A_491, %swap3A_492], %swap3A_495 {strides = array<i32>} : memref<2x200x64xf32, #tpu.memory_space<vmem>>, vector<1x1x16xf32>,
        %get3A_496 = arith.constant 0 : i32
        %get3A_497 = arith.index_cast %get3A_496 : i32 to index
        %get3A_498 = arith.index_cast %add3A_477 : i32 to index
        %get3A_499 = arith.constant 16 : index
        %get3A_500 = tpu.vector_load %arg8[%get3A_497, %get3A_498, %get3A_499] {strides = array<i32>} : memref<2x200x128xf32, #tpu.memory_space<vmem>>, vector<1x1x16xf32>,
        %get3A_501 = vector.shape_cast %get3A_500 : vector<1x1x16xf32> to vector<16xf32>
        %get3A_502 = arith.index_cast %add3A_477 : i32 to index
        %get3A_503 = arith.constant 16 : index
        %get3A_504 = tpu.vector_load %arg7[%get3A_502, %get3A_503] {strides = array<i32>} : memref<200x64xf32, #tpu.memory_space<vmem>>, vector<1x16xf32>,
        %get3A_505 = vector.shape_cast %get3A_504 : vector<1x16xf32> to vector<16xf32>
        %add3A_506 = arith.addf %get3A_501, %get3A_505 : vector<16xf32>
        %swap3A_507 = arith.constant 0 : i32
        %swap3A_508 = arith.index_cast %swap3A_507 : i32 to index
        %swap3A_509 = arith.index_cast %add3A_477 : i32 to index
        %swap3A_510 = arith.constant 16 : index
        %swap3A_511 = tpu.vector_load %arg9[%swap3A_508, %swap3A_509, %swap3A_510] {strides = array<i32>} : memref<2x200x64xf32, #tpu.memory_space<vmem>>, vector<1x1x16xf32>,
        %swap3A_512 = vector.shape_cast %swap3A_511 : vector<1x1x16xf32> to vector<16xf32>
        %swap3A_513 = vector.shape_cast %add3A_506 : vector<16xf32> to vector<1x1x16xf32>
        tpu.vector_store %arg9[%swap3A_508, %swap3A_509, %swap3A_510], %swap3A_513 {strides = array<i32>} : memref<2x200x64xf32, #tpu.memory_space<vmem>>, vector<1x1x16xf32>,
        %get3A_514 = arith.constant 0 : i32
        %get3A_515 = arith.index_cast %get3A_514 : i32 to index
        %get3A_516 = arith.index_cast %add3A_477 : i32 to index
        %get3A_517 = arith.constant 32 : index
        %get3A_518 = tpu.vector_load %arg8[%get3A_515, %get3A_516, %get3A_517] {strides = array<i32>} : memref<2x200x128xf32, #tpu.memory_space<vmem>>, vector<1x1x16xf32>,
        %get3A_519 = vector.shape_cast %get3A_518 : vector<1x1x16xf32> to vector<16xf32>
        %get3A_520 = arith.index_cast %add3A_477 : i32 to index
        %get3A_521 = arith.constant 32 : index
        %get3A_522 = tpu.vector_load %arg7[%get3A_520, %get3A_521] {strides = array<i32>} : memref<200x64xf32, #tpu.memory_space<vmem>>, vector<1x16xf32>,
        %get3A_523 = vector.shape_cast %get3A_522 : vector<1x16xf32> to vector<16xf32>
        %add3A_524 = arith.addf %get3A_519, %get3A_523 : vector<16xf32>
        %swap3A_525 = arith.constant 0 : i32
        %swap3A_526 = arith.index_cast %swap3A_525 : i32 to index
        %swap3A_527 = arith.index_cast %add3A_477 : i32 to index
        %swap3A_528 = arith.constant 32 : index
        %swap3A_529 = tpu.vector_load %arg9[%swap3A_526, %swap3A_527, %swap3A_528] {strides = array<i32>} : memref<2x200x64xf32, #tpu.memory_space<vmem>>, vector<1x1x16xf32>,
        %swap3A_530 = vector.shape_cast %swap3A_529 : vector<1x1x16xf32> to vector<16xf32>
        %swap3A_531 = vector.shape_cast %add3A_524 : vector<16xf32> to vector<1x1x16xf32>
        tpu.vector_store %arg9[%swap3A_526, %swap3A_527, %swap3A_528], %swap3A_531 {strides = array<i32>} : memref<2x200x64xf32, #tpu.memory_space<vmem>>, vector<1x1x16xf32>,
        %get3A_532 = arith.constant 0 : i32
        %get3A_533 = arith.index_cast %get3A_532 : i32 to index
        %get3A_534 = arith.index_cast %add3A_477 : i32 to index
        %get3A_535 = arith.constant 48 : index
        %get3A_536 = tpu.vector_load %arg8[%get3A_533, %get3A_534, %get3A_535] {strides = array<i32>} : memref<2x200x128xf32, #tpu.memory_space<vmem>>, vector<1x1x16xf32>,
        %get3A_537 = vector.shape_cast %get3A_536 : vector<1x1x16xf32> to vector<16xf32>
        %get3A_538 = arith.index_cast %add3A_477 : i32 to index
        %get3A_539 = arith.constant 48 : index
        %get3A_540 = tpu.vector_load %arg7[%get3A_538, %get3A_539] {strides = array<i32>} : memref<200x64xf32, #tpu.memory_space<vmem>>, vector<1x16xf32>,
        %get3A_541 = vector.shape_cast %get3A_540 : vector<1x16xf32> to vector<16xf32>
        %add3A_542 = arith.addf %get3A_537, %get3A_541 : vector<16xf32>
        %swap3A_543 = arith.constant 0 : i32
        %swap3A_544 = arith.index_cast %swap3A_543 : i32 to index
        %swap3A_545 = arith.index_cast %add3A_477 : i32 to index
        %swap3A_546 = arith.constant 48 : index
        %swap3A_547 = tpu.vector_load %arg9[%swap3A_544, %swap3A_545, %swap3A_546] {strides = array<i32>} : memref<2x200x64xf32, #tpu.memory_space<vmem>>, vector<1x1x16xf32>,
        %swap3A_548 = vector.shape_cast %swap3A_547 : vector<1x1x16xf32> to vector<16xf32>
        %swap3A_549 = vector.shape_cast %add3A_542 : vector<16xf32> to vector<1x1x16xf32>
        tpu.vector_store %arg9[%swap3A_544, %swap3A_545, %swap3A_546], %swap3A_549 {strides = array<i32>} : memref<2x200x64xf32, #tpu.memory_space<vmem>>, vector<1x1x16xf32>,
        %add3A_550 = arith.constant 4 : i32
        %add3A_551 = arith.addi %mul3A_255, %add3A_550 : i32
        %get3A_552 = arith.constant 0 : i32
        %get3A_553 = arith.index_cast %get3A_552 : i32 to index
        %get3A_554 = arith.index_cast %add3A_551 : i32 to index
        %get3A_555 = arith.constant 0 : index
        %get3A_556 = tpu.vector_load %arg8[%get3A_553, %get3A_554, %get3A_555] {strides = array<i32>} : memref<2x200x128xf32, #tpu.memory_space<vmem>>, vector<1x1x16xf32>,
        %get3A_557 = vector.shape_cast %get3A_556 : vector<1x1x16xf32> to vector<16xf32>
        %get3A_558 = arith.index_cast %add3A_551 : i32 to index
        %get3A_559 = arith.constant 0 : index
        %get3A_560 = tpu.vector_load %arg7[%get3A_558, %get3A_559] {strides = array<i32>} : memref<200x64xf32, #tpu.memory_space<vmem>>, vector<1x16xf32>,
        %get3A_561 = vector.shape_cast %get3A_560 : vector<1x16xf32> to vector<16xf32>
        %add3A_562 = arith.addf %get3A_557, %get3A_561 : vector<16xf32>
        %swap3A_563 = arith.constant 0 : i32
        %swap3A_564 = arith.index_cast %swap3A_563 : i32 to index
        %swap3A_565 = arith.index_cast %add3A_551 : i32 to index
        %swap3A_566 = arith.constant 0 : index
        %swap3A_567 = tpu.vector_load %arg9[%swap3A_564, %swap3A_565, %swap3A_566] {strides = array<i32>} : memref<2x200x64xf32, #tpu.memory_space<vmem>>, vector<1x1x16xf32>,
        %swap3A_568 = vector.shape_cast %swap3A_567 : vector<1x1x16xf32> to vector<16xf32>
        %swap3A_569 = vector.shape_cast %add3A_562 : vector<16xf32> to vector<1x1x16xf32>
        tpu.vector_store %arg9[%swap3A_564, %swap3A_565, %swap3A_566], %swap3A_569 {strides = array<i32>} : memref<2x200x64xf32, #tpu.memory_space<vmem>>, vector<1x1x16xf32>,
        %get3A_570 = arith.constant 0 : i32
        %get3A_571 = arith.index_cast %get3A_570 : i32 to index
        %get3A_572 = arith.index_cast %add3A_551 : i32 to index
        %get3A_573 = arith.constant 16 : index
        %get3A_574 = tpu.vector_load %arg8[%get3A_571, %get3A_572, %get3A_573] {strides = array<i32>} : memref<2x200x128xf32, #tpu.memory_space<vmem>>, vector<1x1x16xf32>,
        %get3A_575 = vector.shape_cast %get3A_574 : vector<1x1x16xf32> to vector<16xf32>
        %get3A_576 = arith.index_cast %add3A_551 : i32 to index
        %get3A_577 = arith.constant 16 : index
        %get3A_578 = tpu.vector_load %arg7[%get3A_576, %get3A_577] {strides = array<i32>} : memref<200x64xf32, #tpu.memory_space<vmem>>, vector<1x16xf32>,
        %get3A_579 = vector.shape_cast %get3A_578 : vector<1x16xf32> to vector<16xf32>
        %add3A_580 = arith.addf %get3A_575, %get3A_579 : vector<16xf32>
        %swap3A_581 = arith.constant 0 : i32
        %swap3A_582 = arith.index_cast %swap3A_581 : i32 to index
        %swap3A_583 = arith.index_cast %add3A_551 : i32 to index
        %swap3A_584 = arith.constant 16 : index
        %swap3A_585 = tpu.vector_load %arg9[%swap3A_582, %swap3A_583, %swap3A_584] {strides = array<i32>} : memref<2x200x64xf32, #tpu.memory_space<vmem>>, vector<1x1x16xf32>,
        %swap3A_586 = vector.shape_cast %swap3A_585 : vector<1x1x16xf32> to vector<16xf32>
        %swap3A_587 = vector.shape_cast %add3A_580 : vector<16xf32> to vector<1x1x16xf32>
        tpu.vector_store %arg9[%swap3A_582, %swap3A_583, %swap3A_584], %swap3A_587 {strides = array<i32>} : memref<2x200x64xf32, #tpu.memory_space<vmem>>, vector<1x1x16xf32>,
        %get3A_588 = arith.constant 0 : i32
        %get3A_589 = arith.index_cast %get3A_588 : i32 to index
        %get3A_590 = arith.index_cast %add3A_551 : i32 to index
        %get3A_591 = arith.constant 32 : index
        %get3A_592 = tpu.vector_load %arg8[%get3A_589, %get3A_590, %get3A_591] {strides = array<i32>} : memref<2x200x128xf32, #tpu.memory_space<vmem>>, vector<1x1x16xf32>,
        %get3A_593 = vector.shape_cast %get3A_592 : vector<1x1x16xf32> to vector<16xf32>
        %get3A_594 = arith.index_cast %add3A_551 : i32 to index
        %get3A_595 = arith.constant 32 : index
        %get3A_596 = tpu.vector_load %arg7[%get3A_594, %get3A_595] {strides = array<i32>} : memref<200x64xf32, #tpu.memory_space<vmem>>, vector<1x16xf32>,
        %get3A_597 = vector.shape_cast %get3A_596 : vector<1x16xf32> to vector<16xf32>
        %add3A_598 = arith.addf %get3A_593, %get3A_597 : vector<16xf32>
        %swap3A_599 = arith.constant 0 : i32
        %swap3A_600 = arith.index_cast %swap3A_599 : i32 to index
        %swap3A_601 = arith.index_cast %add3A_551 : i32 to index
        %swap3A_602 = arith.constant 32 : index
        %swap3A_603 = tpu.vector_load %arg9[%swap3A_600, %swap3A_601, %swap3A_602] {strides = array<i32>} : memref<2x200x64xf32, #tpu.memory_space<vmem>>, vector<1x1x16xf32>,
        %swap3A_604 = vector.shape_cast %swap3A_603 : vector<1x1x16xf32> to vector<16xf32>
        %swap3A_605 = vector.shape_cast %add3A_598 : vector<16xf32> to vector<1x1x16xf32>
        tpu.vector_store %arg9[%swap3A_600, %swap3A_601, %swap3A_602], %swap3A_605 {strides = array<i32>} : memref<2x200x64xf32, #tpu.memory_space<vmem>>, vector<1x1x16xf32>,
        %get3A_606 = arith.constant 0 : i32
        %get3A_607 = arith.index_cast %get3A_606 : i32 to index
        %get3A_608 = arith.index_cast %add3A_551 : i32 to index
        %get3A_609 = arith.constant 48 : index
        %get3A_610 = tpu.vector_load %arg8[%get3A_607, %get3A_608, %get3A_609] {strides = array<i32>} : memref<2x200x128xf32, #tpu.memory_space<vmem>>, vector<1x1x16xf32>,
        %get3A_611 = vector.shape_cast %get3A_610 : vector<1x1x16xf32> to vector<16xf32>
        %get3A_612 = arith.index_cast %add3A_551 : i32 to index
        %get3A_613 = arith.constant 48 : index
        %get3A_614 = tpu.vector_load %arg7[%get3A_612, %get3A_613] {strides = array<i32>} : memref<200x64xf32, #tpu.memory_space<vmem>>, vector<1x16xf32>,
        %get3A_615 = vector.shape_cast %get3A_614 : vector<1x16xf32> to vector<16xf32>
        %add3A_616 = arith.addf %get3A_611, %get3A_615 : vector<16xf32>
        %swap3A_617 = arith.constant 0 : i32
        %swap3A_618 = arith.index_cast %swap3A_617 : i32 to index
        %swap3A_619 = arith.index_cast %add3A_551 : i32 to index
        %swap3A_620 = arith.constant 48 : index
        %swap3A_621 = tpu.vector_load %arg9[%swap3A_618, %swap3A_619, %swap3A_620] {strides = array<i32>} : memref<2x200x64xf32, #tpu.memory_space<vmem>>, vector<1x1x16xf32>,
        %swap3A_622 = vector.shape_cast %swap3A_621 : vector<1x1x16xf32> to vector<16xf32>
        %swap3A_623 = vector.shape_cast %add3A_616 : vector<16xf32> to vector<1x1x16xf32>
        tpu.vector_store %arg9[%swap3A_618, %swap3A_619, %swap3A_620], %swap3A_623 {strides = array<i32>} : memref<2x200x64xf32, #tpu.memory_space<vmem>>, vector<1x1x16xf32>,
        %add3A_624 = arith.constant 5 : i32
        %add3A_625 = arith.addi %mul3A_255, %add3A_624 : i32
        %get3A_626 = arith.constant 0 : i32
        %get3A_627 = arith.index_cast %get3A_626 : i32 to index
        %get3A_628 = arith.index_cast %add3A_625 : i32 to index
        %get3A_629 = arith.constant 0 : index
        %get3A_630 = tpu.vector_load %arg8[%get3A_627, %get3A_628, %get3A_629] {strides = array<i32>} : memref<2x200x128xf32, #tpu.memory_space<vmem>>, vector<1x1x16xf32>,
        %get3A_631 = vector.shape_cast %get3A_630 : vector<1x1x16xf32> to vector<16xf32>
        %get3A_632 = arith.index_cast %add3A_625 : i32 to index
        %get3A_633 = arith.constant 0 : index
        %get3A_634 = tpu.vector_load %arg7[%get3A_632, %get3A_633] {strides = array<i32>} : memref<200x64xf32, #tpu.memory_space<vmem>>, vector<1x16xf32>,
        %get3A_635 = vector.shape_cast %get3A_634 : vector<1x16xf32> to vector<16xf32>
        %add3A_636 = arith.addf %get3A_631, %get3A_635 : vector<16xf32>
        %swap3A_637 = arith.constant 0 : i32
        %swap3A_638 = arith.index_cast %swap3A_637 : i32 to index
        %swap3A_639 = arith.index_cast %add3A_625 : i32 to index
        %swap3A_640 = arith.constant 0 : index
        %swap3A_641 = tpu.vector_load %arg9[%swap3A_638, %swap3A_639, %swap3A_640] {strides = array<i32>} : memref<2x200x64xf32, #tpu.memory_space<vmem>>, vector<1x1x16xf32>,
        %swap3A_642 = vector.shape_cast %swap3A_641 : vector<1x1x16xf32> to vector<16xf32>
        %swap3A_643 = vector.shape_cast %add3A_636 : vector<16xf32> to vector<1x1x16xf32>
        tpu.vector_store %arg9[%swap3A_638, %swap3A_639, %swap3A_640], %swap3A_643 {strides = array<i32>} : memref<2x200x64xf32, #tpu.memory_space<vmem>>, vector<1x1x16xf32>,
        %get3A_644 = arith.constant 0 : i32
        %get3A_645 = arith.index_cast %get3A_644 : i32 to index
        %get3A_646 = arith.index_cast %add3A_625 : i32 to index
        %get3A_647 = arith.constant 16 : index
        %get3A_648 = tpu.vector_load %arg8[%get3A_645, %get3A_646, %get3A_647] {strides = array<i32>} : memref<2x200x128xf32, #tpu.memory_space<vmem>>, vector<1x1x16xf32>,
        %get3A_649 = vector.shape_cast %get3A_648 : vector<1x1x16xf32> to vector<16xf32>
        %get3A_650 = arith.index_cast %add3A_625 : i32 to index
        %get3A_651 = arith.constant 16 : index
        %get3A_652 = tpu.vector_load %arg7[%get3A_650, %get3A_651] {strides = array<i32>} : memref<200x64xf32, #tpu.memory_space<vmem>>, vector<1x16xf32>,
        %get3A_653 = vector.shape_cast %get3A_652 : vector<1x16xf32> to vector<16xf32>
        %add3A_654 = arith.addf %get3A_649, %get3A_653 : vector<16xf32>
        %swap3A_655 = arith.constant 0 : i32
        %swap3A_656 = arith.index_cast %swap3A_655 : i32 to index
        %swap3A_657 = arith.index_cast %add3A_625 : i32 to index
        %swap3A_658 = arith.constant 16 : index
        %swap3A_659 = tpu.vector_load %arg9[%swap3A_656, %swap3A_657, %swap3A_658] {strides = array<i32>} : memref<2x200x64xf32, #tpu.memory_space<vmem>>, vector<1x1x16xf32>,
        %swap3A_660 = vector.shape_cast %swap3A_659 : vector<1x1x16xf32> to vector<16xf32>
        %swap3A_661 = vector.shape_cast %add3A_654 : vector<16xf32> to vector<1x1x16xf32>
        tpu.vector_store %arg9[%swap3A_656, %swap3A_657, %swap3A_658], %swap3A_661 {strides = array<i32>} : memref<2x200x64xf32, #tpu.memory_space<vmem>>, vector<1x1x16xf32>,
        %get3A_662 = arith.constant 0 : i32
        %get3A_663 = arith.index_cast %get3A_662 : i32 to index
        %get3A_664 = arith.index_cast %add3A_625 : i32 to index
        %get3A_665 = arith.constant 32 : index
        %get3A_666 = tpu.vector_load %arg8[%get3A_663, %get3A_664, %get3A_665] {strides = array<i32>} : memref<2x200x128xf32, #tpu.memory_space<vmem>>, vector<1x1x16xf32>,
        %get3A_667 = vector.shape_cast %get3A_666 : vector<1x1x16xf32> to vector<16xf32>
        %get3A_668 = arith.index_cast %add3A_625 : i32 to index
        %get3A_669 = arith.constant 32 : index
        %get3A_670 = tpu.vector_load %arg7[%get3A_668, %get3A_669] {strides = array<i32>} : memref<200x64xf32, #tpu.memory_space<vmem>>, vector<1x16xf32>,
        %get3A_671 = vector.shape_cast %get3A_670 : vector<1x16xf32> to vector<16xf32>
        %add3A_672 = arith.addf %get3A_667, %get3A_671 : vector<16xf32>
        %swap3A_673 = arith.constant 0 : i32
        %swap3A_674 = arith.index_cast %swap3A_673 : i32 to index
        %swap3A_675 = arith.index_cast %add3A_625 : i32 to index
        %swap3A_676 = arith.constant 32 : index
        %swap3A_677 = tpu.vector_load %arg9[%swap3A_674, %swap3A_675, %swap3A_676] {strides = array<i32>} : memref<2x200x64xf32, #tpu.memory_space<vmem>>, vector<1x1x16xf32>,
        %swap3A_678 = vector.shape_cast %swap3A_677 : vector<1x1x16xf32> to vector<16xf32>
        %swap3A_679 = vector.shape_cast %add3A_672 : vector<16xf32> to vector<1x1x16xf32>
        tpu.vector_store %arg9[%swap3A_674, %swap3A_675, %swap3A_676], %swap3A_679 {strides = array<i32>} : memref<2x200x64xf32, #tpu.memory_space<vmem>>, vector<1x1x16xf32>,
        %get3A_680 = arith.constant 0 : i32
        %get3A_681 = arith.index_cast %get3A_680 : i32 to index
        %get3A_682 = arith.index_cast %add3A_625 : i32 to index
        %get3A_683 = arith.constant 48 : index
        %get3A_684 = tpu.vector_load %arg8[%get3A_681, %get3A_682, %get3A_683] {strides = array<i32>} : memref<2x200x128xf32, #tpu.memory_space<vmem>>, vector<1x1x16xf32>,
        %get3A_685 = vector.shape_cast %get3A_684 : vector<1x1x16xf32> to vector<16xf32>
        %get3A_686 = arith.index_cast %add3A_625 : i32 to index
        %get3A_687 = arith.constant 48 : index
        %get3A_688 = tpu.vector_load %arg7[%get3A_686, %get3A_687] {strides = array<i32>} : memref<200x64xf32, #tpu.memory_space<vmem>>, vector<1x16xf32>,
        %get3A_689 = vector.shape_cast %get3A_688 : vector<1x16xf32> to vector<16xf32>
        %add3A_690 = arith.addf %get3A_685, %get3A_689 : vector<16xf32>
        %swap3A_691 = arith.constant 0 : i32
        %swap3A_692 = arith.index_cast %swap3A_691 : i32 to index
        %swap3A_693 = arith.index_cast %add3A_625 : i32 to index
        %swap3A_694 = arith.constant 48 : index
        %swap3A_695 = tpu.vector_load %arg9[%swap3A_692, %swap3A_693, %swap3A_694] {strides = array<i32>} : memref<2x200x64xf32, #tpu.memory_space<vmem>>, vector<1x1x16xf32>,
        %swap3A_696 = vector.shape_cast %swap3A_695 : vector<1x1x16xf32> to vector<16xf32>
        %swap3A_697 = vector.shape_cast %add3A_690 : vector<16xf32> to vector<1x1x16xf32>
        tpu.vector_store %arg9[%swap3A_692, %swap3A_693, %swap3A_694], %swap3A_697 {strides = array<i32>} : memref<2x200x64xf32, #tpu.memory_space<vmem>>, vector<1x1x16xf32>,
        %add3A_698 = arith.constant 6 : i32
        %add3A_699 = arith.addi %mul3A_255, %add3A_698 : i32
        %get3A_700 = arith.constant 0 : i32
        %get3A_701 = arith.index_cast %get3A_700 : i32 to index
        %get3A_702 = arith.index_cast %add3A_699 : i32 to index
        %get3A_703 = arith.constant 0 : index
        %get3A_704 = tpu.vector_load %arg8[%get3A_701, %get3A_702, %get3A_703] {strides = array<i32>} : memref<2x200x128xf32, #tpu.memory_space<vmem>>, vector<1x1x16xf32>,
        %get3A_705 = vector.shape_cast %get3A_704 : vector<1x1x16xf32> to vector<16xf32>
        %get3A_706 = arith.index_cast %add3A_699 : i32 to index
        %get3A_707 = arith.constant 0 : index
        %get3A_708 = tpu.vector_load %arg7[%get3A_706, %get3A_707] {strides = array<i32>} : memref<200x64xf32, #tpu.memory_space<vmem>>, vector<1x16xf32>,
        %get3A_709 = vector.shape_cast %get3A_708 : vector<1x16xf32> to vector<16xf32>
        %add3A_710 = arith.addf %get3A_705, %get3A_709 : vector<16xf32>
        %swap3A_711 = arith.constant 0 : i32
        %swap3A_712 = arith.index_cast %swap3A_711 : i32 to index
        %swap3A_713 = arith.index_cast %add3A_699 : i32 to index
        %swap3A_714 = arith.constant 0 : index
        %swap3A_715 = tpu.vector_load %arg9[%swap3A_712, %swap3A_713, %swap3A_714] {strides = array<i32>} : memref<2x200x64xf32, #tpu.memory_space<vmem>>, vector<1x1x16xf32>,
        %swap3A_716 = vector.shape_cast %swap3A_715 : vector<1x1x16xf32> to vector<16xf32>
        %swap3A_717 = vector.shape_cast %add3A_710 : vector<16xf32> to vector<1x1x16xf32>
        tpu.vector_store %arg9[%swap3A_712, %swap3A_713, %swap3A_714], %swap3A_717 {strides = array<i32>} : memref<2x200x64xf32, #tpu.memory_space<vmem>>, vector<1x1x16xf32>,
        %get3A_718 = arith.constant 0 : i32
        %get3A_719 = arith.index_cast %get3A_718 : i32 to index
        %get3A_720 = arith.index_cast %add3A_699 : i32 to index
        %get3A_721 = arith.constant 16 : index
        %get3A_722 = tpu.vector_load %arg8[%get3A_719, %get3A_720, %get3A_721] {strides = array<i32>} : memref<2x200x128xf32, #tpu.memory_space<vmem>>, vector<1x1x16xf32>,
        %get3A_723 = vector.shape_cast %get3A_722 : vector<1x1x16xf32> to vector<16xf32>
        %get3A_724 = arith.index_cast %add3A_699 : i32 to index
        %get3A_725 = arith.constant 16 : index
        %get3A_726 = tpu.vector_load %arg7[%get3A_724, %get3A_725] {strides = array<i32>} : memref<200x64xf32, #tpu.memory_space<vmem>>, vector<1x16xf32>,
        %get3A_727 = vector.shape_cast %get3A_726 : vector<1x16xf32> to vector<16xf32>
        %add3A_728 = arith.addf %get3A_723, %get3A_727 : vector<16xf32>
        %swap3A_729 = arith.constant 0 : i32
        %swap3A_730 = arith.index_cast %swap3A_729 : i32 to index
        %swap3A_731 = arith.index_cast %add3A_699 : i32 to index
        %swap3A_732 = arith.constant 16 : index
        %swap3A_733 = tpu.vector_load %arg9[%swap3A_730, %swap3A_731, %swap3A_732] {strides = array<i32>} : memref<2x200x64xf32, #tpu.memory_space<vmem>>, vector<1x1x16xf32>,
        %swap3A_734 = vector.shape_cast %swap3A_733 : vector<1x1x16xf32> to vector<16xf32>
        %swap3A_735 = vector.shape_cast %add3A_728 : vector<16xf32> to vector<1x1x16xf32>
        tpu.vector_store %arg9[%swap3A_730, %swap3A_731, %swap3A_732], %swap3A_735 {strides = array<i32>} : memref<2x200x64xf32, #tpu.memory_space<vmem>>, vector<1x1x16xf32>,
        %get3A_736 = arith.constant 0 : i32
        %get3A_737 = arith.index_cast %get3A_736 : i32 to index
        %get3A_738 = arith.index_cast %add3A_699 : i32 to index
        %get3A_739 = arith.constant 32 : index
        %get3A_740 = tpu.vector_load %arg8[%get3A_737, %get3A_738, %get3A_739] {strides = array<i32>} : memref<2x200x128xf32, #tpu.memory_space<vmem>>, vector<1x1x16xf32>,
        %get3A_741 = vector.shape_cast %get3A_740 : vector<1x1x16xf32> to vector<16xf32>
        %get3A_742 = arith.index_cast %add3A_699 : i32 to index
        %get3A_743 = arith.constant 32 : index
        %get3A_744 = tpu.vector_load %arg7[%get3A_742, %get3A_743] {strides = array<i32>} : memref<200x64xf32, #tpu.memory_space<vmem>>, vector<1x16xf32>,
        %get3A_745 = vector.shape_cast %get3A_744 : vector<1x16xf32> to vector<16xf32>
        %add3A_746 = arith.addf %get3A_741, %get3A_745 : vector<16xf32>
        %swap3A_747 = arith.constant 0 : i32
        %swap3A_748 = arith.index_cast %swap3A_747 : i32 to index
        %swap3A_749 = arith.index_cast %add3A_699 : i32 to index
        %swap3A_750 = arith.constant 32 : index
        %swap3A_751 = tpu.vector_load %arg9[%swap3A_748, %swap3A_749, %swap3A_750] {strides = array<i32>} : memref<2x200x64xf32, #tpu.memory_space<vmem>>, vector<1x1x16xf32>,
        %swap3A_752 = vector.shape_cast %swap3A_751 : vector<1x1x16xf32> to vector<16xf32>
        %swap3A_753 = vector.shape_cast %add3A_746 : vector<16xf32> to vector<1x1x16xf32>
        tpu.vector_store %arg9[%swap3A_748, %swap3A_749, %swap3A_750], %swap3A_753 {strides = array<i32>} : memref<2x200x64xf32, #tpu.memory_space<vmem>>, vector<1x1x16xf32>,
        %get3A_754 = arith.constant 0 : i32
        %get3A_755 = arith.index_cast %get3A_754 : i32 to index
        %get3A_756 = arith.index_cast %add3A_699 : i32 to index
        %get3A_757 = arith.constant 48 : index
        %get3A_758 = tpu.vector_load %arg8[%get3A_755, %get3A_756, %get3A_757] {strides = array<i32>} : memref<2x200x128xf32, #tpu.memory_space<vmem>>, vector<1x1x16xf32>,
        %get3A_759 = vector.shape_cast %get3A_758 : vector<1x1x16xf32> to vector<16xf32>
        %get3A_760 = arith.index_cast %add3A_699 : i32 to index
        %get3A_761 = arith.constant 48 : index
        %get3A_762 = tpu.vector_load %arg7[%get3A_760, %get3A_761] {strides = array<i32>} : memref<200x64xf32, #tpu.memory_space<vmem>>, vector<1x16xf32>,
        %get3A_763 = vector.shape_cast %get3A_762 : vector<1x16xf32> to vector<16xf32>
        %add3A_764 = arith.addf %get3A_759, %get3A_763 : vector<16xf32>
        %swap3A_765 = arith.constant 0 : i32
        %swap3A_766 = arith.index_cast %swap3A_765 : i32 to index
        %swap3A_767 = arith.index_cast %add3A_699 : i32 to index
        %swap3A_768 = arith.constant 48 : index
        %swap3A_769 = tpu.vector_load %arg9[%swap3A_766, %swap3A_767, %swap3A_768] {strides = array<i32>} : memref<2x200x64xf32, #tpu.memory_space<vmem>>, vector<1x1x16xf32>,
        %swap3A_770 = vector.shape_cast %swap3A_769 : vector<1x1x16xf32> to vector<16xf32>
        %swap3A_771 = vector.shape_cast %add3A_764 : vector<16xf32> to vector<1x1x16xf32>
        tpu.vector_store %arg9[%swap3A_766, %swap3A_767, %swap3A_768], %swap3A_771 {strides = array<i32>} : memref<2x200x64xf32, #tpu.memory_space<vmem>>, vector<1x1x16xf32>,
        %add3A_772 = arith.constant 7 : i32
        %add3A_773 = arith.addi %mul3A_255, %add3A_772 : i32
        %get3A_774 = arith.constant 0 : i32
        %get3A_775 = arith.index_cast %get3A_774 : i32 to index
        %get3A_776 = arith.index_cast %add3A_773 : i32 to index
        %get3A_777 = arith.constant 0 : index
        %get3A_778 = tpu.vector_load %arg8[%get3A_775, %get3A_776, %get3A_777] {strides = array<i32>} : memref<2x200x128xf32, #tpu.memory_space<vmem>>, vector<1x1x16xf32>,
        %get3A_779 = vector.shape_cast %get3A_778 : vector<1x1x16xf32> to vector<16xf32>
        %get3A_780 = arith.index_cast %add3A_773 : i32 to index
        %get3A_781 = arith.constant 0 : index
        %get3A_782 = tpu.vector_load %arg7[%get3A_780, %get3A_781] {strides = array<i32>} : memref<200x64xf32, #tpu.memory_space<vmem>>, vector<1x16xf32>,
        %get3A_783 = vector.shape_cast %get3A_782 : vector<1x16xf32> to vector<16xf32>
        %add3A_784 = arith.addf %get3A_779, %get3A_783 : vector<16xf32>
        %swap3A_785 = arith.constant 0 : i32
        %swap3A_786 = arith.index_cast %swap3A_785 : i32 to index
        %swap3A_787 = arith.index_cast %add3A_773 : i32 to index
        %swap3A_788 = arith.constant 0 : index
        %swap3A_789 = tpu.vector_load %arg9[%swap3A_786, %swap3A_787, %swap3A_788] {strides = array<i32>} : memref<2x200x64xf32, #tpu.memory_space<vmem>>, vector<1x1x16xf32>,
        %swap3A_790 = vector.shape_cast %swap3A_789 : vector<1x1x16xf32> to vector<16xf32>
        %swap3A_791 = vector.shape_cast %add3A_784 : vector<16xf32> to vector<1x1x16xf32>
        tpu.vector_store %arg9[%swap3A_786, %swap3A_787, %swap3A_788], %swap3A_791 {strides = array<i32>} : memref<2x200x64xf32, #tpu.memory_space<vmem>>, vector<1x1x16xf32>,
        %get3A_792 = arith.constant 0 : i32
        %get3A_793 = arith.index_cast %get3A_792 : i32 to index
        %get3A_794 = arith.index_cast %add3A_773 : i32 to index
        %get3A_795 = arith.constant 16 : index
        %get3A_796 = tpu.vector_load %arg8[%get3A_793, %get3A_794, %get3A_795] {strides = array<i32>} : memref<2x200x128xf32, #tpu.memory_space<vmem>>, vector<1x1x16xf32>,
        %get3A_797 = vector.shape_cast %get3A_796 : vector<1x1x16xf32> to vector<16xf32>
        %get3A_798 = arith.index_cast %add3A_773 : i32 to index
        %get3A_799 = arith.constant 16 : index
        %get3A_800 = tpu.vector_load %arg7[%get3A_798, %get3A_799] {strides = array<i32>} : memref<200x64xf32, #tpu.memory_space<vmem>>, vector<1x16xf32>,
        %get3A_801 = vector.shape_cast %get3A_800 : vector<1x16xf32> to vector<16xf32>
        %add3A_802 = arith.addf %get3A_797, %get3A_801 : vector<16xf32>
        %swap3A_803 = arith.constant 0 : i32
        %swap3A_804 = arith.index_cast %swap3A_803 : i32 to index
        %swap3A_805 = arith.index_cast %add3A_773 : i32 to index
        %swap3A_806 = arith.constant 16 : index
        %swap3A_807 = tpu.vector_load %arg9[%swap3A_804, %swap3A_805, %swap3A_806] {strides = array<i32>} : memref<2x200x64xf32, #tpu.memory_space<vmem>>, vector<1x1x16xf32>,
        %swap3A_808 = vector.shape_cast %swap3A_807 : vector<1x1x16xf32> to vector<16xf32>
        %swap3A_809 = vector.shape_cast %add3A_802 : vector<16xf32> to vector<1x1x16xf32>
        tpu.vector_store %arg9[%swap3A_804, %swap3A_805, %swap3A_806], %swap3A_809 {strides = array<i32>} : memref<2x200x64xf32, #tpu.memory_space<vmem>>, vector<1x1x16xf32>,
        %get3A_810 = arith.constant 0 : i32
        %get3A_811 = arith.index_cast %get3A_810 : i32 to index
        %get3A_812 = arith.index_cast %add3A_773 : i32 to index
        %get3A_813 = arith.constant 32 : index
        %get3A_814 = tpu.vector_load %arg8[%get3A_811, %get3A_812, %get3A_813] {strides = array<i32>} : memref<2x200x128xf32, #tpu.memory_space<vmem>>, vector<1x1x16xf32>,
        %get3A_815 = vector.shape_cast %get3A_814 : vector<1x1x16xf32> to vector<16xf32>
        %get3A_816 = arith.index_cast %add3A_773 : i32 to index
        %get3A_817 = arith.constant 32 : index
        %get3A_818 = tpu.vector_load %arg7[%get3A_816, %get3A_817] {strides = array<i32>} : memref<200x64xf32, #tpu.memory_space<vmem>>, vector<1x16xf32>,
        %get3A_819 = vector.shape_cast %get3A_818 : vector<1x16xf32> to vector<16xf32>
        %add3A_820 = arith.addf %get3A_815, %get3A_819 : vector<16xf32>
        %swap3A_821 = arith.constant 0 : i32
        %swap3A_822 = arith.index_cast %swap3A_821 : i32 to index
        %swap3A_823 = arith.index_cast %add3A_773 : i32 to index
        %swap3A_824 = arith.constant 32 : index
        %swap3A_825 = tpu.vector_load %arg9[%swap3A_822, %swap3A_823, %swap3A_824] {strides = array<i32>} : memref<2x200x64xf32, #tpu.memory_space<vmem>>, vector<1x1x16xf32>,
        %swap3A_826 = vector.shape_cast %swap3A_825 : vector<1x1x16xf32> to vector<16xf32>
        %swap3A_827 = vector.shape_cast %add3A_820 : vector<16xf32> to vector<1x1x16xf32>
        tpu.vector_store %arg9[%swap3A_822, %swap3A_823, %swap3A_824], %swap3A_827 {strides = array<i32>} : memref<2x200x64xf32, #tpu.memory_space<vmem>>, vector<1x1x16xf32>,
        %get3A_828 = arith.constant 0 : i32
        %get3A_829 = arith.index_cast %get3A_828 : i32 to index
        %get3A_830 = arith.index_cast %add3A_773 : i32 to index
        %get3A_831 = arith.constant 48 : index
        %get3A_832 = tpu.vector_load %arg8[%get3A_829, %get3A_830, %get3A_831] {strides = array<i32>} : memref<2x200x128xf32, #tpu.memory_space<vmem>>, vector<1x1x16xf32>,
        %get3A_833 = vector.shape_cast %get3A_832 : vector<1x1x16xf32> to vector<16xf32>
        %get3A_834 = arith.index_cast %add3A_773 : i32 to index
        %get3A_835 = arith.constant 48 : index
        %get3A_836 = tpu.vector_load %arg7[%get3A_834, %get3A_835] {strides = array<i32>} : memref<200x64xf32, #tpu.memory_space<vmem>>, vector<1x16xf32>,
        %get3A_837 = vector.shape_cast %get3A_836 : vector<1x16xf32> to vector<16xf32>
        %add3A_838 = arith.addf %get3A_833, %get3A_837 : vector<16xf32>
        %swap3A_839 = arith.constant 0 : i32
        %swap3A_840 = arith.index_cast %swap3A_839 : i32 to index
        %swap3A_841 = arith.index_cast %add3A_773 : i32 to index
        %swap3A_842 = arith.constant 48 : index
        %swap3A_843 = tpu.vector_load %arg9[%swap3A_840, %swap3A_841, %swap3A_842] {strides = array<i32>} : memref<2x200x64xf32, #tpu.memory_space<vmem>>, vector<1x1x16xf32>,
        %swap3A_844 = vector.shape_cast %swap3A_843 : vector<1x1x16xf32> to vector<16xf32>
        %swap3A_845 = vector.shape_cast %add3A_838 : vector<16xf32> to vector<1x1x16xf32>
        tpu.vector_store %arg9[%swap3A_840, %swap3A_841, %swap3A_842], %swap3A_845 {strides = array<i32>} : memref<2x200x64xf32, #tpu.memory_space<vmem>>, vector<1x1x16xf32>,
      }
      %scan3A_150 = arith.constant 25 : i32
      %mul3A_151 = arith.constant 32 : i32
      %mul3A_152 = arith.muli %add3A, %mul3A_151 : i32
      %add3A_153 = arith.addi %mul3A_152, %add3A_110 : i32
      %mul3A_154 = arith.constant 200 : i32
      %mul3A_155 = arith.muli %add3A_153, %mul3A_154 : i32
      %dma_start3A_156 = arith.constant 0 : i32
      %dma_start3A_157 = arith.constant 0 : i32
      %dma_start3A_158 = arith.constant 0 : i32
      %dma_start3A_159 = arith.constant 0 : i32
      %dma_start3A_160 = tpu.memref_slice %arg9[%dma_start3A_156, %dma_start3A_158, %dma_start3A_159] : memref<2x200x64xf32, #tpu.memory_space<vmem>> -> memref<1x200x64xf32, #tpu.memory_space<vmem>>
      %dma_start3A_161 = tpu.memref_squeeze %dma_start3A_160 : memref<1x200x64xf32, #tpu.memory_space<vmem>> -> memref<200x64xf32, #tpu.memory_space<vmem>>
      %dma_start3A_162 = arith.constant 0 : i32
      %dma_start3A_163 = tpu.memref_slice %arg5[%mul3A_155, %dma_start3A_162] : memref<204800x64xf32, #tpu.memory_space<hbm>> -> memref<200x64xf32, #tpu.memory_space<hbm>>
      %dma_start3A_164 = tpu.memref_slice %arg11[%dma_start3A_157] : memref<2x!tpu.dma_semaphore, #tpu.memory_space<semaphore_mem>> -> memref<1x!tpu.dma_semaphore, #tpu.memory_space<semaphore_mem>>
      %dma_start3A_165 = tpu.memref_squeeze %dma_start3A_164 : memref<1x!tpu.dma_semaphore, #tpu.memory_space<semaphore_mem>> -> memref<!tpu.dma_semaphore, #tpu.memory_space<semaphore_mem>>
      %dma_start3A_166 = arith.constant 0 : i32
      %dma_start3A_167 = tpu.memref_slice %arg5[%mul3A_155, %dma_start3A_166] : memref<204800x64xf32, #tpu.memory_space<hbm>> -> memref<200x64xf32, #tpu.memory_space<hbm>>
      %dma_start3A_168 = arith.constant 0 : i32
      %dma_start3A_169 = arith.constant 0 : i32
      %dma_start3A_170 = tpu.memref_slice %arg9[%dma_start3A_156, %dma_start3A_168, %dma_start3A_169] : memref<2x200x64xf32, #tpu.memory_space<vmem>> -> memref<1x200x64xf32, #tpu.memory_space<vmem>>
      %dma_start3A_171 = tpu.memref_squeeze %dma_start3A_170 : memref<1x200x64xf32, #tpu.memory_space<vmem>> -> memref<200x64xf32, #tpu.memory_space<vmem>>
      tpu.enqueue_dma source(%dma_start3A_171 : memref<200x64xf32, #tpu.memory_space<vmem>>) target(%dma_start3A_167 : memref<200x64xf32, #tpu.memory_space<hbm>>) target_semaphore(%dma_start3A_165 : memref<!tpu.dma_semaphore, #tpu.memory_space<semaphore_mem>>)
      %add3A_172 = arith.constant 2 : i32
      %add3A_173 = arith.addi %add3A_110, %add3A_172 : i32
      %lt3A = arith.constant 32 : i32
      %lt3A_174 = arith.cmpi slt, %add3A_173, %lt3A : i32
      %convert_element_type3A_175 = arith.extui %lt3A_174 : i1 to i32
      %cond3A_176 = arith.constant 0 : i32
      %cond3A_177 = arith.cmpi ne, %convert_element_type3A_175, %cond3A_176 : i32
      scf.if %cond3A_177 {
        %add3A_253 = arith.constant 2 : i32
        %add3A_254 = arith.addi %add3A_110, %add3A_253 : i32
        %dma_start3A_255 = arith.constant 0 : i32
        %dma_start3A_256 = arith.constant 0 : i32
        %dma_start3A_257 = arith.constant 0 : i32
        %dma_start3A_258 = arith.constant 0 : i32
        %dma_start3A_259 = arith.constant 0 : i32
        %dma_start3A_260 = tpu.memref_slice %arg8[%dma_start3A_256, %dma_start3A_258, %dma_start3A_259] : memref<2x200x128xf32, #tpu.memory_space<vmem>> -> memref<1x100x128xf32, #tpu.memory_space<vmem>>
        %dma_start3A_261 = tpu.memref_squeeze %dma_start3A_260 : memref<1x100x128xf32, #tpu.memory_space<vmem>> -> memref<100x128xf32, #tpu.memory_space<vmem>>
        %dma_start3A_262 = arith.constant 0 : i32
        %dma_start3A_263 = tpu.memref_slice %arg6[%add3A_254, %dma_start3A_255, %dma_start3A_262] : memref<32x2x100xi32, #tpu.memory_space<vmem>> -> memref<1x1x100xi32, #tpu.memory_space<vmem>>
        %dma_start3A_264 = tpu.memref_squeeze %dma_start3A_263 : memref<1x1x100xi32, #tpu.memory_space<vmem>> -> memref<100xi32, #tpu.memory_space<vmem>>
        %dma_start3A_265 = arith.constant 0 : i32
        %dma_start3A_266 = arith.constant 0 : i32
        %dma_start3A_267 = tpu.memref_slice %arg3[%dma_start3A_265, %dma_start3A_266] : memref<1000000x128xf32, #tpu.memory_space<hbm>> -> memref<1000000x128xf32, #tpu.memory_space<hbm>>
        %dma_start3A_268 = tpu.memref_slice %arg10[%dma_start3A_257] : memref<2x!tpu.dma_semaphore, #tpu.memory_space<semaphore_mem>> -> memref<1x!tpu.dma_semaphore, #tpu.memory_space<semaphore_mem>>
        %dma_start3A_269 = tpu.memref_squeeze %dma_start3A_268 : memref<1x!tpu.dma_semaphore, #tpu.memory_space<semaphore_mem>> -> memref<!tpu.dma_semaphore, #tpu.memory_space<semaphore_mem>>
        tpu.enqueue_indirect_dma source(%dma_start3A_267 : memref<1000000x128xf32, #tpu.memory_space<hbm>>) target(%dma_start3A_261 : memref<100x128xf32, #tpu.memory_space<vmem>>) offsets(%dma_start3A_264 : memref<100xi32, #tpu.memory_space<vmem>>) semaphore(%dma_start3A_269 : memref<!tpu.dma_semaphore, #tpu.memory_space<semaphore_mem>>)
        %dma_start3A_270 = arith.constant 1 : i32
        %dma_start3A_271 = arith.constant 0 : i32
        %dma_start3A_272 = arith.constant 0 : i32
        %dma_start3A_273 = arith.constant 100 : i32
        %dma_start3A_274 = arith.constant 0 : i32
        %dma_start3A_275 = tpu.memref_slice %arg8[%dma_start3A_271, %dma_start3A_273, %dma_start3A_274] : memref<2x200x128xf32, #tpu.memory_space<vmem>> -> memref<1x100x128xf32, #tpu.memory_space<vmem>>
        %dma_start3A_276 = tpu.memref_squeeze %dma_start3A_275 : memref<1x100x128xf32, #tpu.memory_space<vmem>> -> memref<100x128xf32, #tpu.memory_space<vmem>>
        %dma_start3A_277 = arith.constant 0 : i32
        %dma_start3A_278 = tpu.memref_slice %arg6[%add3A_254, %dma_start3A_270, %dma_start3A_277] : memref<32x2x100xi32, #tpu.memory_space<vmem>> -> memref<1x1x100xi32, #tpu.memory_space<vmem>>
        %dma_start3A_279 = tpu.memref_squeeze %dma_start3A_278 : memref<1x1x100xi32, #tpu.memory_space<vmem>> -> memref<100xi32, #tpu.memory_space<vmem>>
        %dma_start3A_280 = arith.constant 0 : i32
        %dma_start3A_281 = arith.constant 0 : i32
        %dma_start3A_282 = tpu.memref_slice %arg3[%dma_start3A_280, %dma_start3A_281] : memref<1000000x128xf32, #tpu.memory_space<hbm>> -> memref<1000000x128xf32, #tpu.memory_space<hbm>>
        %dma_start3A_283 = tpu.memref_slice %arg10[%dma_start3A_272] : memref<2x!tpu.dma_semaphore, #tpu.memory_space<semaphore_mem>> -> memref<1x!tpu.dma_semaphore, #tpu.memory_space<semaphore_mem>>
        %dma_start3A_284 = tpu.memref_squeeze %dma_start3A_283 : memref<1x!tpu.dma_semaphore, #tpu.memory_space<semaphore_mem>> -> memref<!tpu.dma_semaphore, #tpu.memory_space<semaphore_mem>>
        tpu.enqueue_indirect_dma source(%dma_start3A_282 : memref<1000000x128xf32, #tpu.memory_space<hbm>>) target(%dma_start3A_276 : memref<100x128xf32, #tpu.memory_space<vmem>>) offsets(%dma_start3A_279 : memref<100xi32, #tpu.memory_space<vmem>>) semaphore(%dma_start3A_284 : memref<!tpu.dma_semaphore, #tpu.memory_space<semaphore_mem>>)
      } else {
      }
      %mul3A_178 = arith.constant 2 : i32
      %mul3A_179 = arith.muli %scan3A_106, %mul3A_178 : i32
      %add3A_180 = arith.constant 1 : i32
      %add3A_181 = arith.addi %mul3A_179, %add3A_180 : i32
      %dma_wait3A_182 = arith.constant 0 : i32
      %dma_wait3A_183 = arith.constant 0 : i32
      %dma_wait3A_184 = arith.constant 1 : i32
      %dma_wait3A_185 = arith.constant 1 : i32
      %dma_wait3A_186 = arith.constant 0 : i32
      %dma_wait3A_187 = arith.constant 0 : i32
      %dma_wait3A_188 = tpu.memref_slice %arg8[%dma_wait3A_184, %dma_wait3A_186, %dma_wait3A_187] : memref<2x200x128xf32, #tpu.memory_space<vmem>> -> memref<1x100x128xf32, #tpu.memory_space<vmem>>
      %dma_wait3A_189 = tpu.memref_squeeze %dma_wait3A_188 : memref<1x100x128xf32, #tpu.memory_space<vmem>> -> memref<100x128xf32, #tpu.memory_space<vmem>>
      %dma_wait3A_190 = arith.constant 0 : i32
      %dma_wait3A_191 = tpu.memref_slice %arg6[%dma_wait3A_182, %dma_wait3A_183, %dma_wait3A_190] : memref<32x2x100xi32, #tpu.memory_space<vmem>> -> memref<1x1x100xi32, #tpu.memory_space<vmem>>
      %dma_wait3A_192 = tpu.memref_squeeze %dma_wait3A_191 : memref<1x1x100xi32, #tpu.memory_space<vmem>> -> memref<100xi32, #tpu.memory_space<vmem>>
      %dma_wait3A_193 = arith.constant 0 : i32
      %dma_wait3A_194 = arith.constant 0 : i32
      %dma_wait3A_195 = tpu.memref_slice %arg3[%dma_wait3A_193, %dma_wait3A_194] : memref<1000000x128xf32, #tpu.memory_space<hbm>> -> memref<1000000x128xf32, #tpu.memory_space<hbm>>
      %dma_wait3A_196 = tpu.memref_slice %arg10[%dma_wait3A_185] : memref<2x!tpu.dma_semaphore, #tpu.memory_space<semaphore_mem>> -> memref<1x!tpu.dma_semaphore, #tpu.memory_space<semaphore_mem>>
      %dma_wait3A_197 = tpu.memref_squeeze %dma_wait3A_196 : memref<1x!tpu.dma_semaphore, #tpu.memory_space<semaphore_mem>> -> memref<!tpu.dma_semaphore, #tpu.memory_space<semaphore_mem>>
      tpu.wait_indirect_dma semaphore(%dma_wait3A_197 : memref<!tpu.dma_semaphore, #tpu.memory_space<semaphore_mem>>) src(%dma_wait3A_195 : memref<1000000x128xf32, #tpu.memory_space<hbm>>) dst(%dma_wait3A_189 : memref<100x128xf32, #tpu.memory_space<vmem>>)
      %dma_wait3A_198 = arith.constant 0 : i32
      %dma_wait3A_199 = arith.constant 1 : i32
      %dma_wait3A_200 = arith.constant 1 : i32
      %dma_wait3A_201 = arith.constant 1 : i32
      %dma_wait3A_202 = arith.constant 100 : i32
      %dma_wait3A_203 = arith.constant 0 : i32
      %dma_wait3A_204 = tpu.memref_slice %arg8[%dma_wait3A_200, %dma_wait3A_202, %dma_wait3A_203] : memref<2x200x128xf32, #tpu.memory_space<vmem>> -> memref<1x100x128xf32, #tpu.memory_space<vmem>>
      %dma_wait3A_205 = tpu.memref_squeeze %dma_wait3A_204 : memref<1x100x128xf32, #tpu.memory_space<vmem>> -> memref<100x128xf32, #tpu.memory_space<vmem>>
      %dma_wait3A_206 = arith.constant 0 : i32
      %dma_wait3A_207 = tpu.memref_slice %arg6[%dma_wait3A_198, %dma_wait3A_199, %dma_wait3A_206] : memref<32x2x100xi32, #tpu.memory_space<vmem>> -> memref<1x1x100xi32, #tpu.memory_space<vmem>>
      %dma_wait3A_208 = tpu.memref_squeeze %dma_wait3A_207 : memref<1x1x100xi32, #tpu.memory_space<vmem>> -> memref<100xi32, #tpu.memory_space<vmem>>
      %dma_wait3A_209 = arith.constant 0 : i32
      %dma_wait3A_210 = arith.constant 0 : i32
      %dma_wait3A_211 = tpu.memref_slice %arg3[%dma_wait3A_209, %dma_wait3A_210] : memref<1000000x128xf32, #tpu.memory_space<hbm>> -> memref<1000000x128xf32, #tpu.memory_space<hbm>>
      %dma_wait3A_212 = tpu.memref_slice %arg10[%dma_wait3A_201] : memref<2x!tpu.dma_semaphore, #tpu.memory_space<semaphore_mem>> -> memref<1x!tpu.dma_semaphore, #tpu.memory_space<semaphore_mem>>
      %dma_wait3A_213 = tpu.memref_squeeze %dma_wait3A_212 : memref<1x!tpu.dma_semaphore, #tpu.memory_space<semaphore_mem>> -> memref<!tpu.dma_semaphore, #tpu.memory_space<semaphore_mem>>
      tpu.wait_indirect_dma semaphore(%dma_wait3A_213 : memref<!tpu.dma_semaphore, #tpu.memory_space<semaphore_mem>>) src(%dma_wait3A_211 : memref<1000000x128xf32, #tpu.memory_space<hbm>>) dst(%dma_wait3A_205 : memref<100x128xf32, #tpu.memory_space<vmem>>)
      %ge3A_214 = arith.constant 2 : i32
      %ge3A_215 = arith.cmpi sge, %add3A_181, %ge3A_214 : i32
      %convert_element_type3A_216 = arith.extui %ge3A_215 : i1 to i32
      %cond3A_217 = arith.constant 0 : i32
      %cond3A_218 = arith.cmpi ne, %convert_element_type3A_216, %cond3A_217 : i32
      scf.if %cond3A_218 {
        %dma_wait3A_253 = arith.constant 1 : i32
        %dma_wait3A_254 = arith.constant 1 : i32
        %dma_wait3A_255 = arith.constant 0 : i32
        %dma_wait3A_256 = arith.constant 0 : i32
        %dma_wait3A_257 = tpu.memref_slice %arg9[%dma_wait3A_253, %dma_wait3A_255, %dma_wait3A_256] : memref<2x200x64xf32, #tpu.memory_space<vmem>> -> memref<1x200x64xf32, #tpu.memory_space<vmem>>
        %dma_wait3A_258 = tpu.memref_squeeze %dma_wait3A_257 : memref<1x200x64xf32, #tpu.memory_space<vmem>> -> memref<200x64xf32, #tpu.memory_space<vmem>>
        %dma_wait3A_259 = arith.constant 0 : i32
        %dma_wait3A_260 = arith.constant 0 : i32
        %dma_wait3A_261 = tpu.memref_slice %arg5[%dma_wait3A_259, %dma_wait3A_260] : memref<204800x64xf32, #tpu.memory_space<hbm>> -> memref<200x64xf32, #tpu.memory_space<hbm>>
        %dma_wait3A_262 = tpu.memref_slice %arg11[%dma_wait3A_254] : memref<2x!tpu.dma_semaphore, #tpu.memory_space<semaphore_mem>> -> memref<1x!tpu.dma_semaphore, #tpu.memory_space<semaphore_mem>>
        %dma_wait3A_263 = tpu.memref_squeeze %dma_wait3A_262 : memref<1x!tpu.dma_semaphore, #tpu.memory_space<semaphore_mem>> -> memref<!tpu.dma_semaphore, #tpu.memory_space<semaphore_mem>>
        %dma_wait3A_264 = arith.constant 0 : i32
        %dma_wait3A_265 = arith.constant 0 : i32
        %dma_wait3A_266 = tpu.memref_slice %arg5[%dma_wait3A_264, %dma_wait3A_265] : memref<204800x64xf32, #tpu.memory_space<hbm>> -> memref<200x64xf32, #tpu.memory_space<hbm>>
        %dma_wait3A_267 = arith.constant 0 : i32
        %dma_wait3A_268 = arith.constant 0 : i32
        %dma_wait3A_269 = tpu.memref_slice %arg9[%dma_wait3A_253, %dma_wait3A_267, %dma_wait3A_268] : memref<2x200x64xf32, #tpu.memory_space<vmem>> -> memref<1x200x64xf32, #tpu.memory_space<vmem>>
        %dma_wait3A_270 = tpu.memref_squeeze %dma_wait3A_269 : memref<1x200x64xf32, #tpu.memory_space<vmem>> -> memref<200x64xf32, #tpu.memory_space<vmem>>
        tpu.wait_dma2 semaphore(%dma_wait3A_263 : memref<!tpu.dma_semaphore, #tpu.memory_space<semaphore_mem>>) src(%dma_wait3A_270 : memref<200x64xf32, #tpu.memory_space<vmem>>) dst(%dma_wait3A_266 : memref<200x64xf32, #tpu.memory_space<hbm>>)
      } else {
      }
      %scan3A_219 = arith.constant 0 : i32
      %scan3A_220 = arith.constant 0 : i32
      %scan3A_221 = arith.constant 25 : i32
      %scan3A_222 = arith.addi %scan3A_220, %scan3A_221 : i32
      %scan3A_223 = arith.constant 1 : i32
      scf.for %scan3A_253 = %scan3A_220 to %scan3A_222 step %scan3A_223  : i32 {
        %mul3A_254 = arith.constant 8 : i32
        %mul3A_255 = arith.muli %scan3A_253, %mul3A_254 : i32
        %add3A_256 = arith.constant 0 : i32
        %add3A_257 = arith.addi %mul3A_255, %add3A_256 : i32
        %get3A = arith.constant 1 : i32
        %get3A_258 = arith.index_cast %get3A : i32 to index
        %get3A_259 = arith.index_cast %add3A_257 : i32 to index
        %get3A_260 = arith.constant 0 : index
        %get3A_261 = tpu.vector_load %arg8[%get3A_258, %get3A_259, %get3A_260] {strides = array<i32>} : memref<2x200x128xf32, #tpu.memory_space<vmem>>, vector<1x1x16xf32>,
        %get3A_262 = vector.shape_cast %get3A_261 : vector<1x1x16xf32> to vector<16xf32>
        %get3A_263 = arith.index_cast %add3A_257 : i32 to index
        %get3A_264 = arith.constant 0 : index
        %get3A_265 = tpu.vector_load %arg7[%get3A_263, %get3A_264] {strides = array<i32>} : memref<200x64xf32, #tpu.memory_space<vmem>>, vector<1x16xf32>,
        %get3A_266 = vector.shape_cast %get3A_265 : vector<1x16xf32> to vector<16xf32>
        %add3A_267 = arith.addf %get3A_262, %get3A_266 : vector<16xf32>
        %swap3A = arith.constant 1 : i32
        %swap3A_268 = arith.index_cast %swap3A : i32 to index
        %swap3A_269 = arith.index_cast %add3A_257 : i32 to index
        %swap3A_270 = arith.constant 0 : index
        %swap3A_271 = tpu.vector_load %arg9[%swap3A_268, %swap3A_269, %swap3A_270] {strides = array<i32>} : memref<2x200x64xf32, #tpu.memory_space<vmem>>, vector<1x1x16xf32>,
        %swap3A_272 = vector.shape_cast %swap3A_271 : vector<1x1x16xf32> to vector<16xf32>
        %swap3A_273 = vector.shape_cast %add3A_267 : vector<16xf32> to vector<1x1x16xf32>
        tpu.vector_store %arg9[%swap3A_268, %swap3A_269, %swap3A_270], %swap3A_273 {strides = array<i32>} : memref<2x200x64xf32, #tpu.memory_space<vmem>>, vector<1x1x16xf32>,
        %get3A_274 = arith.constant 1 : i32
        %get3A_275 = arith.index_cast %get3A_274 : i32 to index
        %get3A_276 = arith.index_cast %add3A_257 : i32 to index
        %get3A_277 = arith.constant 16 : index
        %get3A_278 = tpu.vector_load %arg8[%get3A_275, %get3A_276, %get3A_277] {strides = array<i32>} : memref<2x200x128xf32, #tpu.memory_space<vmem>>, vector<1x1x16xf32>,
        %get3A_279 = vector.shape_cast %get3A_278 : vector<1x1x16xf32> to vector<16xf32>
        %get3A_280 = arith.index_cast %add3A_257 : i32 to index
        %get3A_281 = arith.constant 16 : index
        %get3A_282 = tpu.vector_load %arg7[%get3A_280, %get3A_281] {strides = array<i32>} : memref<200x64xf32, #tpu.memory_space<vmem>>, vector<1x16xf32>,
        %get3A_283 = vector.shape_cast %get3A_282 : vector<1x16xf32> to vector<16xf32>
        %add3A_284 = arith.addf %get3A_279, %get3A_283 : vector<16xf32>
        %swap3A_285 = arith.constant 1 : i32
        %swap3A_286 = arith.index_cast %swap3A_285 : i32 to index
        %swap3A_287 = arith.index_cast %add3A_257 : i32 to index
        %swap3A_288 = arith.constant 16 : index
        %swap3A_289 = tpu.vector_load %arg9[%swap3A_286, %swap3A_287, %swap3A_288] {strides = array<i32>} : memref<2x200x64xf32, #tpu.memory_space<vmem>>, vector<1x1x16xf32>,
        %swap3A_290 = vector.shape_cast %swap3A_289 : vector<1x1x16xf32> to vector<16xf32>
        %swap3A_291 = vector.shape_cast %add3A_284 : vector<16xf32> to vector<1x1x16xf32>
        tpu.vector_store %arg9[%swap3A_286, %swap3A_287, %swap3A_288], %swap3A_291 {strides = array<i32>} : memref<2x200x64xf32, #tpu.memory_space<vmem>>, vector<1x1x16xf32>,
        %get3A_292 = arith.constant 1 : i32
        %get3A_293 = arith.index_cast %get3A_292 : i32 to index
        %get3A_294 = arith.index_cast %add3A_257 : i32 to index
        %get3A_295 = arith.constant 32 : index
        %get3A_296 = tpu.vector_load %arg8[%get3A_293, %get3A_294, %get3A_295] {strides = array<i32>} : memref<2x200x128xf32, #tpu.memory_space<vmem>>, vector<1x1x16xf32>,
        %get3A_297 = vector.shape_cast %get3A_296 : vector<1x1x16xf32> to vector<16xf32>
        %get3A_298 = arith.index_cast %add3A_257 : i32 to index
        %get3A_299 = arith.constant 32 : index
        %get3A_300 = tpu.vector_load %arg7[%get3A_298, %get3A_299] {strides = array<i32>} : memref<200x64xf32, #tpu.memory_space<vmem>>, vector<1x16xf32>,
        %get3A_301 = vector.shape_cast %get3A_300 : vector<1x16xf32> to vector<16xf32>
        %add3A_302 = arith.addf %get3A_297, %get3A_301 : vector<16xf32>
        %swap3A_303 = arith.constant 1 : i32
        %swap3A_304 = arith.index_cast %swap3A_303 : i32 to index
        %swap3A_305 = arith.index_cast %add3A_257 : i32 to index
        %swap3A_306 = arith.constant 32 : index
        %swap3A_307 = tpu.vector_load %arg9[%swap3A_304, %swap3A_305, %swap3A_306] {strides = array<i32>} : memref<2x200x64xf32, #tpu.memory_space<vmem>>, vector<1x1x16xf32>,
        %swap3A_308 = vector.shape_cast %swap3A_307 : vector<1x1x16xf32> to vector<16xf32>
        %swap3A_309 = vector.shape_cast %add3A_302 : vector<16xf32> to vector<1x1x16xf32>
        tpu.vector_store %arg9[%swap3A_304, %swap3A_305, %swap3A_306], %swap3A_309 {strides = array<i32>} : memref<2x200x64xf32, #tpu.memory_space<vmem>>, vector<1x1x16xf32>,
        %get3A_310 = arith.constant 1 : i32
        %get3A_311 = arith.index_cast %get3A_310 : i32 to index
        %get3A_312 = arith.index_cast %add3A_257 : i32 to index
        %get3A_313 = arith.constant 48 : index
        %get3A_314 = tpu.vector_load %arg8[%get3A_311, %get3A_312, %get3A_313] {strides = array<i32>} : memref<2x200x128xf32, #tpu.memory_space<vmem>>, vector<1x1x16xf32>,
        %get3A_315 = vector.shape_cast %get3A_314 : vector<1x1x16xf32> to vector<16xf32>
        %get3A_316 = arith.index_cast %add3A_257 : i32 to index
        %get3A_317 = arith.constant 48 : index
        %get3A_318 = tpu.vector_load %arg7[%get3A_316, %get3A_317] {strides = array<i32>} : memref<200x64xf32, #tpu.memory_space<vmem>>, vector<1x16xf32>,
        %get3A_319 = vector.shape_cast %get3A_318 : vector<1x16xf32> to vector<16xf32>
        %add3A_320 = arith.addf %get3A_315, %get3A_319 : vector<16xf32>
        %swap3A_321 = arith.constant 1 : i32
        %swap3A_322 = arith.index_cast %swap3A_321 : i32 to index
        %swap3A_323 = arith.index_cast %add3A_257 : i32 to index
        %swap3A_324 = arith.constant 48 : index
        %swap3A_325 = tpu.vector_load %arg9[%swap3A_322, %swap3A_323, %swap3A_324] {strides = array<i32>} : memref<2x200x64xf32, #tpu.memory_space<vmem>>, vector<1x1x16xf32>,
        %swap3A_326 = vector.shape_cast %swap3A_325 : vector<1x1x16xf32> to vector<16xf32>
        %swap3A_327 = vector.shape_cast %add3A_320 : vector<16xf32> to vector<1x1x16xf32>
        tpu.vector_store %arg9[%swap3A_322, %swap3A_323, %swap3A_324], %swap3A_327 {strides = array<i32>} : memref<2x200x64xf32, #tpu.memory_space<vmem>>, vector<1x1x16xf32>,
        %add3A_328 = arith.constant 1 : i32
        %add3A_329 = arith.addi %mul3A_255, %add3A_328 : i32
        %get3A_330 = arith.constant 1 : i32
        %get3A_331 = arith.index_cast %get3A_330 : i32 to index
        %get3A_332 = arith.index_cast %add3A_329 : i32 to index
        %get3A_333 = arith.constant 0 : index
        %get3A_334 = tpu.vector_load %arg8[%get3A_331, %get3A_332, %get3A_333] {strides = array<i32>} : memref<2x200x128xf32, #tpu.memory_space<vmem>>, vector<1x1x16xf32>,
        %get3A_335 = vector.shape_cast %get3A_334 : vector<1x1x16xf32> to vector<16xf32>
        %get3A_336 = arith.index_cast %add3A_329 : i32 to index
        %get3A_337 = arith.constant 0 : index
        %get3A_338 = tpu.vector_load %arg7[%get3A_336, %get3A_337] {strides = array<i32>} : memref<200x64xf32, #tpu.memory_space<vmem>>, vector<1x16xf32>,
        %get3A_339 = vector.shape_cast %get3A_338 : vector<1x16xf32> to vector<16xf32>
        %add3A_340 = arith.addf %get3A_335, %get3A_339 : vector<16xf32>
        %swap3A_341 = arith.constant 1 : i32
        %swap3A_342 = arith.index_cast %swap3A_341 : i32 to index
        %swap3A_343 = arith.index_cast %add3A_329 : i32 to index
        %swap3A_344 = arith.constant 0 : index
        %swap3A_345 = tpu.vector_load %arg9[%swap3A_342, %swap3A_343, %swap3A_344] {strides = array<i32>} : memref<2x200x64xf32, #tpu.memory_space<vmem>>, vector<1x1x16xf32>,
        %swap3A_346 = vector.shape_cast %swap3A_345 : vector<1x1x16xf32> to vector<16xf32>
        %swap3A_347 = vector.shape_cast %add3A_340 : vector<16xf32> to vector<1x1x16xf32>
        tpu.vector_store %arg9[%swap3A_342, %swap3A_343, %swap3A_344], %swap3A_347 {strides = array<i32>} : memref<2x200x64xf32, #tpu.memory_space<vmem>>, vector<1x1x16xf32>,
        %get3A_348 = arith.constant 1 : i32
        %get3A_349 = arith.index_cast %get3A_348 : i32 to index
        %get3A_350 = arith.index_cast %add3A_329 : i32 to index
        %get3A_351 = arith.constant 16 : index
        %get3A_352 = tpu.vector_load %arg8[%get3A_349, %get3A_350, %get3A_351] {strides = array<i32>} : memref<2x200x128xf32, #tpu.memory_space<vmem>>, vector<1x1x16xf32>,
        %get3A_353 = vector.shape_cast %get3A_352 : vector<1x1x16xf32> to vector<16xf32>
        %get3A_354 = arith.index_cast %add3A_329 : i32 to index
        %get3A_355 = arith.constant 16 : index
        %get3A_356 = tpu.vector_load %arg7[%get3A_354, %get3A_355] {strides = array<i32>} : memref<200x64xf32, #tpu.memory_space<vmem>>, vector<1x16xf32>,
        %get3A_357 = vector.shape_cast %get3A_356 : vector<1x16xf32> to vector<16xf32>
        %add3A_358 = arith.addf %get3A_353, %get3A_357 : vector<16xf32>
        %swap3A_359 = arith.constant 1 : i32
        %swap3A_360 = arith.index_cast %swap3A_359 : i32 to index
        %swap3A_361 = arith.index_cast %add3A_329 : i32 to index
        %swap3A_362 = arith.constant 16 : index
        %swap3A_363 = tpu.vector_load %arg9[%swap3A_360, %swap3A_361, %swap3A_362] {strides = array<i32>} : memref<2x200x64xf32, #tpu.memory_space<vmem>>, vector<1x1x16xf32>,
        %swap3A_364 = vector.shape_cast %swap3A_363 : vector<1x1x16xf32> to vector<16xf32>
        %swap3A_365 = vector.shape_cast %add3A_358 : vector<16xf32> to vector<1x1x16xf32>
        tpu.vector_store %arg9[%swap3A_360, %swap3A_361, %swap3A_362], %swap3A_365 {strides = array<i32>} : memref<2x200x64xf32, #tpu.memory_space<vmem>>, vector<1x1x16xf32>,
        %get3A_366 = arith.constant 1 : i32
        %get3A_367 = arith.index_cast %get3A_366 : i32 to index
        %get3A_368 = arith.index_cast %add3A_329 : i32 to index
        %get3A_369 = arith.constant 32 : index
        %get3A_370 = tpu.vector_load %arg8[%get3A_367, %get3A_368, %get3A_369] {strides = array<i32>} : memref<2x200x128xf32, #tpu.memory_space<vmem>>, vector<1x1x16xf32>,
        %get3A_371 = vector.shape_cast %get3A_370 : vector<1x1x16xf32> to vector<16xf32>
        %get3A_372 = arith.index_cast %add3A_329 : i32 to index
        %get3A_373 = arith.constant 32 : index
        %get3A_374 = tpu.vector_load %arg7[%get3A_372, %get3A_373] {strides = array<i32>} : memref<200x64xf32, #tpu.memory_space<vmem>>, vector<1x16xf32>,
        %get3A_375 = vector.shape_cast %get3A_374 : vector<1x16xf32> to vector<16xf32>
        %add3A_376 = arith.addf %get3A_371, %get3A_375 : vector<16xf32>
        %swap3A_377 = arith.constant 1 : i32
        %swap3A_378 = arith.index_cast %swap3A_377 : i32 to index
        %swap3A_379 = arith.index_cast %add3A_329 : i32 to index
        %swap3A_380 = arith.constant 32 : index
        %swap3A_381 = tpu.vector_load %arg9[%swap3A_378, %swap3A_379, %swap3A_380] {strides = array<i32>} : memref<2x200x64xf32, #tpu.memory_space<vmem>>, vector<1x1x16xf32>,
        %swap3A_382 = vector.shape_cast %swap3A_381 : vector<1x1x16xf32> to vector<16xf32>
        %swap3A_383 = vector.shape_cast %add3A_376 : vector<16xf32> to vector<1x1x16xf32>
        tpu.vector_store %arg9[%swap3A_378, %swap3A_379, %swap3A_380], %swap3A_383 {strides = array<i32>} : memref<2x200x64xf32, #tpu.memory_space<vmem>>, vector<1x1x16xf32>,
        %get3A_384 = arith.constant 1 : i32
        %get3A_385 = arith.index_cast %get3A_384 : i32 to index
        %get3A_386 = arith.index_cast %add3A_329 : i32 to index
        %get3A_387 = arith.constant 48 : index
        %get3A_388 = tpu.vector_load %arg8[%get3A_385, %get3A_386, %get3A_387] {strides = array<i32>} : memref<2x200x128xf32, #tpu.memory_space<vmem>>, vector<1x1x16xf32>,
        %get3A_389 = vector.shape_cast %get3A_388 : vector<1x1x16xf32> to vector<16xf32>
        %get3A_390 = arith.index_cast %add3A_329 : i32 to index
        %get3A_391 = arith.constant 48 : index
        %get3A_392 = tpu.vector_load %arg7[%get3A_390, %get3A_391] {strides = array<i32>} : memref<200x64xf32, #tpu.memory_space<vmem>>, vector<1x16xf32>,
        %get3A_393 = vector.shape_cast %get3A_392 : vector<1x16xf32> to vector<16xf32>
        %add3A_394 = arith.addf %get3A_389, %get3A_393 : vector<16xf32>
        %swap3A_395 = arith.constant 1 : i32
        %swap3A_396 = arith.index_cast %swap3A_395 : i32 to index
        %swap3A_397 = arith.index_cast %add3A_329 : i32 to index
        %swap3A_398 = arith.constant 48 : index
        %swap3A_399 = tpu.vector_load %arg9[%swap3A_396, %swap3A_397, %swap3A_398] {strides = array<i32>} : memref<2x200x64xf32, #tpu.memory_space<vmem>>, vector<1x1x16xf32>,
        %swap3A_400 = vector.shape_cast %swap3A_399 : vector<1x1x16xf32> to vector<16xf32>
        %swap3A_401 = vector.shape_cast %add3A_394 : vector<16xf32> to vector<1x1x16xf32>
        tpu.vector_store %arg9[%swap3A_396, %swap3A_397, %swap3A_398], %swap3A_401 {strides = array<i32>} : memref<2x200x64xf32, #tpu.memory_space<vmem>>, vector<1x1x16xf32>,
        %add3A_402 = arith.constant 2 : i32
        %add3A_403 = arith.addi %mul3A_255, %add3A_402 : i32
        %get3A_404 = arith.constant 1 : i32
        %get3A_405 = arith.index_cast %get3A_404 : i32 to index
        %get3A_406 = arith.index_cast %add3A_403 : i32 to index
        %get3A_407 = arith.constant 0 : index
        %get3A_408 = tpu.vector_load %arg8[%get3A_405, %get3A_406, %get3A_407] {strides = array<i32>} : memref<2x200x128xf32, #tpu.memory_space<vmem>>, vector<1x1x16xf32>,
        %get3A_409 = vector.shape_cast %get3A_408 : vector<1x1x16xf32> to vector<16xf32>
        %get3A_410 = arith.index_cast %add3A_403 : i32 to index
        %get3A_411 = arith.constant 0 : index
        %get3A_412 = tpu.vector_load %arg7[%get3A_410, %get3A_411] {strides = array<i32>} : memref<200x64xf32, #tpu.memory_space<vmem>>, vector<1x16xf32>,
        %get3A_413 = vector.shape_cast %get3A_412 : vector<1x16xf32> to vector<16xf32>
        %add3A_414 = arith.addf %get3A_409, %get3A_413 : vector<16xf32>
        %swap3A_415 = arith.constant 1 : i32
        %swap3A_416 = arith.index_cast %swap3A_415 : i32 to index
        %swap3A_417 = arith.index_cast %add3A_403 : i32 to index
        %swap3A_418 = arith.constant 0 : index
        %swap3A_419 = tpu.vector_load %arg9[%swap3A_416, %swap3A_417, %swap3A_418] {strides = array<i32>} : memref<2x200x64xf32, #tpu.memory_space<vmem>>, vector<1x1x16xf32>,
        %swap3A_420 = vector.shape_cast %swap3A_419 : vector<1x1x16xf32> to vector<16xf32>
        %swap3A_421 = vector.shape_cast %add3A_414 : vector<16xf32> to vector<1x1x16xf32>
        tpu.vector_store %arg9[%swap3A_416, %swap3A_417, %swap3A_418], %swap3A_421 {strides = array<i32>} : memref<2x200x64xf32, #tpu.memory_space<vmem>>, vector<1x1x16xf32>,
        %get3A_422 = arith.constant 1 : i32
        %get3A_423 = arith.index_cast %get3A_422 : i32 to index
        %get3A_424 = arith.index_cast %add3A_403 : i32 to index
        %get3A_425 = arith.constant 16 : index
        %get3A_426 = tpu.vector_load %arg8[%get3A_423, %get3A_424, %get3A_425] {strides = array<i32>} : memref<2x200x128xf32, #tpu.memory_space<vmem>>, vector<1x1x16xf32>,
        %get3A_427 = vector.shape_cast %get3A_426 : vector<1x1x16xf32> to vector<16xf32>
        %get3A_428 = arith.index_cast %add3A_403 : i32 to index
        %get3A_429 = arith.constant 16 : index
        %get3A_430 = tpu.vector_load %arg7[%get3A_428, %get3A_429] {strides = array<i32>} : memref<200x64xf32, #tpu.memory_space<vmem>>, vector<1x16xf32>,
        %get3A_431 = vector.shape_cast %get3A_430 : vector<1x16xf32> to vector<16xf32>
        %add3A_432 = arith.addf %get3A_427, %get3A_431 : vector<16xf32>
        %swap3A_433 = arith.constant 1 : i32
        %swap3A_434 = arith.index_cast %swap3A_433 : i32 to index
        %swap3A_435 = arith.index_cast %add3A_403 : i32 to index
        %swap3A_436 = arith.constant 16 : index
        %swap3A_437 = tpu.vector_load %arg9[%swap3A_434, %swap3A_435, %swap3A_436] {strides = array<i32>} : memref<2x200x64xf32, #tpu.memory_space<vmem>>, vector<1x1x16xf32>,
        %swap3A_438 = vector.shape_cast %swap3A_437 : vector<1x1x16xf32> to vector<16xf32>
        %swap3A_439 = vector.shape_cast %add3A_432 : vector<16xf32> to vector<1x1x16xf32>
        tpu.vector_store %arg9[%swap3A_434, %swap3A_435, %swap3A_436], %swap3A_439 {strides = array<i32>} : memref<2x200x64xf32, #tpu.memory_space<vmem>>, vector<1x1x16xf32>,
        %get3A_440 = arith.constant 1 : i32
        %get3A_441 = arith.index_cast %get3A_440 : i32 to index
        %get3A_442 = arith.index_cast %add3A_403 : i32 to index
        %get3A_443 = arith.constant 32 : index
        %get3A_444 = tpu.vector_load %arg8[%get3A_441, %get3A_442, %get3A_443] {strides = array<i32>} : memref<2x200x128xf32, #tpu.memory_space<vmem>>, vector<1x1x16xf32>,
        %get3A_445 = vector.shape_cast %get3A_444 : vector<1x1x16xf32> to vector<16xf32>
        %get3A_446 = arith.index_cast %add3A_403 : i32 to index
        %get3A_447 = arith.constant 32 : index
        %get3A_448 = tpu.vector_load %arg7[%get3A_446, %get3A_447] {strides = array<i32>} : memref<200x64xf32, #tpu.memory_space<vmem>>, vector<1x16xf32>,
        %get3A_449 = vector.shape_cast %get3A_448 : vector<1x16xf32> to vector<16xf32>
        %add3A_450 = arith.addf %get3A_445, %get3A_449 : vector<16xf32>
        %swap3A_451 = arith.constant 1 : i32
        %swap3A_452 = arith.index_cast %swap3A_451 : i32 to index
        %swap3A_453 = arith.index_cast %add3A_403 : i32 to index
        %swap3A_454 = arith.constant 32 : index
        %swap3A_455 = tpu.vector_load %arg9[%swap3A_452, %swap3A_453, %swap3A_454] {strides = array<i32>} : memref<2x200x64xf32, #tpu.memory_space<vmem>>, vector<1x1x16xf32>,
        %swap3A_456 = vector.shape_cast %swap3A_455 : vector<1x1x16xf32> to vector<16xf32>
        %swap3A_457 = vector.shape_cast %add3A_450 : vector<16xf32> to vector<1x1x16xf32>
        tpu.vector_store %arg9[%swap3A_452, %swap3A_453, %swap3A_454], %swap3A_457 {strides = array<i32>} : memref<2x200x64xf32, #tpu.memory_space<vmem>>, vector<1x1x16xf32>,
        %get3A_458 = arith.constant 1 : i32
        %get3A_459 = arith.index_cast %get3A_458 : i32 to index
        %get3A_460 = arith.index_cast %add3A_403 : i32 to index
        %get3A_461 = arith.constant 48 : index
        %get3A_462 = tpu.vector_load %arg8[%get3A_459, %get3A_460, %get3A_461] {strides = array<i32>} : memref<2x200x128xf32, #tpu.memory_space<vmem>>, vector<1x1x16xf32>,
        %get3A_463 = vector.shape_cast %get3A_462 : vector<1x1x16xf32> to vector<16xf32>
        %get3A_464 = arith.index_cast %add3A_403 : i32 to index
        %get3A_465 = arith.constant 48 : index
        %get3A_466 = tpu.vector_load %arg7[%get3A_464, %get3A_465] {strides = array<i32>} : memref<200x64xf32, #tpu.memory_space<vmem>>, vector<1x16xf32>,
        %get3A_467 = vector.shape_cast %get3A_466 : vector<1x16xf32> to vector<16xf32>
        %add3A_468 = arith.addf %get3A_463, %get3A_467 : vector<16xf32>
        %swap3A_469 = arith.constant 1 : i32
        %swap3A_470 = arith.index_cast %swap3A_469 : i32 to index
        %swap3A_471 = arith.index_cast %add3A_403 : i32 to index
        %swap3A_472 = arith.constant 48 : index
        %swap3A_473 = tpu.vector_load %arg9[%swap3A_470, %swap3A_471, %swap3A_472] {strides = array<i32>} : memref<2x200x64xf32, #tpu.memory_space<vmem>>, vector<1x1x16xf32>,
        %swap3A_474 = vector.shape_cast %swap3A_473 : vector<1x1x16xf32> to vector<16xf32>
        %swap3A_475 = vector.shape_cast %add3A_468 : vector<16xf32> to vector<1x1x16xf32>
        tpu.vector_store %arg9[%swap3A_470, %swap3A_471, %swap3A_472], %swap3A_475 {strides = array<i32>} : memref<2x200x64xf32, #tpu.memory_space<vmem>>, vector<1x1x16xf32>,
        %add3A_476 = arith.constant 3 : i32
        %add3A_477 = arith.addi %mul3A_255, %add3A_476 : i32
        %get3A_478 = arith.constant 1 : i32
        %get3A_479 = arith.index_cast %get3A_478 : i32 to index
        %get3A_480 = arith.index_cast %add3A_477 : i32 to index
        %get3A_481 = arith.constant 0 : index
        %get3A_482 = tpu.vector_load %arg8[%get3A_479, %get3A_480, %get3A_481] {strides = array<i32>} : memref<2x200x128xf32, #tpu.memory_space<vmem>>, vector<1x1x16xf32>,
        %get3A_483 = vector.shape_cast %get3A_482 : vector<1x1x16xf32> to vector<16xf32>
        %get3A_484 = arith.index_cast %add3A_477 : i32 to index
        %get3A_485 = arith.constant 0 : index
        %get3A_486 = tpu.vector_load %arg7[%get3A_484, %get3A_485] {strides = array<i32>} : memref<200x64xf32, #tpu.memory_space<vmem>>, vector<1x16xf32>,
        %get3A_487 = vector.shape_cast %get3A_486 : vector<1x16xf32> to vector<16xf32>
        %add3A_488 = arith.addf %get3A_483, %get3A_487 : vector<16xf32>
        %swap3A_489 = arith.constant 1 : i32
        %swap3A_490 = arith.index_cast %swap3A_489 : i32 to index
        %swap3A_491 = arith.index_cast %add3A_477 : i32 to index
        %swap3A_492 = arith.constant 0 : index
        %swap3A_493 = tpu.vector_load %arg9[%swap3A_490, %swap3A_491, %swap3A_492] {strides = array<i32>} : memref<2x200x64xf32, #tpu.memory_space<vmem>>, vector<1x1x16xf32>,
        %swap3A_494 = vector.shape_cast %swap3A_493 : vector<1x1x16xf32> to vector<16xf32>
        %swap3A_495 = vector.shape_cast %add3A_488 : vector<16xf32> to vector<1x1x16xf32>
        tpu.vector_store %arg9[%swap3A_490, %swap3A_491, %swap3A_492], %swap3A_495 {strides = array<i32>} : memref<2x200x64xf32, #tpu.memory_space<vmem>>, vector<1x1x16xf32>,
        %get3A_496 = arith.constant 1 : i32
        %get3A_497 = arith.index_cast %get3A_496 : i32 to index
        %get3A_498 = arith.index_cast %add3A_477 : i32 to index
        %get3A_499 = arith.constant 16 : index
        %get3A_500 = tpu.vector_load %arg8[%get3A_497, %get3A_498, %get3A_499] {strides = array<i32>} : memref<2x200x128xf32, #tpu.memory_space<vmem>>, vector<1x1x16xf32>,
        %get3A_501 = vector.shape_cast %get3A_500 : vector<1x1x16xf32> to vector<16xf32>
        %get3A_502 = arith.index_cast %add3A_477 : i32 to index
        %get3A_503 = arith.constant 16 : index
        %get3A_504 = tpu.vector_load %arg7[%get3A_502, %get3A_503] {strides = array<i32>} : memref<200x64xf32, #tpu.memory_space<vmem>>, vector<1x16xf32>,
        %get3A_505 = vector.shape_cast %get3A_504 : vector<1x16xf32> to vector<16xf32>
        %add3A_506 = arith.addf %get3A_501, %get3A_505 : vector<16xf32>
        %swap3A_507 = arith.constant 1 : i32
        %swap3A_508 = arith.index_cast %swap3A_507 : i32 to index
        %swap3A_509 = arith.index_cast %add3A_477 : i32 to index
        %swap3A_510 = arith.constant 16 : index
        %swap3A_511 = tpu.vector_load %arg9[%swap3A_508, %swap3A_509, %swap3A_510] {strides = array<i32>} : memref<2x200x64xf32, #tpu.memory_space<vmem>>, vector<1x1x16xf32>,
        %swap3A_512 = vector.shape_cast %swap3A_511 : vector<1x1x16xf32> to vector<16xf32>
        %swap3A_513 = vector.shape_cast %add3A_506 : vector<16xf32> to vector<1x1x16xf32>
        tpu.vector_store %arg9[%swap3A_508, %swap3A_509, %swap3A_510], %swap3A_513 {strides = array<i32>} : memref<2x200x64xf32, #tpu.memory_space<vmem>>, vector<1x1x16xf32>,
        %get3A_514 = arith.constant 1 : i32
        %get3A_515 = arith.index_cast %get3A_514 : i32 to index
        %get3A_516 = arith.index_cast %add3A_477 : i32 to index
        %get3A_517 = arith.constant 32 : index
        %get3A_518 = tpu.vector_load %arg8[%get3A_515, %get3A_516, %get3A_517] {strides = array<i32>} : memref<2x200x128xf32, #tpu.memory_space<vmem>>, vector<1x1x16xf32>,
        %get3A_519 = vector.shape_cast %get3A_518 : vector<1x1x16xf32> to vector<16xf32>
        %get3A_520 = arith.index_cast %add3A_477 : i32 to index
        %get3A_521 = arith.constant 32 : index
        %get3A_522 = tpu.vector_load %arg7[%get3A_520, %get3A_521] {strides = array<i32>} : memref<200x64xf32, #tpu.memory_space<vmem>>, vector<1x16xf32>,
        %get3A_523 = vector.shape_cast %get3A_522 : vector<1x16xf32> to vector<16xf32>
        %add3A_524 = arith.addf %get3A_519, %get3A_523 : vector<16xf32>
        %swap3A_525 = arith.constant 1 : i32
        %swap3A_526 = arith.index_cast %swap3A_525 : i32 to index
        %swap3A_527 = arith.index_cast %add3A_477 : i32 to index
        %swap3A_528 = arith.constant 32 : index
        %swap3A_529 = tpu.vector_load %arg9[%swap3A_526, %swap3A_527, %swap3A_528] {strides = array<i32>} : memref<2x200x64xf32, #tpu.memory_space<vmem>>, vector<1x1x16xf32>,
        %swap3A_530 = vector.shape_cast %swap3A_529 : vector<1x1x16xf32> to vector<16xf32>
        %swap3A_531 = vector.shape_cast %add3A_524 : vector<16xf32> to vector<1x1x16xf32>
        tpu.vector_store %arg9[%swap3A_526, %swap3A_527, %swap3A_528], %swap3A_531 {strides = array<i32>} : memref<2x200x64xf32, #tpu.memory_space<vmem>>, vector<1x1x16xf32>,
        %get3A_532 = arith.constant 1 : i32
        %get3A_533 = arith.index_cast %get3A_532 : i32 to index
        %get3A_534 = arith.index_cast %add3A_477 : i32 to index
        %get3A_535 = arith.constant 48 : index
        %get3A_536 = tpu.vector_load %arg8[%get3A_533, %get3A_534, %get3A_535] {strides = array<i32>} : memref<2x200x128xf32, #tpu.memory_space<vmem>>, vector<1x1x16xf32>,
        %get3A_537 = vector.shape_cast %get3A_536 : vector<1x1x16xf32> to vector<16xf32>
        %get3A_538 = arith.index_cast %add3A_477 : i32 to index
        %get3A_539 = arith.constant 48 : index
        %get3A_540 = tpu.vector_load %arg7[%get3A_538, %get3A_539] {strides = array<i32>} : memref<200x64xf32, #tpu.memory_space<vmem>>, vector<1x16xf32>,
        %get3A_541 = vector.shape_cast %get3A_540 : vector<1x16xf32> to vector<16xf32>
        %add3A_542 = arith.addf %get3A_537, %get3A_541 : vector<16xf32>
        %swap3A_543 = arith.constant 1 : i32
        %swap3A_544 = arith.index_cast %swap3A_543 : i32 to index
        %swap3A_545 = arith.index_cast %add3A_477 : i32 to index
        %swap3A_546 = arith.constant 48 : index
        %swap3A_547 = tpu.vector_load %arg9[%swap3A_544, %swap3A_545, %swap3A_546] {strides = array<i32>} : memref<2x200x64xf32, #tpu.memory_space<vmem>>, vector<1x1x16xf32>,
        %swap3A_548 = vector.shape_cast %swap3A_547 : vector<1x1x16xf32> to vector<16xf32>
        %swap3A_549 = vector.shape_cast %add3A_542 : vector<16xf32> to vector<1x1x16xf32>
        tpu.vector_store %arg9[%swap3A_544, %swap3A_545, %swap3A_546], %swap3A_549 {strides = array<i32>} : memref<2x200x64xf32, #tpu.memory_space<vmem>>, vector<1x1x16xf32>,
        %add3A_550 = arith.constant 4 : i32
        %add3A_551 = arith.addi %mul3A_255, %add3A_550 : i32
        %get3A_552 = arith.constant 1 : i32
        %get3A_553 = arith.index_cast %get3A_552 : i32 to index
        %get3A_554 = arith.index_cast %add3A_551 : i32 to index
        %get3A_555 = arith.constant 0 : index
        %get3A_556 = tpu.vector_load %arg8[%get3A_553, %get3A_554, %get3A_555] {strides = array<i32>} : memref<2x200x128xf32, #tpu.memory_space<vmem>>, vector<1x1x16xf32>,
        %get3A_557 = vector.shape_cast %get3A_556 : vector<1x1x16xf32> to vector<16xf32>
        %get3A_558 = arith.index_cast %add3A_551 : i32 to index
        %get3A_559 = arith.constant 0 : index
        %get3A_560 = tpu.vector_load %arg7[%get3A_558, %get3A_559] {strides = array<i32>} : memref<200x64xf32, #tpu.memory_space<vmem>>, vector<1x16xf32>,
        %get3A_561 = vector.shape_cast %get3A_560 : vector<1x16xf32> to vector<16xf32>
        %add3A_562 = arith.addf %get3A_557, %get3A_561 : vector<16xf32>
        %swap3A_563 = arith.constant 1 : i32
        %swap3A_564 = arith.index_cast %swap3A_563 : i32 to index
        %swap3A_565 = arith.index_cast %add3A_551 : i32 to index
        %swap3A_566 = arith.constant 0 : index
        %swap3A_567 = tpu.vector_load %arg9[%swap3A_564, %swap3A_565, %swap3A_566] {strides = array<i32>} : memref<2x200x64xf32, #tpu.memory_space<vmem>>, vector<1x1x16xf32>,
        %swap3A_568 = vector.shape_cast %swap3A_567 : vector<1x1x16xf32> to vector<16xf32>
        %swap3A_569 = vector.shape_cast %add3A_562 : vector<16xf32> to vector<1x1x16xf32>
        tpu.vector_store %arg9[%swap3A_564, %swap3A_565, %swap3A_566], %swap3A_569 {strides = array<i32>} : memref<2x200x64xf32, #tpu.memory_space<vmem>>, vector<1x1x16xf32>,
        %get3A_570 = arith.constant 1 : i32
        %get3A_571 = arith.index_cast %get3A_570 : i32 to index
        %get3A_572 = arith.index_cast %add3A_551 : i32 to index
        %get3A_573 = arith.constant 16 : index
        %get3A_574 = tpu.vector_load %arg8[%get3A_571, %get3A_572, %get3A_573] {strides = array<i32>} : memref<2x200x128xf32, #tpu.memory_space<vmem>>, vector<1x1x16xf32>,
        %get3A_575 = vector.shape_cast %get3A_574 : vector<1x1x16xf32> to vector<16xf32>
        %get3A_576 = arith.index_cast %add3A_551 : i32 to index
        %get3A_577 = arith.constant 16 : index
        %get3A_578 = tpu.vector_load %arg7[%get3A_576, %get3A_577] {strides = array<i32>} : memref<200x64xf32, #tpu.memory_space<vmem>>, vector<1x16xf32>,
        %get3A_579 = vector.shape_cast %get3A_578 : vector<1x16xf32> to vector<16xf32>
        %add3A_580 = arith.addf %get3A_575, %get3A_579 : vector<16xf32>
        %swap3A_581 = arith.constant 1 : i32
        %swap3A_582 = arith.index_cast %swap3A_581 : i32 to index
        %swap3A_583 = arith.index_cast %add3A_551 : i32 to index
        %swap3A_584 = arith.constant 16 : index
        %swap3A_585 = tpu.vector_load %arg9[%swap3A_582, %swap3A_583, %swap3A_584] {strides = array<i32>} : memref<2x200x64xf32, #tpu.memory_space<vmem>>, vector<1x1x16xf32>,
        %swap3A_586 = vector.shape_cast %swap3A_585 : vector<1x1x16xf32> to vector<16xf32>
        %swap3A_587 = vector.shape_cast %add3A_580 : vector<16xf32> to vector<1x1x16xf32>
        tpu.vector_store %arg9[%swap3A_582, %swap3A_583, %swap3A_584], %swap3A_587 {strides = array<i32>} : memref<2x200x64xf32, #tpu.memory_space<vmem>>, vector<1x1x16xf32>,
        %get3A_588 = arith.constant 1 : i32
        %get3A_589 = arith.index_cast %get3A_588 : i32 to index
        %get3A_590 = arith.index_cast %add3A_551 : i32 to index
        %get3A_591 = arith.constant 32 : index
        %get3A_592 = tpu.vector_load %arg8[%get3A_589, %get3A_590, %get3A_591] {strides = array<i32>} : memref<2x200x128xf32, #tpu.memory_space<vmem>>, vector<1x1x16xf32>,
        %get3A_593 = vector.shape_cast %get3A_592 : vector<1x1x16xf32> to vector<16xf32>
        %get3A_594 = arith.index_cast %add3A_551 : i32 to index
        %get3A_595 = arith.constant 32 : index
        %get3A_596 = tpu.vector_load %arg7[%get3A_594, %get3A_595] {strides = array<i32>} : memref<200x64xf32, #tpu.memory_space<vmem>>, vector<1x16xf32>,
        %get3A_597 = vector.shape_cast %get3A_596 : vector<1x16xf32> to vector<16xf32>
        %add3A_598 = arith.addf %get3A_593, %get3A_597 : vector<16xf32>
        %swap3A_599 = arith.constant 1 : i32
        %swap3A_600 = arith.index_cast %swap3A_599 : i32 to index
        %swap3A_601 = arith.index_cast %add3A_551 : i32 to index
        %swap3A_602 = arith.constant 32 : index
        %swap3A_603 = tpu.vector_load %arg9[%swap3A_600, %swap3A_601, %swap3A_602] {strides = array<i32>} : memref<2x200x64xf32, #tpu.memory_space<vmem>>, vector<1x1x16xf32>,
        %swap3A_604 = vector.shape_cast %swap3A_603 : vector<1x1x16xf32> to vector<16xf32>
        %swap3A_605 = vector.shape_cast %add3A_598 : vector<16xf32> to vector<1x1x16xf32>
        tpu.vector_store %arg9[%swap3A_600, %swap3A_601, %swap3A_602], %swap3A_605 {strides = array<i32>} : memref<2x200x64xf32, #tpu.memory_space<vmem>>, vector<1x1x16xf32>,
        %get3A_606 = arith.constant 1 : i32
        %get3A_607 = arith.index_cast %get3A_606 : i32 to index
        %get3A_608 = arith.index_cast %add3A_551 : i32 to index
        %get3A_609 = arith.constant 48 : index
        %get3A_610 = tpu.vector_load %arg8[%get3A_607, %get3A_608, %get3A_609] {strides = array<i32>} : memref<2x200x128xf32, #tpu.memory_space<vmem>>, vector<1x1x16xf32>,
        %get3A_611 = vector.shape_cast %get3A_610 : vector<1x1x16xf32> to vector<16xf32>
        %get3A_612 = arith.index_cast %add3A_551 : i32 to index
        %get3A_613 = arith.constant 48 : index
        %get3A_614 = tpu.vector_load %arg7[%get3A_612, %get3A_613] {strides = array<i32>} : memref<200x64xf32, #tpu.memory_space<vmem>>, vector<1x16xf32>,
        %get3A_615 = vector.shape_cast %get3A_614 : vector<1x16xf32> to vector<16xf32>
        %add3A_616 = arith.addf %get3A_611, %get3A_615 : vector<16xf32>
        %swap3A_617 = arith.constant 1 : i32
        %swap3A_618 = arith.index_cast %swap3A_617 : i32 to index
        %swap3A_619 = arith.index_cast %add3A_551 : i32 to index
        %swap3A_620 = arith.constant 48 : index
        %swap3A_621 = tpu.vector_load %arg9[%swap3A_618, %swap3A_619, %swap3A_620] {strides = array<i32>} : memref<2x200x64xf32, #tpu.memory_space<vmem>>, vector<1x1x16xf32>,
        %swap3A_622 = vector.shape_cast %swap3A_621 : vector<1x1x16xf32> to vector<16xf32>
        %swap3A_623 = vector.shape_cast %add3A_616 : vector<16xf32> to vector<1x1x16xf32>
        tpu.vector_store %arg9[%swap3A_618, %swap3A_619, %swap3A_620], %swap3A_623 {strides = array<i32>} : memref<2x200x64xf32, #tpu.memory_space<vmem>>, vector<1x1x16xf32>,
        %add3A_624 = arith.constant 5 : i32
        %add3A_625 = arith.addi %mul3A_255, %add3A_624 : i32
        %get3A_626 = arith.constant 1 : i32
        %get3A_627 = arith.index_cast %get3A_626 : i32 to index
        %get3A_628 = arith.index_cast %add3A_625 : i32 to index
        %get3A_629 = arith.constant 0 : index
        %get3A_630 = tpu.vector_load %arg8[%get3A_627, %get3A_628, %get3A_629] {strides = array<i32>} : memref<2x200x128xf32, #tpu.memory_space<vmem>>, vector<1x1x16xf32>,
        %get3A_631 = vector.shape_cast %get3A_630 : vector<1x1x16xf32> to vector<16xf32>
        %get3A_632 = arith.index_cast %add3A_625 : i32 to index
        %get3A_633 = arith.constant 0 : index
        %get3A_634 = tpu.vector_load %arg7[%get3A_632, %get3A_633] {strides = array<i32>} : memref<200x64xf32, #tpu.memory_space<vmem>>, vector<1x16xf32>,
        %get3A_635 = vector.shape_cast %get3A_634 : vector<1x16xf32> to vector<16xf32>
        %add3A_636 = arith.addf %get3A_631, %get3A_635 : vector<16xf32>
        %swap3A_637 = arith.constant 1 : i32
        %swap3A_638 = arith.index_cast %swap3A_637 : i32 to index
        %swap3A_639 = arith.index_cast %add3A_625 : i32 to index
        %swap3A_640 = arith.constant 0 : index
        %swap3A_641 = tpu.vector_load %arg9[%swap3A_638, %swap3A_639, %swap3A_640] {strides = array<i32>} : memref<2x200x64xf32, #tpu.memory_space<vmem>>, vector<1x1x16xf32>,
        %swap3A_642 = vector.shape_cast %swap3A_641 : vector<1x1x16xf32> to vector<16xf32>
        %swap3A_643 = vector.shape_cast %add3A_636 : vector<16xf32> to vector<1x1x16xf32>
        tpu.vector_store %arg9[%swap3A_638, %swap3A_639, %swap3A_640], %swap3A_643 {strides = array<i32>} : memref<2x200x64xf32, #tpu.memory_space<vmem>>, vector<1x1x16xf32>,
        %get3A_644 = arith.constant 1 : i32
        %get3A_645 = arith.index_cast %get3A_644 : i32 to index
        %get3A_646 = arith.index_cast %add3A_625 : i32 to index
        %get3A_647 = arith.constant 16 : index
        %get3A_648 = tpu.vector_load %arg8[%get3A_645, %get3A_646, %get3A_647] {strides = array<i32>} : memref<2x200x128xf32, #tpu.memory_space<vmem>>, vector<1x1x16xf32>,
        %get3A_649 = vector.shape_cast %get3A_648 : vector<1x1x16xf32> to vector<16xf32>
        %get3A_650 = arith.index_cast %add3A_625 : i32 to index
        %get3A_651 = arith.constant 16 : index
        %get3A_652 = tpu.vector_load %arg7[%get3A_650, %get3A_651] {strides = array<i32>} : memref<200x64xf32, #tpu.memory_space<vmem>>, vector<1x16xf32>,
        %get3A_653 = vector.shape_cast %get3A_652 : vector<1x16xf32> to vector<16xf32>
        %add3A_654 = arith.addf %get3A_649, %get3A_653 : vector<16xf32>
        %swap3A_655 = arith.constant 1 : i32
        %swap3A_656 = arith.index_cast %swap3A_655 : i32 to index
        %swap3A_657 = arith.index_cast %add3A_625 : i32 to index
        %swap3A_658 = arith.constant 16 : index
        %swap3A_659 = tpu.vector_load %arg9[%swap3A_656, %swap3A_657, %swap3A_658] {strides = array<i32>} : memref<2x200x64xf32, #tpu.memory_space<vmem>>, vector<1x1x16xf32>,
        %swap3A_660 = vector.shape_cast %swap3A_659 : vector<1x1x16xf32> to vector<16xf32>
        %swap3A_661 = vector.shape_cast %add3A_654 : vector<16xf32> to vector<1x1x16xf32>
        tpu.vector_store %arg9[%swap3A_656, %swap3A_657, %swap3A_658], %swap3A_661 {strides = array<i32>} : memref<2x200x64xf32, #tpu.memory_space<vmem>>, vector<1x1x16xf32>,
        %get3A_662 = arith.constant 1 : i32
        %get3A_663 = arith.index_cast %get3A_662 : i32 to index
        %get3A_664 = arith.index_cast %add3A_625 : i32 to index
        %get3A_665 = arith.constant 32 : index
        %get3A_666 = tpu.vector_load %arg8[%get3A_663, %get3A_664, %get3A_665] {strides = array<i32>} : memref<2x200x128xf32, #tpu.memory_space<vmem>>, vector<1x1x16xf32>,
        %get3A_667 = vector.shape_cast %get3A_666 : vector<1x1x16xf32> to vector<16xf32>
        %get3A_668 = arith.index_cast %add3A_625 : i32 to index
        %get3A_669 = arith.constant 32 : index
        %get3A_670 = tpu.vector_load %arg7[%get3A_668, %get3A_669] {strides = array<i32>} : memref<200x64xf32, #tpu.memory_space<vmem>>, vector<1x16xf32>,
        %get3A_671 = vector.shape_cast %get3A_670 : vector<1x16xf32> to vector<16xf32>
        %add3A_672 = arith.addf %get3A_667, %get3A_671 : vector<16xf32>
        %swap3A_673 = arith.constant 1 : i32
        %swap3A_674 = arith.index_cast %swap3A_673 : i32 to index
        %swap3A_675 = arith.index_cast %add3A_625 : i32 to index
        %swap3A_676 = arith.constant 32 : index
        %swap3A_677 = tpu.vector_load %arg9[%swap3A_674, %swap3A_675, %swap3A_676] {strides = array<i32>} : memref<2x200x64xf32, #tpu.memory_space<vmem>>, vector<1x1x16xf32>,
        %swap3A_678 = vector.shape_cast %swap3A_677 : vector<1x1x16xf32> to vector<16xf32>
        %swap3A_679 = vector.shape_cast %add3A_672 : vector<16xf32> to vector<1x1x16xf32>
        tpu.vector_store %arg9[%swap3A_674, %swap3A_675, %swap3A_676], %swap3A_679 {strides = array<i32>} : memref<2x200x64xf32, #tpu.memory_space<vmem>>, vector<1x1x16xf32>,
        %get3A_680 = arith.constant 1 : i32
        %get3A_681 = arith.index_cast %get3A_680 : i32 to index
        %get3A_682 = arith.index_cast %add3A_625 : i32 to index
        %get3A_683 = arith.constant 48 : index
        %get3A_684 = tpu.vector_load %arg8[%get3A_681, %get3A_682, %get3A_683] {strides = array<i32>} : memref<2x200x128xf32, #tpu.memory_space<vmem>>, vector<1x1x16xf32>,
        %get3A_685 = vector.shape_cast %get3A_684 : vector<1x1x16xf32> to vector<16xf32>
        %get3A_686 = arith.index_cast %add3A_625 : i32 to index
        %get3A_687 = arith.constant 48 : index
        %get3A_688 = tpu.vector_load %arg7[%get3A_686, %get3A_687] {strides = array<i32>} : memref<200x64xf32, #tpu.memory_space<vmem>>, vector<1x16xf32>,
        %get3A_689 = vector.shape_cast %get3A_688 : vector<1x16xf32> to vector<16xf32>
        %add3A_690 = arith.addf %get3A_685, %get3A_689 : vector<16xf32>
        %swap3A_691 = arith.constant 1 : i32
        %swap3A_692 = arith.index_cast %swap3A_691 : i32 to index
        %swap3A_693 = arith.index_cast %add3A_625 : i32 to index
        %swap3A_694 = arith.constant 48 : index
        %swap3A_695 = tpu.vector_load %arg9[%swap3A_692, %swap3A_693, %swap3A_694] {strides = array<i32>} : memref<2x200x64xf32, #tpu.memory_space<vmem>>, vector<1x1x16xf32>,
        %swap3A_696 = vector.shape_cast %swap3A_695 : vector<1x1x16xf32> to vector<16xf32>
        %swap3A_697 = vector.shape_cast %add3A_690 : vector<16xf32> to vector<1x1x16xf32>
        tpu.vector_store %arg9[%swap3A_692, %swap3A_693, %swap3A_694], %swap3A_697 {strides = array<i32>} : memref<2x200x64xf32, #tpu.memory_space<vmem>>, vector<1x1x16xf32>,
        %add3A_698 = arith.constant 6 : i32
        %add3A_699 = arith.addi %mul3A_255, %add3A_698 : i32
        %get3A_700 = arith.constant 1 : i32
        %get3A_701 = arith.index_cast %get3A_700 : i32 to index
        %get3A_702 = arith.index_cast %add3A_699 : i32 to index
        %get3A_703 = arith.constant 0 : index
        %get3A_704 = tpu.vector_load %arg8[%get3A_701, %get3A_702, %get3A_703] {strides = array<i32>} : memref<2x200x128xf32, #tpu.memory_space<vmem>>, vector<1x1x16xf32>,
        %get3A_705 = vector.shape_cast %get3A_704 : vector<1x1x16xf32> to vector<16xf32>
        %get3A_706 = arith.index_cast %add3A_699 : i32 to index
        %get3A_707 = arith.constant 0 : index
        %get3A_708 = tpu.vector_load %arg7[%get3A_706, %get3A_707] {strides = array<i32>} : memref<200x64xf32, #tpu.memory_space<vmem>>, vector<1x16xf32>,
        %get3A_709 = vector.shape_cast %get3A_708 : vector<1x16xf32> to vector<16xf32>
        %add3A_710 = arith.addf %get3A_705, %get3A_709 : vector<16xf32>
        %swap3A_711 = arith.constant 1 : i32
        %swap3A_712 = arith.index_cast %swap3A_711 : i32 to index
        %swap3A_713 = arith.index_cast %add3A_699 : i32 to index
        %swap3A_714 = arith.constant 0 : index
        %swap3A_715 = tpu.vector_load %arg9[%swap3A_712, %swap3A_713, %swap3A_714] {strides = array<i32>} : memref<2x200x64xf32, #tpu.memory_space<vmem>>, vector<1x1x16xf32>,
        %swap3A_716 = vector.shape_cast %swap3A_715 : vector<1x1x16xf32> to vector<16xf32>
        %swap3A_717 = vector.shape_cast %add3A_710 : vector<16xf32> to vector<1x1x16xf32>
        tpu.vector_store %arg9[%swap3A_712, %swap3A_713, %swap3A_714], %swap3A_717 {strides = array<i32>} : memref<2x200x64xf32, #tpu.memory_space<vmem>>, vector<1x1x16xf32>,
        %get3A_718 = arith.constant 1 : i32
        %get3A_719 = arith.index_cast %get3A_718 : i32 to index
        %get3A_720 = arith.index_cast %add3A_699 : i32 to index
        %get3A_721 = arith.constant 16 : index
        %get3A_722 = tpu.vector_load %arg8[%get3A_719, %get3A_720, %get3A_721] {strides = array<i32>} : memref<2x200x128xf32, #tpu.memory_space<vmem>>, vector<1x1x16xf32>,
        %get3A_723 = vector.shape_cast %get3A_722 : vector<1x1x16xf32> to vector<16xf32>
        %get3A_724 = arith.index_cast %add3A_699 : i32 to index
        %get3A_725 = arith.constant 16 : index
        %get3A_726 = tpu.vector_load %arg7[%get3A_724, %get3A_725] {strides = array<i32>} : memref<200x64xf32, #tpu.memory_space<vmem>>, vector<1x16xf32>,
        %get3A_727 = vector.shape_cast %get3A_726 : vector<1x16xf32> to vector<16xf32>
        %add3A_728 = arith.addf %get3A_723, %get3A_727 : vector<16xf32>
        %swap3A_729 = arith.constant 1 : i32
        %swap3A_730 = arith.index_cast %swap3A_729 : i32 to index
        %swap3A_731 = arith.index_cast %add3A_699 : i32 to index
        %swap3A_732 = arith.constant 16 : index
        %swap3A_733 = tpu.vector_load %arg9[%swap3A_730, %swap3A_731, %swap3A_732] {strides = array<i32>} : memref<2x200x64xf32, #tpu.memory_space<vmem>>, vector<1x1x16xf32>,
        %swap3A_734 = vector.shape_cast %swap3A_733 : vector<1x1x16xf32> to vector<16xf32>
        %swap3A_735 = vector.shape_cast %add3A_728 : vector<16xf32> to vector<1x1x16xf32>
        tpu.vector_store %arg9[%swap3A_730, %swap3A_731, %swap3A_732], %swap3A_735 {strides = array<i32>} : memref<2x200x64xf32, #tpu.memory_space<vmem>>, vector<1x1x16xf32>,
        %get3A_736 = arith.constant 1 : i32
        %get3A_737 = arith.index_cast %get3A_736 : i32 to index
        %get3A_738 = arith.index_cast %add3A_699 : i32 to index
        %get3A_739 = arith.constant 32 : index
        %get3A_740 = tpu.vector_load %arg8[%get3A_737, %get3A_738, %get3A_739] {strides = array<i32>} : memref<2x200x128xf32, #tpu.memory_space<vmem>>, vector<1x1x16xf32>,
        %get3A_741 = vector.shape_cast %get3A_740 : vector<1x1x16xf32> to vector<16xf32>
        %get3A_742 = arith.index_cast %add3A_699 : i32 to index
        %get3A_743 = arith.constant 32 : index
        %get3A_744 = tpu.vector_load %arg7[%get3A_742, %get3A_743] {strides = array<i32>} : memref<200x64xf32, #tpu.memory_space<vmem>>, vector<1x16xf32>,
        %get3A_745 = vector.shape_cast %get3A_744 : vector<1x16xf32> to vector<16xf32>
        %add3A_746 = arith.addf %get3A_741, %get3A_745 : vector<16xf32>
        %swap3A_747 = arith.constant 1 : i32
        %swap3A_748 = arith.index_cast %swap3A_747 : i32 to index
        %swap3A_749 = arith.index_cast %add3A_699 : i32 to index
        %swap3A_750 = arith.constant 32 : index
        %swap3A_751 = tpu.vector_load %arg9[%swap3A_748, %swap3A_749, %swap3A_750] {strides = array<i32>} : memref<2x200x64xf32, #tpu.memory_space<vmem>>, vector<1x1x16xf32>,
        %swap3A_752 = vector.shape_cast %swap3A_751 : vector<1x1x16xf32> to vector<16xf32>
        %swap3A_753 = vector.shape_cast %add3A_746 : vector<16xf32> to vector<1x1x16xf32>
        tpu.vector_store %arg9[%swap3A_748, %swap3A_749, %swap3A_750], %swap3A_753 {strides = array<i32>} : memref<2x200x64xf32, #tpu.memory_space<vmem>>, vector<1x1x16xf32>,
        %get3A_754 = arith.constant 1 : i32
        %get3A_755 = arith.index_cast %get3A_754 : i32 to index
        %get3A_756 = arith.index_cast %add3A_699 : i32 to index
        %get3A_757 = arith.constant 48 : index
        %get3A_758 = tpu.vector_load %arg8[%get3A_755, %get3A_756, %get3A_757] {strides = array<i32>} : memref<2x200x128xf32, #tpu.memory_space<vmem>>, vector<1x1x16xf32>,
        %get3A_759 = vector.shape_cast %get3A_758 : vector<1x1x16xf32> to vector<16xf32>
        %get3A_760 = arith.index_cast %add3A_699 : i32 to index
        %get3A_761 = arith.constant 48 : index
        %get3A_762 = tpu.vector_load %arg7[%get3A_760, %get3A_761] {strides = array<i32>} : memref<200x64xf32, #tpu.memory_space<vmem>>, vector<1x16xf32>,
        %get3A_763 = vector.shape_cast %get3A_762 : vector<1x16xf32> to vector<16xf32>
        %add3A_764 = arith.addf %get3A_759, %get3A_763 : vector<16xf32>
        %swap3A_765 = arith.constant 1 : i32
        %swap3A_766 = arith.index_cast %swap3A_765 : i32 to index
        %swap3A_767 = arith.index_cast %add3A_699 : i32 to index
        %swap3A_768 = arith.constant 48 : index
        %swap3A_769 = tpu.vector_load %arg9[%swap3A_766, %swap3A_767, %swap3A_768] {strides = array<i32>} : memref<2x200x64xf32, #tpu.memory_space<vmem>>, vector<1x1x16xf32>,
        %swap3A_770 = vector.shape_cast %swap3A_769 : vector<1x1x16xf32> to vector<16xf32>
        %swap3A_771 = vector.shape_cast %add3A_764 : vector<16xf32> to vector<1x1x16xf32>
        tpu.vector_store %arg9[%swap3A_766, %swap3A_767, %swap3A_768], %swap3A_771 {strides = array<i32>} : memref<2x200x64xf32, #tpu.memory_space<vmem>>, vector<1x1x16xf32>,
        %add3A_772 = arith.constant 7 : i32
        %add3A_773 = arith.addi %mul3A_255, %add3A_772 : i32
        %get3A_774 = arith.constant 1 : i32
        %get3A_775 = arith.index_cast %get3A_774 : i32 to index
        %get3A_776 = arith.index_cast %add3A_773 : i32 to index
        %get3A_777 = arith.constant 0 : index
        %get3A_778 = tpu.vector_load %arg8[%get3A_775, %get3A_776, %get3A_777] {strides = array<i32>} : memref<2x200x128xf32, #tpu.memory_space<vmem>>, vector<1x1x16xf32>,
        %get3A_779 = vector.shape_cast %get3A_778 : vector<1x1x16xf32> to vector<16xf32>
        %get3A_780 = arith.index_cast %add3A_773 : i32 to index
        %get3A_781 = arith.constant 0 : index
        %get3A_782 = tpu.vector_load %arg7[%get3A_780, %get3A_781] {strides = array<i32>} : memref<200x64xf32, #tpu.memory_space<vmem>>, vector<1x16xf32>,
        %get3A_783 = vector.shape_cast %get3A_782 : vector<1x16xf32> to vector<16xf32>
        %add3A_784 = arith.addf %get3A_779, %get3A_783 : vector<16xf32>
        %swap3A_785 = arith.constant 1 : i32
        %swap3A_786 = arith.index_cast %swap3A_785 : i32 to index
        %swap3A_787 = arith.index_cast %add3A_773 : i32 to index
        %swap3A_788 = arith.constant 0 : index
        %swap3A_789 = tpu.vector_load %arg9[%swap3A_786, %swap3A_787, %swap3A_788] {strides = array<i32>} : memref<2x200x64xf32, #tpu.memory_space<vmem>>, vector<1x1x16xf32>,
        %swap3A_790 = vector.shape_cast %swap3A_789 : vector<1x1x16xf32> to vector<16xf32>
        %swap3A_791 = vector.shape_cast %add3A_784 : vector<16xf32> to vector<1x1x16xf32>
        tpu.vector_store %arg9[%swap3A_786, %swap3A_787, %swap3A_788], %swap3A_791 {strides = array<i32>} : memref<2x200x64xf32, #tpu.memory_space<vmem>>, vector<1x1x16xf32>,
        %get3A_792 = arith.constant 1 : i32
        %get3A_793 = arith.index_cast %get3A_792 : i32 to index
        %get3A_794 = arith.index_cast %add3A_773 : i32 to index
        %get3A_795 = arith.constant 16 : index
        %get3A_796 = tpu.vector_load %arg8[%get3A_793, %get3A_794, %get3A_795] {strides = array<i32>} : memref<2x200x128xf32, #tpu.memory_space<vmem>>, vector<1x1x16xf32>,
        %get3A_797 = vector.shape_cast %get3A_796 : vector<1x1x16xf32> to vector<16xf32>
        %get3A_798 = arith.index_cast %add3A_773 : i32 to index
        %get3A_799 = arith.constant 16 : index
        %get3A_800 = tpu.vector_load %arg7[%get3A_798, %get3A_799] {strides = array<i32>} : memref<200x64xf32, #tpu.memory_space<vmem>>, vector<1x16xf32>,
        %get3A_801 = vector.shape_cast %get3A_800 : vector<1x16xf32> to vector<16xf32>
        %add3A_802 = arith.addf %get3A_797, %get3A_801 : vector<16xf32>
        %swap3A_803 = arith.constant 1 : i32
        %swap3A_804 = arith.index_cast %swap3A_803 : i32 to index
        %swap3A_805 = arith.index_cast %add3A_773 : i32 to index
        %swap3A_806 = arith.constant 16 : index
        %swap3A_807 = tpu.vector_load %arg9[%swap3A_804, %swap3A_805, %swap3A_806] {strides = array<i32>} : memref<2x200x64xf32, #tpu.memory_space<vmem>>, vector<1x1x16xf32>,
        %swap3A_808 = vector.shape_cast %swap3A_807 : vector<1x1x16xf32> to vector<16xf32>
        %swap3A_809 = vector.shape_cast %add3A_802 : vector<16xf32> to vector<1x1x16xf32>
        tpu.vector_store %arg9[%swap3A_804, %swap3A_805, %swap3A_806], %swap3A_809 {strides = array<i32>} : memref<2x200x64xf32, #tpu.memory_space<vmem>>, vector<1x1x16xf32>,
        %get3A_810 = arith.constant 1 : i32
        %get3A_811 = arith.index_cast %get3A_810 : i32 to index
        %get3A_812 = arith.index_cast %add3A_773 : i32 to index
        %get3A_813 = arith.constant 32 : index
        %get3A_814 = tpu.vector_load %arg8[%get3A_811, %get3A_812, %get3A_813] {strides = array<i32>} : memref<2x200x128xf32, #tpu.memory_space<vmem>>, vector<1x1x16xf32>,
        %get3A_815 = vector.shape_cast %get3A_814 : vector<1x1x16xf32> to vector<16xf32>
        %get3A_816 = arith.index_cast %add3A_773 : i32 to index
        %get3A_817 = arith.constant 32 : index
        %get3A_818 = tpu.vector_load %arg7[%get3A_816, %get3A_817] {strides = array<i32>} : memref<200x64xf32, #tpu.memory_space<vmem>>, vector<1x16xf32>,
        %get3A_819 = vector.shape_cast %get3A_818 : vector<1x16xf32> to vector<16xf32>
        %add3A_820 = arith.addf %get3A_815, %get3A_819 : vector<16xf32>
        %swap3A_821 = arith.constant 1 : i32
        %swap3A_822 = arith.index_cast %swap3A_821 : i32 to index
        %swap3A_823 = arith.index_cast %add3A_773 : i32 to index
        %swap3A_824 = arith.constant 32 : index
        %swap3A_825 = tpu.vector_load %arg9[%swap3A_822, %swap3A_823, %swap3A_824] {strides = array<i32>} : memref<2x200x64xf32, #tpu.memory_space<vmem>>, vector<1x1x16xf32>,
        %swap3A_826 = vector.shape_cast %swap3A_825 : vector<1x1x16xf32> to vector<16xf32>
        %swap3A_827 = vector.shape_cast %add3A_820 : vector<16xf32> to vector<1x1x16xf32>
        tpu.vector_store %arg9[%swap3A_822, %swap3A_823, %swap3A_824], %swap3A_827 {strides = array<i32>} : memref<2x200x64xf32, #tpu.memory_space<vmem>>, vector<1x1x16xf32>,
        %get3A_828 = arith.constant 1 : i32
        %get3A_829 = arith.index_cast %get3A_828 : i32 to index
        %get3A_830 = arith.index_cast %add3A_773 : i32 to index
        %get3A_831 = arith.constant 48 : index
        %get3A_832 = tpu.vector_load %arg8[%get3A_829, %get3A_830, %get3A_831] {strides = array<i32>} : memref<2x200x128xf32, #tpu.memory_space<vmem>>, vector<1x1x16xf32>,
        %get3A_833 = vector.shape_cast %get3A_832 : vector<1x1x16xf32> to vector<16xf32>
        %get3A_834 = arith.index_cast %add3A_773 : i32 to index
        %get3A_835 = arith.constant 48 : index
        %get3A_836 = tpu.vector_load %arg7[%get3A_834, %get3A_835] {strides = array<i32>} : memref<200x64xf32, #tpu.memory_space<vmem>>, vector<1x16xf32>,
        %get3A_837 = vector.shape_cast %get3A_836 : vector<1x16xf32> to vector<16xf32>
        %add3A_838 = arith.addf %get3A_833, %get3A_837 : vector<16xf32>
        %swap3A_839 = arith.constant 1 : i32
        %swap3A_840 = arith.index_cast %swap3A_839 : i32 to index
        %swap3A_841 = arith.index_cast %add3A_773 : i32 to index
        %swap3A_842 = arith.constant 48 : index
        %swap3A_843 = tpu.vector_load %arg9[%swap3A_840, %swap3A_841, %swap3A_842] {strides = array<i32>} : memref<2x200x64xf32, #tpu.memory_space<vmem>>, vector<1x1x16xf32>,
        %swap3A_844 = vector.shape_cast %swap3A_843 : vector<1x1x16xf32> to vector<16xf32>
        %swap3A_845 = vector.shape_cast %add3A_838 : vector<16xf32> to vector<1x1x16xf32>
        tpu.vector_store %arg9[%swap3A_840, %swap3A_841, %swap3A_842], %swap3A_845 {strides = array<i32>} : memref<2x200x64xf32, #tpu.memory_space<vmem>>, vector<1x1x16xf32>,
      }
      %scan3A_224 = arith.constant 25 : i32
      %mul3A_225 = arith.constant 32 : i32
      %mul3A_226 = arith.muli %add3A, %mul3A_225 : i32
      %add3A_227 = arith.addi %mul3A_226, %add3A_181 : i32
      %mul3A_228 = arith.constant 200 : i32
      %mul3A_229 = arith.muli %add3A_227, %mul3A_228 : i32
      %dma_start3A_230 = arith.constant 1 : i32
      %dma_start3A_231 = arith.constant 1 : i32
      %dma_start3A_232 = arith.constant 0 : i32
      %dma_start3A_233 = arith.constant 0 : i32
      %dma_start3A_234 = tpu.memref_slice %arg9[%dma_start3A_230, %dma_start3A_232, %dma_start3A_233] : memref<2x200x64xf32, #tpu.memory_space<vmem>> -> memref<1x200x64xf32, #tpu.memory_space<vmem>>
      %dma_start3A_235 = tpu.memref_squeeze %dma_start3A_234 : memref<1x200x64xf32, #tpu.memory_space<vmem>> -> memref<200x64xf32, #tpu.memory_space<vmem>>
      %dma_start3A_236 = arith.constant 0 : i32
      %dma_start3A_237 = tpu.memref_slice %arg5[%mul3A_229, %dma_start3A_236] : memref<204800x64xf32, #tpu.memory_space<hbm>> -> memref<200x64xf32, #tpu.memory_space<hbm>>
      %dma_start3A_238 = tpu.memref_slice %arg11[%dma_start3A_231] : memref<2x!tpu.dma_semaphore, #tpu.memory_space<semaphore_mem>> -> memref<1x!tpu.dma_semaphore, #tpu.memory_space<semaphore_mem>>
      %dma_start3A_239 = tpu.memref_squeeze %dma_start3A_238 : memref<1x!tpu.dma_semaphore, #tpu.memory_space<semaphore_mem>> -> memref<!tpu.dma_semaphore, #tpu.memory_space<semaphore_mem>>
      %dma_start3A_240 = arith.constant 0 : i32
      %dma_start3A_241 = tpu.memref_slice %arg5[%mul3A_229, %dma_start3A_240] : memref<204800x64xf32, #tpu.memory_space<hbm>> -> memref<200x64xf32, #tpu.memory_space<hbm>>
      %dma_start3A_242 = arith.constant 0 : i32
      %dma_start3A_243 = arith.constant 0 : i32
      %dma_start3A_244 = tpu.memref_slice %arg9[%dma_start3A_230, %dma_start3A_242, %dma_start3A_243] : memref<2x200x64xf32, #tpu.memory_space<vmem>> -> memref<1x200x64xf32, #tpu.memory_space<vmem>>
      %dma_start3A_245 = tpu.memref_squeeze %dma_start3A_244 : memref<1x200x64xf32, #tpu.memory_space<vmem>> -> memref<200x64xf32, #tpu.memory_space<vmem>>
      tpu.enqueue_dma source(%dma_start3A_245 : memref<200x64xf32, #tpu.memory_space<vmem>>) target(%dma_start3A_241 : memref<200x64xf32, #tpu.memory_space<hbm>>) target_semaphore(%dma_start3A_239 : memref<!tpu.dma_semaphore, #tpu.memory_space<semaphore_mem>>)
      %add3A_246 = arith.constant 2 : i32
      %add3A_247 = arith.addi %add3A_181, %add3A_246 : i32
      %lt3A_248 = arith.constant 32 : i32
      %lt3A_249 = arith.cmpi slt, %add3A_247, %lt3A_248 : i32
      %convert_element_type3A_250 = arith.extui %lt3A_249 : i1 to i32
      %cond3A_251 = arith.constant 0 : i32
      %cond3A_252 = arith.cmpi ne, %convert_element_type3A_250, %cond3A_251 : i32
      scf.if %cond3A_252 {
        %add3A_253 = arith.constant 2 : i32
        %add3A_254 = arith.addi %add3A_181, %add3A_253 : i32
        %dma_start3A_255 = arith.constant 0 : i32
        %dma_start3A_256 = arith.constant 1 : i32
        %dma_start3A_257 = arith.constant 1 : i32
        %dma_start3A_258 = arith.constant 0 : i32
        %dma_start3A_259 = arith.constant 0 : i32
        %dma_start3A_260 = tpu.memref_slice %arg8[%dma_start3A_256, %dma_start3A_258, %dma_start3A_259] : memref<2x200x128xf32, #tpu.memory_space<vmem>> -> memref<1x100x128xf32, #tpu.memory_space<vmem>>
        %dma_start3A_261 = tpu.memref_squeeze %dma_start3A_260 : memref<1x100x128xf32, #tpu.memory_space<vmem>> -> memref<100x128xf32, #tpu.memory_space<vmem>>
        %dma_start3A_262 = arith.constant 0 : i32
        %dma_start3A_263 = tpu.memref_slice %arg6[%add3A_254, %dma_start3A_255, %dma_start3A_262] : memref<32x2x100xi32, #tpu.memory_space<vmem>> -> memref<1x1x100xi32, #tpu.memory_space<vmem>>
        %dma_start3A_264 = tpu.memref_squeeze %dma_start3A_263 : memref<1x1x100xi32, #tpu.memory_space<vmem>> -> memref<100xi32, #tpu.memory_space<vmem>>
        %dma_start3A_265 = arith.constant 0 : i32
        %dma_start3A_266 = arith.constant 0 : i32
        %dma_start3A_267 = tpu.memref_slice %arg3[%dma_start3A_265, %dma_start3A_266] : memref<1000000x128xf32, #tpu.memory_space<hbm>> -> memref<1000000x128xf32, #tpu.memory_space<hbm>>
        %dma_start3A_268 = tpu.memref_slice %arg10[%dma_start3A_257] : memref<2x!tpu.dma_semaphore, #tpu.memory_space<semaphore_mem>> -> memref<1x!tpu.dma_semaphore, #tpu.memory_space<semaphore_mem>>
        %dma_start3A_269 = tpu.memref_squeeze %dma_start3A_268 : memref<1x!tpu.dma_semaphore, #tpu.memory_space<semaphore_mem>> -> memref<!tpu.dma_semaphore, #tpu.memory_space<semaphore_mem>>
        tpu.enqueue_indirect_dma source(%dma_start3A_267 : memref<1000000x128xf32, #tpu.memory_space<hbm>>) target(%dma_start3A_261 : memref<100x128xf32, #tpu.memory_space<vmem>>) offsets(%dma_start3A_264 : memref<100xi32, #tpu.memory_space<vmem>>) semaphore(%dma_start3A_269 : memref<!tpu.dma_semaphore, #tpu.memory_space<semaphore_mem>>)
        %dma_start3A_270 = arith.constant 1 : i32
        %dma_start3A_271 = arith.constant 1 : i32
        %dma_start3A_272 = arith.constant 1 : i32
        %dma_start3A_273 = arith.constant 100 : i32
        %dma_start3A_274 = arith.constant 0 : i32
        %dma_start3A_275 = tpu.memref_slice %arg8[%dma_start3A_271, %dma_start3A_273, %dma_start3A_274] : memref<2x200x128xf32, #tpu.memory_space<vmem>> -> memref<1x100x128xf32, #tpu.memory_space<vmem>>
        %dma_start3A_276 = tpu.memref_squeeze %dma_start3A_275 : memref<1x100x128xf32, #tpu.memory_space<vmem>> -> memref<100x128xf32, #tpu.memory_space<vmem>>
        %dma_start3A_277 = arith.constant 0 : i32
        %dma_start3A_278 = tpu.memref_slice %arg6[%add3A_254, %dma_start3A_270, %dma_start3A_277] : memref<32x2x100xi32, #tpu.memory_space<vmem>> -> memref<1x1x100xi32, #tpu.memory_space<vmem>>
        %dma_start3A_279 = tpu.memref_squeeze %dma_start3A_278 : memref<1x1x100xi32, #tpu.memory_space<vmem>> -> memref<100xi32, #tpu.memory_space<vmem>>
        %dma_start3A_280 = arith.constant 0 : i32
        %dma_start3A_281 = arith.constant 0 : i32
        %dma_start3A_282 = tpu.memref_slice %arg3[%dma_start3A_280, %dma_start3A_281] : memref<1000000x128xf32, #tpu.memory_space<hbm>> -> memref<1000000x128xf32, #tpu.memory_space<hbm>>
        %dma_start3A_283 = tpu.memref_slice %arg10[%dma_start3A_272] : memref<2x!tpu.dma_semaphore, #tpu.memory_space<semaphore_mem>> -> memref<1x!tpu.dma_semaphore, #tpu.memory_space<semaphore_mem>>
        %dma_start3A_284 = tpu.memref_squeeze %dma_start3A_283 : memref<1x!tpu.dma_semaphore, #tpu.memory_space<semaphore_mem>> -> memref<!tpu.dma_semaphore, #tpu.memory_space<semaphore_mem>>
        tpu.enqueue_indirect_dma source(%dma_start3A_282 : memref<1000000x128xf32, #tpu.memory_space<hbm>>) target(%dma_start3A_276 : memref<100x128xf32, #tpu.memory_space<vmem>>) offsets(%dma_start3A_279 : memref<100xi32, #tpu.memory_space<vmem>>) semaphore(%dma_start3A_284 : memref<!tpu.dma_semaphore, #tpu.memory_space<semaphore_mem>>)
      } else {
      }
    }
    %scan3A_70 = arith.constant 16 : i32
    %dma_wait3A = arith.constant 0 : i32
    %dma_wait3A_71 = arith.constant 0 : i32
    %dma_wait3A_72 = arith.constant 0 : i32
    %dma_wait3A_73 = arith.constant 0 : i32
    %dma_wait3A_74 = tpu.memref_slice %arg9[%dma_wait3A, %dma_wait3A_72, %dma_wait3A_73] : memref<2x200x64xf32, #tpu.memory_space<vmem>> -> memref<1x200x64xf32, #tpu.memory_space<vmem>>
    %dma_wait3A_75 = tpu.memref_squeeze %dma_wait3A_74 : memref<1x200x64xf32, #tpu.memory_space<vmem>> -> memref<200x64xf32, #tpu.memory_space<vmem>>
    %dma_wait3A_76 = arith.constant 0 : i32
    %dma_wait3A_77 = arith.constant 0 : i32
    %dma_wait3A_78 = tpu.memref_slice %arg5[%dma_wait3A_76, %dma_wait3A_77] : memref<204800x64xf32, #tpu.memory_space<hbm>> -> memref<200x64xf32, #tpu.memory_space<hbm>>
    %dma_wait3A_79 = tpu.memref_slice %arg11[%dma_wait3A_71] : memref<2x!tpu.dma_semaphore, #tpu.memory_space<semaphore_mem>> -> memref<1x!tpu.dma_semaphore, #tpu.memory_space<semaphore_mem>>
    %dma_wait3A_80 = tpu.memref_squeeze %dma_wait3A_79 : memref<1x!tpu.dma_semaphore, #tpu.memory_space<semaphore_mem>> -> memref<!tpu.dma_semaphore, #tpu.memory_space<semaphore_mem>>
    %dma_wait3A_81 = arith.constant 0 : i32
    %dma_wait3A_82 = arith.constant 0 : i32
    %dma_wait3A_83 = tpu.memref_slice %arg5[%dma_wait3A_81, %dma_wait3A_82] : memref<204800x64xf32, #tpu.memory_space<hbm>> -> memref<200x64xf32, #tpu.memory_space<hbm>>
    %dma_wait3A_84 = arith.constant 0 : i32
    %dma_wait3A_85 = arith.constant 0 : i32
    %dma_wait3A_86 = tpu.memref_slice %arg9[%dma_wait3A, %dma_wait3A_84, %dma_wait3A_85] : memref<2x200x64xf32, #tpu.memory_space<vmem>> -> memref<1x200x64xf32, #tpu.memory_space<vmem>>
    %dma_wait3A_87 = tpu.memref_squeeze %dma_wait3A_86 : memref<1x200x64xf32, #tpu.memory_space<vmem>> -> memref<200x64xf32, #tpu.memory_space<vmem>>
    tpu.wait_dma2 semaphore(%dma_wait3A_80 : memref<!tpu.dma_semaphore, #tpu.memory_space<semaphore_mem>>) src(%dma_wait3A_87 : memref<200x64xf32, #tpu.memory_space<vmem>>) dst(%dma_wait3A_83 : memref<200x64xf32, #tpu.memory_space<hbm>>)
    %dma_wait3A_88 = arith.constant 1 : i32
    %dma_wait3A_89 = arith.constant 1 : i32
    %dma_wait3A_90 = arith.constant 0 : i32
    %dma_wait3A_91 = arith.constant 0 : i32
    %dma_wait3A_92 = tpu.memref_slice %arg9[%dma_wait3A_88, %dma_wait3A_90, %dma_wait3A_91] : memref<2x200x64xf32, #tpu.memory_space<vmem>> -> memref<1x200x64xf32, #tpu.memory_space<vmem>>
    %dma_wait3A_93 = tpu.memref_squeeze %dma_wait3A_92 : memref<1x200x64xf32, #tpu.memory_space<vmem>> -> memref<200x64xf32, #tpu.memory_space<vmem>>
    %dma_wait3A_94 = arith.constant 0 : i32
    %dma_wait3A_95 = arith.constant 0 : i32
    %dma_wait3A_96 = tpu.memref_slice %arg5[%dma_wait3A_94, %dma_wait3A_95] : memref<204800x64xf32, #tpu.memory_space<hbm>> -> memref<200x64xf32, #tpu.memory_space<hbm>>
    %dma_wait3A_97 = tpu.memref_slice %arg11[%dma_wait3A_89] : memref<2x!tpu.dma_semaphore, #tpu.memory_space<semaphore_mem>> -> memref<1x!tpu.dma_semaphore, #tpu.memory_space<semaphore_mem>>
    %dma_wait3A_98 = tpu.memref_squeeze %dma_wait3A_97 : memref<1x!tpu.dma_semaphore, #tpu.memory_space<semaphore_mem>> -> memref<!tpu.dma_semaphore, #tpu.memory_space<semaphore_mem>>
    %dma_wait3A_99 = arith.constant 0 : i32
    %dma_wait3A_100 = arith.constant 0 : i32
    %dma_wait3A_101 = tpu.memref_slice %arg5[%dma_wait3A_99, %dma_wait3A_100] : memref<204800x64xf32, #tpu.memory_space<hbm>> -> memref<200x64xf32, #tpu.memory_space<hbm>>
    %dma_wait3A_102 = arith.constant 0 : i32
    %dma_wait3A_103 = arith.constant 0 : i32
    %dma_wait3A_104 = tpu.memref_slice %arg9[%dma_wait3A_88, %dma_wait3A_102, %dma_wait3A_103] : memref<2x200x64xf32, #tpu.memory_space<vmem>> -> memref<1x200x64xf32, #tpu.memory_space<vmem>>
    %dma_wait3A_105 = tpu.memref_squeeze %dma_wait3A_104 : memref<1x200x64xf32, #tpu.memory_space<vmem>> -> memref<200x64xf32, #tpu.memory_space<vmem>>
    tpu.wait_dma2 semaphore(%dma_wait3A_98 : memref<!tpu.dma_semaphore, #tpu.memory_space<semaphore_mem>>) src(%dma_wait3A_105 : memref<200x64xf32, #tpu.memory_space<vmem>>) dst(%dma_wait3A_101 : memref<200x64xf32, #tpu.memory_space<hbm>>)
    return
  }
}

</mosaic_0001>

<sc_bundles>
// kernel: kernel.3.cloned.1.call-start
scs
__scs_entry_jumppad:
0x0: {  	(pc) =	sbr.rel $0x88, $3  }
0x1: {  	(tag) =	ssettag $0x0;
	lr =	simm.s32 $0x1  }
0x2: {  	[smem:$0x3F9E] =	sst lr;
	_ =	strace $0xD0000000  }
0x3: {  	_ = 	snop  }
0x4: {  	_ = 	snop  }
0x5: {  	_ = 	snop  }
0x6: {  	_ = 	snop  }
0x7: {  	_ = 	snop  }
__scs_overlays_trampoline_lowered:
0x8: {  	[smem:$0x3FAD] =	sst s0  }
0x9: {  	[smem:$0x3FAE] =	sst s1  }
0xa: {  	[smem:$0x3FAF] =	sst s2  }
0xb: {  	[smem:$0x3FB0] =	sst s3  }
0xc: {  	[smem:$0x3FB1] =	sst s4  }
0xd: {  	[smem:$0x3FB2] =	sst s5  }
0xe: {  	[smem:$0x3FB3] =	sst s6  }
0xf: {  	[smem:$0x3FB4] =	sst s7  }
0x10: {  	[smem:$0x3FB5] =	sst s8  }
0x11: {  	[smem:$0x3FB6] =	sst s9;
	s0 =	simm.s32 @!p0 $0x0  }
0x12: {  	s1 =	sld [smem:$0x3F9C];
	s0 =	simm.s32 @p0 $0x1  }
0x13: {  	[smem:$0x3FB7] =	sst s0;
	s0 =	simm.s32 @!p1 $0x0  }
0x14: {  	s2 =	sld [smem:$0x3F9B];
	s0 =	simm.s32 @p1 $0x1  }
0x15: {  	[smem:$0x3FB8] =	sst s0;
	s0 =	simm.s32 @!p2 $0x0  }
0x16: {  	s3 =	sld [smem:$0x3FDB];
	s0 =	simm.s32 @p2 $0x1  }
0x17: {  	s4 =	simm.s32 $0x1BF5;
	[smem:$0x3FBA] =	sst s0  }
0x18: {  	s0 =	sld [smem:$0x3F9D];
	_ =	swait.ge [sflag:s4], $0x0  }
0x19: {  	s7 =	sld [smem:$0x3F9E]  }
0x1a: {  	s8 =	sadd.s32 $0xFFFFE003, lr  }
0x1b: {  	s9 =	sadd.s32 $0xFFFFFEF7, lr;
	s5 =	simm.s32 $0xFFFFFFFF;
	p2 =	slt.u32 s8, $0xFFFFF086  }
0x1c: {  	p1 =	slt.u32 s9, $0xF7A;
	s5 =	simm.s32 @!p2 $0x0  }
0x1d: {  	s5 =	simm.s32 @p1 $0x1;
	p0 =	seq.s32 s7, s2  }
0x1e: {  	s7 =	smul.u32 @!p0 $0xF7A, s2;
	p2 =	seq.s32 @!p0 s5, $0x0  }
0x1f: {  	s9 =	smul.u32 $0xF7A, s1;
	s8 =	simm.s32 @!p0 $0x1BF5;
	p2 =	por !p2, p0  }
0x20: {  	[sflag:s8] =	ssyncset.s32 @!p0 $0xFFFFF086;
	s6 =	sadd.s32 @!p0 s3, s7;
	s7 =	simm.s32 @!p0 $0x108  }
0x21: {  	s3 =	sadd.s32 s3, s9;
	s6 =	sadd.s32 @!p0 $0x88, s6;
	s7 =	simm.s32 @p2 $0x1082  }
0x22: {  	[simem:s7], [sflag:s8] =	dma.local @!p0 [hbm:s6], $0xF7A  }
0x23: {  	s9 =	sor.u32 $0xD0000000, s2;
	s6 =	simm.s32 $0x108;
	_ =	swait.ge @!p0 [sflag:s8], $0x0  }
0x24: {  	s3 =	sadd.s32 $0x88, s3;
	s6 =	simm.s32 @!p1 $0x1082;
	[sflag:s4] =	ssyncset.s32 $0xFFFFF086  }
0x25: {  	[simem:s6], [sflag:s4] =	dma.local [hbm:s3], $0xF7A  }
0x26: {  	[smem:$0x3F9E] =	sst s1;
	(tag) =	ssettag s2;
	_ =	strace s9  }
0x27: {  	s1 =	sld [smem:$0x3FAE]  }
0x28: {  	s2 =	sld [smem:$0x3FAF]  }
0x29: {  	s4 =	sld [smem:$0x3FB1]  }
0x2a: {  	p0 =	seq.s32 s5, $0x0;
	s5 =	sld [smem:$0x3FB2]  }
0x2b: {  	s6 =	sld [smem:$0x3FB3]  }
0x2c: {  	s7 =	sld [smem:$0x3FB4]  }
0x2d: {  	s3 =	simm.s32 $0x108;
	s8 =	sld [smem:$0x3FB5]  }
0x2e: {  	s3 =	simm.s32 @!p0 $0x1082;
	s9 =	sld [smem:$0x3FB6]  }
0x2f: {  	lr =	sadd.s32 s0, s3;
	s0 =	sld [smem:$0x3FAD]  }
0x30: {  	s3 =	sld [smem:$0x3FB0]  }
0x31: {  	[smem:$0x3FB9] =	sst s10  }
0x32: {  	s10 =	sld [smem:$0x3FB7];
	_ =	sdelay $0x3  }
0x33: {  	p0 =	seq.s32 s10, $0x1;
	s10 =	sld [smem:$0x3FB9];
	_ =	sdelay $0x3  }
0x34: {  	[smem:$0x3FB9] =	sst s10  }
0x35: {  	s10 =	sld [smem:$0x3FB8];
	_ =	sdelay $0x3  }
0x36: {  	p1 =	seq.s32 s10, $0x1;
	s10 =	sld [smem:$0x3FB9];
	_ =	sdelay $0x3  }
0x37: {  	[smem:$0x3FB9] =	sst s10  }
0x38: {  	s10 =	sld [smem:$0x3FBA]  }
0x39: {  	_ = 	snop;
	(pc) =	sbr.ind lr, $3  }
0x3a: {  	_ = 	snop  }
0x3b: {  	_ = 	snop  }
0x3c: {  	p2 =	seq.s32 s10, $0x1;
	s10 =	sld [smem:$0x3FB9]  }
0x3d: {  	_ =	shalt  }
0x3e: {  	_ =	shalt  }
0x3f: {  	_ =	shalt  }
0x40: {  	_ =	shalt  }
0x41: {  	_ =	shalt  }
0x42: {  	_ =	shalt  }
0x43: {  	_ =	shalt  }
0x44: {  	_ =	shalt  }
0x45: {  	_ =	shalt  }
0x46: {  	_ =	shalt  }
0x47: {  	_ =	shalt  }
0x48: {  	_ =	shalt  }
0x49: {  	_ =	shalt  }
0x4a: {  	_ =	shalt  }
0x4b: {  	_ =	shalt  }
0x4c: {  	_ =	shalt  }
0x4d: {  	_ =	shalt  }
0x4e: {  	_ =	shalt  }
0x4f: {  	_ =	shalt  }
0x50: {  	_ =	shalt  }
0x51: {  	_ =	shalt  }
0x52: {  	_ =	shalt  }
0x53: {  	_ =	shalt  }
0x54: {  	_ =	shalt  }
0x55: {  	_ =	shalt  }
0x56: {  	_ =	shalt  }
0x57: {  	_ =	shalt  }
0x58: {  	_ =	shalt  }
0x59: {  	_ =	shalt  }
0x5a: {  	_ =	shalt  }
0x5b: {  	_ =	shalt  }
0x5c: {  	_ =	shalt  }
0x5d: {  	_ =	shalt  }
0x5e: {  	_ =	shalt  }
0x5f: {  	_ =	shalt  }
0x60: {  	_ =	shalt  }
0x61: {  	_ =	shalt  }
0x62: {  	_ =	shalt  }
0x63: {  	_ =	shalt  }
0x64: {  	_ =	shalt  }
0x65: {  	_ =	shalt  }
0x66: {  	_ =	shalt  }
0x67: {  	_ =	shalt  }
0x68: {  	_ =	shalt  }
0x69: {  	_ =	shalt  }
0x6a: {  	_ =	shalt  }
0x6b: {  	_ =	shalt  }
0x6c: {  	_ =	shalt  }
0x6d: {  	_ =	shalt  }
0x6e: {  	_ =	shalt  }
0x6f: {  	_ =	shalt  }
0x70: {  	_ =	shalt  }
0x71: {  	_ =	shalt  }
0x72: {  	_ =	shalt  }
0x73: {  	_ =	shalt  }
0x74: {  	_ =	shalt  }
0x75: {  	_ =	shalt  }
0x76: {  	_ =	shalt  }
0x77: {  	_ =	shalt  }
0x78: {  	_ =	shalt  }
0x79: {  	_ =	shalt  }
0x7a: {  	_ =	shalt  }
0x7b: {  	_ =	shalt  }
0x7c: {  	_ =	shalt  }
0x7d: {  	_ =	shalt  }
0x7e: {  	_ =	shalt  }
0x7f: {  	_ =	shalt  }
0x80: {  	_ =	shalt  }
0x81: {  	_ =	shalt  }
0x82: {  	_ =	shalt  }
0x83: {  	_ =	shalt  }
0x84: {  	_ =	shalt  }
0x85: {  	_ =	shalt  }
0x86: {  	_ =	shalt  }
0x87: {  	_ =	shalt  }
.Lfunc_end0:
.L_simem_size_0:
called_computation.1_lowered:
.L_overlay_start_0:
0x88: {  	s2 =	sld [smem:$0x3FD9]  }
0x89: {  	s3 =	sld [smem:$0x3FFE];
	_ =	sdelay $0x1  }
0x8a: {  	s1 =	srdreg.scid  }
0x8b: {  	s0 =	sand.u32 $0x1, s1  }
0x8c: {  	s17 =	sshll.u32 s0, $0xA;
	s2 =	sadd.s32 s3, s2  }
0x8d: {  	s2 =	sadd.s32 s2, s17  }
0x8e: {  	[smem:$0x3FC5] =	sst s2  }
0x8f: {  	_ = 	snop  }
0x90: {  	s2 =	sld [smem:$0x3FD0];
	(tm) =	ssettm $0x1  }
0x91: {  	s18 =	sld [smem:$0x3FFB];
	_ =	sdelay $0x3  }
0x92: {  	_ =	strace s18  }
0x93: {  	s3 =	sld [smem:$0x3FFC];
	_ =	sdelay $0x3  }
0x94: {  	_ =	strace s3  }
0x95: {  	s3 =	sld [smem:$0x3FFD];
	_ =	sdelay $0x3  }
0x96: {  	_ =	strace s3  }
0x97: {  	_ =	strace $0x8FFFFFFF  }
0x98: {  	s19 =	sld [smem:$0x3FDB];
	_ =	sdelay $0x1  }
0x99: {  	s4 =	simm.s32 $_scs_section_size  }
0x9a: {  	s5 =	simm.s32 $_size__tile_overlayer_lowered;
	s6 =	simm.s32 $_tile_overlayer_lowered  }
0x9b: {  	s22 =	simm.s32 $0x1BFF;
	s21 =	sshll.u32 s6, $0x1;
	s3 =	sadd.s32 s4, s19  }
0x9c: {  	s7 =	simm.s32 $0x0;
	s20 =	sshll.u32 s5, $0x1;
	s5 =	sadd.s32 s21, s3  }
0x9d: {  	[timem:s7], [sflag:s22] =	dma.local [hbm:s5], s20  }
0x9e: {  	_ =	swait.ge [sflag:s22], s20  }
0x9f: {  	s4 =	ssub.s32 $0x0, s20;
	[sflag:s22] =	ssyncset.done $0x0  }
0xa0: {  	[sflag:s22] =	ssyncadd.s32 s4;
	_ =	sdelay $0x1  }
0xa1: {  	s23 =	simm.s32 $0x1B8B  }
0xa2: {  	_ =	swait.ge [sflag:s23], $0x1  }
0xa3: {  	[sflag:s23] =	ssyncset.done $0x0  }
0xa4: {  	s25 =	simm.s32 $0x1B8E;
	s24 =	sld [smem:$0x3FFE];
	[sflag:s23] =	ssyncadd.s32 $0xFFFFFFFF  }
0xa5: {  	s26 =	simm.s32 $execute0_lowered;
	[smem:$0x3FD2] =	sst s25  }
0xa6: {  	s5 =	sshll.u32 s26, $0x1;
	_ =	strace $0x80000046;
	[dreg:$0x1] =	wrdreg $0xFFFFFFFF  }
0xa7: {  	s28 =	simm.s32 $_size_execute0_lowered;
	s3 =	sadd.s32 s3, s5;
	[dreg:$0x0] =	wrdreg $0x0  }
0xa8: {  	s5 =	sshll.u32 s28, $0x1;
	[dreg:$0x2] =	wrdreg s3  }
0xa9: {  	[dreg:$0x3] =	wrdreg s5  }
0xaa: {  	[dreg:$0x4] =	wrdreg $0xC0  }
0xab: {  	_ =	task [dreg:s7], $0x5FFFF  }
0xac: {  	[dreg:$0x1] =	wrdreg $0xFFFFFFFF  }
0xad: {  	[dreg:$0x0] =	wrdreg $0x60  }
0xae: {  	[dreg:$0x2] =	wrdreg s24  }
0xaf: {  	[dreg:$0x3] =	wrdreg s2  }
0xb0: {  	[dreg:$0x4] =	wrdreg $0x9  }
0xb1: {  	_ =	task.clear_ibuf [dreg:s7], $0x5FFFF;
	_ =	strace $0x90000046  }
0xb2: {  	s29 =	simm.s32 $0x9;
	_ =	strace $0x80000048  }
0xb3: {  	_ =	swait.ge [sflag:s29], $0x1  }
0xb4: {  	[sflag:s29] =	ssyncadd.s32 $0xFFFFFFFF  }
0xb5: {  	_ =	strace $0x90000048  }
0xb6: {  	_ =	sfence  }
0xb7: {  	s30 =	sld [smem:$0x0];
	_ =	sdelay $0x2  }
0xb8: {  	s31 =	sshll.u32 s1, $0xD;
	s1 =	sshrl.u32 s1, $0x2  }
0xb9: {  	s3 =	sand.u32 $0x4000, s31;
	s1 =	sadd.s32 s1, s30  }
0xba: {  	s0 =	sor.u32 s3, s0;
	s1 =	sshll.u32 s1, $0x11  }
0xbb: {  	s0 =	sor.u32 s1, s0  }
0xbc: {  	s0 =	sadd.s32 $0x8F2B, s0  }
0xbd: {  	[sflag:s0] =	ssyncadd.remote.s32 $0x1  }
0xbe: {  	_ =	sfence.sel $0xFFFF  }
0xbf: {  	[dreg:$0x0] =	wrdreg $0xFFFFFFFF;
	(pc) =	sbr.abs _section_cstart, $3  }
0xc0: {  	[dreg:$0x1] =	wrdreg $0xFFFFFFFF  }
0xc1: {  	_ =	task.clear_ibuf [dreg:s7], $0x2FFFF;
	_ =	strace $0x9FFFFFFF  }
0xc2: {  	(tm) =	ssettm $0x7FFFFFFF  }
0xc3: {  	_ =	shalt  }
tec
execute0_lowered:
.L_overlay_start_1:
0x0: {  	(tag) =	ssettag $0x1  }
0x1: {  	s0 =	srdreg.scid  }
0x2: {  	s1 =	rddreg [dreg:$0x0];
	s3 =	stileid.u32  }
0x3: {  	s2 =	rddreg [dreg:$0x1];
	s10 =	simm.s32 $0x5;
	s11 =	simm.s32 $0x64  }
0x4: {  	s13 =	simm.s32 $0x68;
	s14 =	simm.s32 $0x7E00;
	s15 =	simm.s32 $0xD0  }
0x5: {  	s16 =	simm.s32 $0xB000;
	s17 =	simm.s32 $0x138;
	s18 =	simm.s32 $0xE200  }
0x6: {  	s19 =	simm.s32 $0x1;
	s20 =	simm.s32 $0x11400;
	s21 =	simm.s32 $0x2  }
0x7: {  	s22 =	simm.s32 $0x14600;
	s23 =	simm.s32 $0x3;
	s0 =	sand.u32 $0x1, s0  }
0x8: {  	s24 =	simm.s32 $0x4;
	s4 =	sshll.u32 s3, $0x6;
	s5 =	sshll.u32 s0, $0x5  }
.Ltmp0:
0x9: {  	s25 =	simm.s32 $0x0;
	s4 =	sor.u32 s5, s4;
	(pc) =	sbr.rel .LBB2_1-.Ltmp0, $4  }
0xa: {  	s3 =	simm.s32 $0x0;
	s0 =	ssub.s32 $0x2, s0;
	s5 =	smul.u32 $0x1A, s4  }
0xb: {  	s6 =	sadd.s32 $0xF49800, s1;
	[smem:$0x7FF] =	sst s3;
	s8 =	sshrl.u32 s0, $0x1  }
0xc: {  	_ =	strace $0x80000047;
	s0 =	ssub.s32 s0, s8;
	s7 =	sadd.s32 s5, s1  }
0xd: {  	s8 =	smax.u32 s0, $0x1;
	s5 =	sadd.s32 $0xF4A000, s1;
	s7 =	sadd.s32 $0xF43000, s7  }
.LBB2_8:
0xe: {  	s25 =	sadd.s32 $0x1, s25  }
0xf: {  	_ =	swait.ge [sflag:s23], $0x3200;
	p0 =	sne.s32 s25, s8  }
.Ltmp1:
0x10: {  	[sflag:s23] =	ssyncset.done $0x0;
	(pc) =	sbr.rel @!p0 .LBB2_9-.Ltmp1, $4  }
0x11: {  	[sflag:s23] =	ssyncadd.s32 $0xFFFFCE00  }
0x12: {  	_ =	swait.ge [sflag:s24], $0x3200  }
0x13: {  	[sflag:s24] =	ssyncset.done $0x0  }
0x14: {  	[sflag:s24] =	ssyncadd.s32 $0xFFFFCE00  }
.LBB2_1:
0x15: {  	s0 =	simm.s32 $0x1A00  }
0x16: {  	[tilespmem:s0], [sflag:$0x5] =	stream.linear.gather [hbm4b:s6+s3], $0x3200, $0x38;
	[tilespmem:$0x17800] =	vst v63  }
0x17: {  	_ =	swait.ge [sflag:s10], $0x3200  }
0x18: {  	[sflag:s10] =	ssyncset.done $0x0  }
0x19: {  	[sflag:s10] =	ssyncadd.s32 $0xFFFFCE00  }
0x1a: {  	[tilespmem:s3], [sflag:$0x5] =	stream.linear.gather [hbm4b:s7+s3], $0x1A00, $0x38;
	[tilespmem:$0x17800] =	vst v63  }
0x1b: {  	_ =	swait.ge [sflag:s10], $0x1A00  }
0x1c: {  	[sflag:s10] =	ssyncset.done $0x0  }
0x1d: {  	s31 =	simm.s32 $0x4C00;
	[sflag:s10] =	ssyncadd.s32 $0xFFFFE600  }
0x1e: {  	[tilespmem:s31], [sflag:$0x1] =	stream.indirect.gather [hbm4b:s5+s11], $0x80, s3, s11, $0xb8;
	[tilespmem:$0x17800] =	vst v63  }
0x1f: {  	_ = 	snop  }
0x20: {  	[tilespmem:s14], [sflag:$0x1] =	stream.indirect.gather [hbm4b:s5+s11], $0x80, s13, s11, $0xb8;
	[tilespmem:$0x17800] =	vst v63  }
0x21: {  	_ = 	snop  }
0x22: {  	[tilespmem:s16], [sflag:$0x2] =	stream.indirect.gather [hbm4b:s5+s11], $0x80, s15, s11, $0xb8;
	[tilespmem:$0x17800] =	vst v63  }
0x23: {  	s26 =	simm.s32 $0x0  }
0x24: {  	[tilespmem:s18], [sflag:$0x2] =	stream.indirect.gather [hbm4b:s5+s11], $0x80, s17, s11, $0xb8;
	[tilespmem:$0x17800] =	vst v63  }
.LBB2_2:
0x25: {  	_ =	swait.ge [sflag:s19], $0x3200  }
0x26: {  	[sflag:s19] =	ssyncset.done $0x0  }
0x27: {  	[sflag:s19] =	ssyncadd.s32 $0xFFFFCE00  }
0x28: {  	_ =	swait.ge [sflag:s19], $0x3200  }
0x29: {  	p1 =	seq.s32 s26, $0x0;
	[sflag:s19] =	ssyncset.done $0x0  }
0x2a: {  	s0 =	simm.s32 @!p1 $0x3;
	[sflag:s19] =	ssyncadd.s32 $0xFFFFCE00  }
0x2b: {  	_ =	swait.ge @!p1 [sflag:s0], $0x3200  }
0x2c: {  	[sflag:s0] =	ssyncset.done @!p1 $0x0  }
0x2d: {  	s29 =	simm.s32 $0x0;
	[sflag:s0] =	ssyncadd.s32 @!p1 $0xFFFFCE00  }
0x2e: {  	s28 =	sshll.u32 s26, $0x1;
	s30 =	simm.s32 $0x4E00;
	s0 =	simm.s32 $0x800;
	v0 =	vld [tilespmem:s29+$0x1A00]  }
.LBB2_3:
0x2f: {  	p0 =	sne.s32 s0, $0xC000;
	v1 =	vld [tilespmem:s30+$0xFFFFFE00];
	_ =	sdelay $0x4  }
0x30: {  	v0 =	vadd.f32 v0, v1;
	_ =	sdelay $0x1  }
0x31: {  	[tilespmem:s29+$0x11400] =	vst v0;
	v0 =	vld [tilespmem:s29+$0x1A10]  }
0x32: {  	v1 =	vld [tilespmem:s30+$0xFFFFFE10];
	_ =	sdelay $0x4  }
0x33: {  	v0 =	vadd.f32 v0, v1;
	_ =	sdelay $0x1  }
0x34: {  	[tilespmem:s29+$0x11410] =	vst v0;
	v0 =	vld [tilespmem:s29+$0x1A20]  }
0x35: {  	v1 =	vld [tilespmem:s30+$0xFFFFFE20];
	_ =	sdelay $0x4  }
0x36: {  	v0 =	vadd.f32 v0, v1;
	_ =	sdelay $0x1  }
0x37: {  	[tilespmem:s29+$0x11420] =	vst v0;
	v0 =	vld [tilespmem:s29+$0x1A30]  }
0x38: {  	v1 =	vld [tilespmem:s30+$0xFFFFFE30];
	_ =	sdelay $0x4  }
0x39: {  	v0 =	vadd.f32 v0, v1;
	_ =	sdelay $0x1  }
0x3a: {  	[tilespmem:s29+$0x11430] =	vst v0;
	v0 =	vld [tilespmem:s29+$0x1A40]  }
0x3b: {  	v1 =	vld [tilespmem:s30+$0xFFFFFE80];
	_ =	sdelay $0x4  }
0x3c: {  	v0 =	vadd.f32 v0, v1;
	_ =	sdelay $0x1  }
0x3d: {  	[tilespmem:s29+$0x11440] =	vst v0;
	v0 =	vld [tilespmem:s29+$0x1A50]  }
0x3e: {  	v1 =	vld [tilespmem:s30+$0xFFFFFE90];
	_ =	sdelay $0x4  }
0x3f: {  	v0 =	vadd.f32 v0, v1;
	_ =	sdelay $0x1  }
0x40: {  	[tilespmem:s29+$0x11450] =	vst v0;
	v0 =	vld [tilespmem:s29+$0x1A60]  }
0x41: {  	v1 =	vld [tilespmem:s30+$0xFFFFFEA0];
	_ =	sdelay $0x4  }
0x42: {  	v0 =	vadd.f32 v0, v1;
	_ =	sdelay $0x1  }
0x43: {  	[tilespmem:s29+$0x11460] =	vst v0;
	v0 =	vld [tilespmem:s29+$0x1A70]  }
0x44: {  	v1 =	vld [tilespmem:s30+$0xFFFFFEB0];
	_ =	sdelay $0x4  }
0x45: {  	v0 =	vadd.f32 v0, v1;
	_ =	sdelay $0x1  }
0x46: {  	[tilespmem:s29+$0x11470] =	vst v0;
	v0 =	vld [tilespmem:s29+$0x1A80]  }
0x47: {  	v1 =	vld [tilespmem:s30+$0xFFFFFF00];
	_ =	sdelay $0x4  }
0x48: {  	v0 =	vadd.f32 v0, v1;
	_ =	sdelay $0x1  }
0x49: {  	[tilespmem:s29+$0x11480] =	vst v0;
	v0 =	vld [tilespmem:s29+$0x1A90]  }
0x4a: {  	v1 =	vld [tilespmem:s30+$0xFFFFFF10];
	_ =	sdelay $0x4  }
0x4b: {  	v0 =	vadd.f32 v0, v1;
	_ =	sdelay $0x1  }
0x4c: {  	[tilespmem:s29+$0x11490] =	vst v0;
	v0 =	vld [tilespmem:s29+$0x1AA0]  }
0x4d: {  	v1 =	vld [tilespmem:s30+$0xFFFFFF20];
	_ =	sdelay $0x4  }
0x4e: {  	v0 =	vadd.f32 v0, v1;
	_ =	sdelay $0x1  }
0x4f: {  	[tilespmem:s29+$0x114A0] =	vst v0;
	v0 =	vld [tilespmem:s29+$0x1AB0]  }
0x50: {  	v1 =	vld [tilespmem:s30+$0xFFFFFF30];
	_ =	sdelay $0x4  }
0x51: {  	v0 =	vadd.f32 v0, v1;
	_ =	sdelay $0x1  }
0x52: {  	[tilespmem:s29+$0x114B0] =	vst v0;
	v0 =	vld [tilespmem:s29+$0x1AC0]  }
0x53: {  	v1 =	vld [tilespmem:s30+$0xFFFFFF80];
	_ =	sdelay $0x4  }
0x54: {  	v0 =	vadd.f32 v0, v1;
	_ =	sdelay $0x1  }
0x55: {  	[tilespmem:s29+$0x114C0] =	vst v0;
	v0 =	vld [tilespmem:s29+$0x1AD0]  }
0x56: {  	v1 =	vld [tilespmem:s30+$0xFFFFFF90];
	_ =	sdelay $0x4  }
0x57: {  	v0 =	vadd.f32 v0, v1;
	_ =	sdelay $0x1  }
0x58: {  	[tilespmem:s29+$0x114D0] =	vst v0;
	v0 =	vld [tilespmem:s29+$0x1AE0]  }
0x59: {  	v1 =	vld [tilespmem:s30+$0xFFFFFFA0];
	_ =	sdelay $0x4  }
0x5a: {  	v0 =	vadd.f32 v0, v1;
	_ =	sdelay $0x1  }
0x5b: {  	[tilespmem:s29+$0x114E0] =	vst v0;
	v0 =	vld [tilespmem:s29+$0x1AF0]  }
0x5c: {  	v1 =	vld [tilespmem:s30+$0xFFFFFFB0];
	_ =	sdelay $0x4  }
0x5d: {  	v0 =	vadd.f32 v0, v1;
	_ =	sdelay $0x1  }
0x5e: {  	[tilespmem:s29+$0x114F0] =	vst v0;
	v0 =	vld [tilespmem:s29+$0x1B00]  }
0x5f: {  	v1 =	vld [tilespmem:s30+$0x0];
	_ =	sdelay $0x4  }
0x60: {  	v0 =	vadd.f32 v0, v1;
	_ =	sdelay $0x1  }
0x61: {  	[tilespmem:s29+$0x11500] =	vst v0;
	v0 =	vld [tilespmem:s29+$0x1B10]  }
0x62: {  	v1 =	vld [tilespmem:s30+$0x10];
	_ =	sdelay $0x4  }
0x63: {  	v0 =	vadd.f32 v0, v1;
	_ =	sdelay $0x1  }
0x64: {  	[tilespmem:s29+$0x11510] =	vst v0;
	v0 =	vld [tilespmem:s29+$0x1B20]  }
0x65: {  	v1 =	vld [tilespmem:s30+$0x20];
	_ =	sdelay $0x4  }
0x66: {  	v0 =	vadd.f32 v0, v1;
	_ =	sdelay $0x1  }
0x67: {  	[tilespmem:s29+$0x11520] =	vst v0;
	v0 =	vld [tilespmem:s29+$0x1B30]  }
0x68: {  	v1 =	vld [tilespmem:s30+$0x30];
	_ =	sdelay $0x4  }
0x69: {  	v0 =	vadd.f32 v0, v1;
	_ =	sdelay $0x1  }
0x6a: {  	[tilespmem:s29+$0x11530] =	vst v0;
	v0 =	vld [tilespmem:s29+$0x1B40]  }
0x6b: {  	v1 =	vld [tilespmem:s30+$0x80];
	_ =	sdelay $0x4  }
0x6c: {  	v0 =	vadd.f32 v0, v1;
	_ =	sdelay $0x1  }
0x6d: {  	[tilespmem:s29+$0x11540] =	vst v0;
	v0 =	vld [tilespmem:s29+$0x1B50]  }
0x6e: {  	v1 =	vld [tilespmem:s30+$0x90];
	_ =	sdelay $0x4  }
0x6f: {  	v0 =	vadd.f32 v0, v1;
	_ =	sdelay $0x1  }
0x70: {  	[tilespmem:s29+$0x11550] =	vst v0;
	v0 =	vld [tilespmem:s29+$0x1B60]  }
0x71: {  	v1 =	vld [tilespmem:s30+$0xA0];
	_ =	sdelay $0x4  }
0x72: {  	v0 =	vadd.f32 v0, v1;
	_ =	sdelay $0x1  }
0x73: {  	[tilespmem:s29+$0x11560] =	vst v0;
	v0 =	vld [tilespmem:s29+$0x1B70]  }
0x74: {  	v1 =	vld [tilespmem:s30+$0xB0];
	_ =	sdelay $0x4  }
0x75: {  	v0 =	vadd.f32 v0, v1;
	_ =	sdelay $0x1  }
0x76: {  	[tilespmem:s29+$0x11570] =	vst v0;
	v0 =	vld [tilespmem:s29+$0x1B80]  }
0x77: {  	v1 =	vld [tilespmem:s30+$0x100];
	_ =	sdelay $0x4  }
0x78: {  	v0 =	vadd.f32 v0, v1;
	_ =	sdelay $0x1  }
0x79: {  	[tilespmem:s29+$0x11580] =	vst v0;
	v0 =	vld [tilespmem:s29+$0x1B90]  }
0x7a: {  	v1 =	vld [tilespmem:s30+$0x110];
	_ =	sdelay $0x4  }
0x7b: {  	v0 =	vadd.f32 v0, v1;
	_ =	sdelay $0x1  }
0x7c: {  	[tilespmem:s29+$0x11590] =	vst v0;
	v0 =	vld [tilespmem:s29+$0x1BA0]  }
0x7d: {  	v1 =	vld [tilespmem:s30+$0x120];
	_ =	sdelay $0x4  }
0x7e: {  	v0 =	vadd.f32 v0, v1;
	_ =	sdelay $0x1  }
0x7f: {  	[tilespmem:s29+$0x115A0] =	vst v0;
	v0 =	vld [tilespmem:s29+$0x1BB0]  }
0x80: {  	v1 =	vld [tilespmem:s30+$0x130];
	_ =	sdelay $0x4  }
0x81: {  	v0 =	vadd.f32 v0, v1;
	_ =	sdelay $0x1  }
0x82: {  	[tilespmem:s29+$0x115B0] =	vst v0;
	v0 =	vld [tilespmem:s29+$0x1BC0]  }
0x83: {  	v1 =	vld [tilespmem:s30+$0x180];
	_ =	sdelay $0x4  }
0x84: {  	v0 =	vadd.f32 v0, v1;
	_ =	sdelay $0x1  }
0x85: {  	[tilespmem:s29+$0x115C0] =	vst v0;
	v0 =	vld [tilespmem:s29+$0x1BD0]  }
0x86: {  	v1 =	vld [tilespmem:s30+$0x190];
	_ =	sdelay $0x4  }
0x87: {  	v0 =	vadd.f32 v0, v1;
	_ =	sdelay $0x1  }
0x88: {  	[tilespmem:s29+$0x115D0] =	vst v0;
	v0 =	vld [tilespmem:s29+$0x1BE0]  }
0x89: {  	v1 =	vld [tilespmem:s30+$0x1A0];
	_ =	sdelay $0x4  }
0x8a: {  	v0 =	vadd.f32 v0, v1;
	_ =	sdelay $0x1  }
0x8b: {  	[tilespmem:s29+$0x115E0] =	vst v0;
	v0 =	vld [tilespmem:s29+$0x1BF0]  }
0x8c: {  	v1 =	vld [tilespmem:s30+$0x1B0];
	_ =	sdelay $0x2  }
.Ltmp2:
0x8d: {  	(pc) =	sbr.rel @p0 .LBB2_3-.Ltmp2, $4  }
0x8e: {  	_ = 	snop  }
0x8f: {  	v1 =	vadd.f32 v0, v1  }
0x90: {  	s1 =	sshra.s32 s0, $0x2  }
0x91: {  	s0 =	sadd.s32 $0x800, s0;
	s30 =	sadd.s32 $0x400, s30;
	v0 =	vld [tilespmem:s1+$0x1A00];
	[tilespmem:s29+$0x115F0] =	vst v1;
	s29 =	smov.u32 s1  }
0x92: {  	v1 =	vld [tilespmem:s30+$0xFFFFFE00];
	_ =	sdelay $0x4  }
0x93: {  	v0 =	vadd.f32 v0, v1;
	_ =	sdelay $0x1  }
0x94: {  	[tilespmem:s29+$0x11400] =	vst v0;
	v0 =	vld [tilespmem:s29+$0x1A10]  }
0x95: {  	v1 =	vld [tilespmem:s30+$0xFFFFFE10];
	_ =	sdelay $0x4  }
0x96: {  	v0 =	vadd.f32 v0, v1;
	_ =	sdelay $0x1  }
0x97: {  	[tilespmem:s29+$0x11410] =	vst v0;
	v0 =	vld [tilespmem:s29+$0x1A20]  }
0x98: {  	v1 =	vld [tilespmem:s30+$0xFFFFFE20];
	_ =	sdelay $0x4  }
0x99: {  	v0 =	vadd.f32 v0, v1;
	_ =	sdelay $0x1  }
0x9a: {  	[tilespmem:s29+$0x11420] =	vst v0;
	v0 =	vld [tilespmem:s29+$0x1A30]  }
0x9b: {  	v1 =	vld [tilespmem:s30+$0xFFFFFE30];
	_ =	sdelay $0x4  }
0x9c: {  	v0 =	vadd.f32 v0, v1;
	_ =	sdelay $0x1  }
0x9d: {  	[tilespmem:s29+$0x11430] =	vst v0;
	v0 =	vld [tilespmem:s29+$0x1A40]  }
0x9e: {  	v1 =	vld [tilespmem:s30+$0xFFFFFE80];
	_ =	sdelay $0x4  }
0x9f: {  	v0 =	vadd.f32 v0, v1;
	_ =	sdelay $0x1  }
0xa0: {  	[tilespmem:s29+$0x11440] =	vst v0;
	v0 =	vld [tilespmem:s29+$0x1A50]  }
0xa1: {  	v1 =	vld [tilespmem:s30+$0xFFFFFE90];
	_ =	sdelay $0x4  }
0xa2: {  	v0 =	vadd.f32 v0, v1;
	_ =	sdelay $0x1  }
0xa3: {  	[tilespmem:s29+$0x11450] =	vst v0;
	v0 =	vld [tilespmem:s29+$0x1A60]  }
0xa4: {  	v1 =	vld [tilespmem:s30+$0xFFFFFEA0];
	_ =	sdelay $0x4  }
0xa5: {  	v0 =	vadd.f32 v0, v1;
	_ =	sdelay $0x1  }
0xa6: {  	[tilespmem:s29+$0x11460] =	vst v0;
	v0 =	vld [tilespmem:s29+$0x1A70]  }
0xa7: {  	v1 =	vld [tilespmem:s30+$0xFFFFFEB0];
	_ =	sdelay $0x4  }
0xa8: {  	v0 =	vadd.f32 v0, v1;
	_ =	sdelay $0x1  }
0xa9: {  	[tilespmem:s29+$0x11470] =	vst v0;
	v0 =	vld [tilespmem:s29+$0x1A80]  }
0xaa: {  	v1 =	vld [tilespmem:s30+$0xFFFFFF00];
	_ =	sdelay $0x4  }
0xab: {  	v0 =	vadd.f32 v0, v1;
	_ =	sdelay $0x1  }
0xac: {  	[tilespmem:s29+$0x11480] =	vst v0;
	v0 =	vld [tilespmem:s29+$0x1A90]  }
0xad: {  	v1 =	vld [tilespmem:s30+$0xFFFFFF10];
	_ =	sdelay $0x4  }
0xae: {  	v0 =	vadd.f32 v0, v1;
	_ =	sdelay $0x1  }
0xaf: {  	[tilespmem:s29+$0x11490] =	vst v0;
	v0 =	vld [tilespmem:s29+$0x1AA0]  }
0xb0: {  	v1 =	vld [tilespmem:s30+$0xFFFFFF20];
	_ =	sdelay $0x4  }
0xb1: {  	v0 =	vadd.f32 v0, v1;
	_ =	sdelay $0x1  }
0xb2: {  	[tilespmem:s29+$0x114A0] =	vst v0;
	v0 =	vld [tilespmem:s29+$0x1AB0]  }
0xb3: {  	v1 =	vld [tilespmem:s30+$0xFFFFFF30];
	_ =	sdelay $0x4  }
0xb4: {  	v0 =	vadd.f32 v0, v1;
	_ =	sdelay $0x1  }
0xb5: {  	[tilespmem:s29+$0x114B0] =	vst v0;
	v0 =	vld [tilespmem:s29+$0x1AC0]  }
0xb6: {  	v1 =	vld [tilespmem:s30+$0xFFFFFF80];
	_ =	sdelay $0x4  }
0xb7: {  	v0 =	vadd.f32 v0, v1;
	_ =	sdelay $0x1  }
0xb8: {  	[tilespmem:s29+$0x114C0] =	vst v0;
	v0 =	vld [tilespmem:s29+$0x1AD0]  }
0xb9: {  	v1 =	vld [tilespmem:s30+$0xFFFFFF90];
	_ =	sdelay $0x4  }
0xba: {  	v0 =	vadd.f32 v0, v1;
	_ =	sdelay $0x1  }
0xbb: {  	[tilespmem:s29+$0x114D0] =	vst v0;
	v0 =	vld [tilespmem:s29+$0x1AE0]  }
0xbc: {  	v1 =	vld [tilespmem:s30+$0xFFFFFFA0];
	_ =	sdelay $0x4  }
0xbd: {  	v0 =	vadd.f32 v0, v1;
	_ =	sdelay $0x1  }
0xbe: {  	[tilespmem:s29+$0x114E0] =	vst v0;
	v0 =	vld [tilespmem:s29+$0x1AF0]  }
0xbf: {  	v1 =	vld [tilespmem:s30+$0xFFFFFFB0];
	_ =	sdelay $0x4  }
0xc0: {  	v0 =	vadd.f32 v0, v1;
	_ =	sdelay $0x1  }
0xc1: {  	[tilespmem:s29+$0x114F0] =	vst v0;
	v0 =	vld [tilespmem:s29+$0x1B00]  }
0xc2: {  	v1 =	vld [tilespmem:s30+$0x0];
	_ =	sdelay $0x4  }
0xc3: {  	v0 =	vadd.f32 v0, v1;
	_ =	sdelay $0x1  }
0xc4: {  	[tilespmem:s29+$0x11500] =	vst v0;
	v0 =	vld [tilespmem:s29+$0x1B10]  }
0xc5: {  	v1 =	vld [tilespmem:s30+$0x10];
	_ =	sdelay $0x4  }
0xc6: {  	v0 =	vadd.f32 v0, v1;
	_ =	sdelay $0x1  }
0xc7: {  	[tilespmem:s29+$0x11510] =	vst v0;
	v0 =	vld [tilespmem:s29+$0x1B20]  }
0xc8: {  	v1 =	vld [tilespmem:s30+$0x20];
	_ =	sdelay $0x4  }
0xc9: {  	v0 =	vadd.f32 v0, v1;
	_ =	sdelay $0x1  }
0xca: {  	[tilespmem:s29+$0x11520] =	vst v0;
	v0 =	vld [tilespmem:s29+$0x1B30]  }
0xcb: {  	v1 =	vld [tilespmem:s30+$0x30];
	_ =	sdelay $0x4  }
0xcc: {  	v0 =	vadd.f32 v0, v1;
	_ =	sdelay $0x1  }
0xcd: {  	[tilespmem:s29+$0x11530] =	vst v0;
	v0 =	vld [tilespmem:s29+$0x1B40]  }
0xce: {  	v1 =	vld [tilespmem:s30+$0x80];
	_ =	sdelay $0x4  }
0xcf: {  	v0 =	vadd.f32 v0, v1;
	_ =	sdelay $0x1  }
0xd0: {  	[tilespmem:s29+$0x11540] =	vst v0;
	v0 =	vld [tilespmem:s29+$0x1B50]  }
0xd1: {  	v1 =	vld [tilespmem:s30+$0x90];
	_ =	sdelay $0x4  }
0xd2: {  	v0 =	vadd.f32 v0, v1;
	_ =	sdelay $0x1  }
0xd3: {  	[tilespmem:s29+$0x11550] =	vst v0;
	v0 =	vld [tilespmem:s29+$0x1B60]  }
0xd4: {  	v1 =	vld [tilespmem:s30+$0xA0];
	_ =	sdelay $0x4  }
0xd5: {  	v0 =	vadd.f32 v0, v1;
	_ =	sdelay $0x1  }
0xd6: {  	[tilespmem:s29+$0x11560] =	vst v0;
	v0 =	vld [tilespmem:s29+$0x1B70]  }
0xd7: {  	v1 =	vld [tilespmem:s30+$0xB0];
	_ =	sdelay $0x4  }
0xd8: {  	v0 =	vadd.f32 v0, v1;
	_ =	sdelay $0x1  }
0xd9: {  	[tilespmem:s29+$0x11570] =	vst v0;
	v0 =	vld [tilespmem:s29+$0x1B80]  }
0xda: {  	v1 =	vld [tilespmem:s30+$0x100];
	_ =	sdelay $0x4  }
0xdb: {  	v0 =	vadd.f32 v0, v1;
	_ =	sdelay $0x1  }
0xdc: {  	[tilespmem:s29+$0x11580] =	vst v0;
	v0 =	vld [tilespmem:s29+$0x1B90]  }
0xdd: {  	v1 =	vld [tilespmem:s30+$0x110];
	_ =	sdelay $0x4  }
0xde: {  	v0 =	vadd.f32 v0, v1;
	_ =	sdelay $0x1  }
0xdf: {  	[tilespmem:s29+$0x11590] =	vst v0;
	v0 =	vld [tilespmem:s29+$0x1BA0]  }
0xe0: {  	v1 =	vld [tilespmem:s30+$0x120];
	_ =	sdelay $0x4  }
0xe1: {  	v0 =	vadd.f32 v0, v1;
	_ =	sdelay $0x1  }
0xe2: {  	[tilespmem:s29+$0x115A0] =	vst v0;
	v0 =	vld [tilespmem:s29+$0x1BB0]  }
0xe3: {  	v1 =	vld [tilespmem:s30+$0x130];
	_ =	sdelay $0x4  }
0xe4: {  	v0 =	vadd.f32 v0, v1;
	_ =	sdelay $0x1  }
0xe5: {  	[tilespmem:s29+$0x115B0] =	vst v0;
	v0 =	vld [tilespmem:s29+$0x1BC0]  }
0xe6: {  	v1 =	vld [tilespmem:s30+$0x180];
	_ =	sdelay $0x4  }
0xe7: {  	v0 =	vadd.f32 v0, v1;
	_ =	sdelay $0x1  }
0xe8: {  	[tilespmem:s29+$0x115C0] =	vst v0;
	v0 =	vld [tilespmem:s29+$0x1BD0]  }
0xe9: {  	v1 =	vld [tilespmem:s30+$0x190];
	_ =	sdelay $0x4  }
0xea: {  	v0 =	vadd.f32 v0, v1;
	_ =	sdelay $0x1  }
0xeb: {  	[tilespmem:s29+$0x115D0] =	vst v0;
	v0 =	vld [tilespmem:s29+$0x1BE0]  }
0xec: {  	v1 =	vld [tilespmem:s30+$0x1A0];
	_ =	sdelay $0x4  }
0xed: {  	v0 =	vadd.f32 v0, v1;
	_ =	sdelay $0x1  }
0xee: {  	[tilespmem:s29+$0x115E0] =	vst v0;
	v0 =	vld [tilespmem:s29+$0x1BF0]  }
0xef: {  	v1 =	vld [tilespmem:s30+$0x1B0];
	_ =	sdelay $0x3  }
0xf0: {  	s0 =	sadd.s32 s4, s28  }
0xf1: {  	s0 =	smul.u32 $0x640, s0;
	v0 =	vadd.f32 v0, v1  }
0xf2: {  	p0 =	seq.s32 s26, $0xF  }
0xf3: {  	s1 =	smul.u32 @!p0 $0x680, s26;
	s0 =	sadd.s32 s2, s0;
	[tilespmem:s29+$0x115F0] =	vst v0  }
0xf4: {  	[hbm4b:s0+s3] =	stream.linear.scatter [tilespmem:s20], [sflag:$0x3], $0x3200, $0x38;
	[tilespmem:$0x17800] =	vst v63  }
0xf5: {  	s0 =	sshra.s32 @!p0 s1, $0x2  }
0xf6: {  	s9 =	simm.s32 @!p0 $0x64;
	s29 =	simm.s32 @!p0 $0x4C00;
	s1 =	sadd.s32 @!p0 $0x1A0, s0  }
0xf7: {  	[tilespmem:s29], [sflag:$0x1] =	stream.indirect.gather @!p0 [hbm4b:s5+s9], $0x80, s1, s9, $0xb8;
	[tilespmem:$0x17800] =	vst v63  }
0xf8: {  	s0 =	sadd.s32 @!p0 $0x208, s0;
	s1 =	simm.s32 @!p0 $0x7E00  }
0xf9: {  	[tilespmem:s1], [sflag:$0x1] =	stream.indirect.gather @!p0 [hbm4b:s5+s9], $0x80, s0, s9, $0xb8;
	[tilespmem:$0x17800] =	vst v63  }
0xfa: {  	_ =	swait.ge [sflag:s21], $0x3200  }
0xfb: {  	[sflag:s21] =	ssyncset.done $0x0  }
0xfc: {  	[sflag:s21] =	ssyncadd.s32 $0xFFFFCE00  }
0xfd: {  	_ =	swait.ge [sflag:s21], $0x3200  }
0xfe: {  	[sflag:s21] =	ssyncset.done $0x0  }
0xff: {  	s0 =	simm.s32 @!p1 $0x4;
	[sflag:s21] =	ssyncadd.s32 $0xFFFFCE00  }
0x100: {  	_ =	swait.ge @!p1 [sflag:s0], $0x3200  }
0x101: {  	[sflag:s0] =	ssyncset.done @!p1 $0x0  }
0x102: {  	s29 =	simm.s32 $0x1B00;
	[sflag:s0] =	ssyncadd.s32 @!p1 $0xFFFFCE00  }
0x103: {  	s30 =	simm.s32 $0x0;
	v0 =	vld [tilespmem:s29+$0xFFFFFF00]  }
0x104: {  	v1 =	vld [tilespmem:s30+$0xB000];
	_ =	sdelay $0x4  }
0x105: {  	v0 =	vadd.f32 v0, v1  }
0x106: {  	s31 =	simm.s32 $0x147F0  }
0x107: {  	[tilespmem:s31+$0xFFFFFE10] =	vst v0  }
0x108: {  	v0 =	vld [tilespmem:s30+$0xB010]  }
0x109: {  	v1 =	vld [tilespmem:s29+$0xFFFFFF10];
	_ =	sdelay $0x4  }
0x10a: {  	v0 =	vadd.f32 v1, v0;
	_ =	sdelay $0x1  }
0x10b: {  	[tilespmem:s31+$0xFFFFFE20] =	vst v0  }
0x10c: {  	v0 =	vld [tilespmem:s30+$0xB020]  }
0x10d: {  	v1 =	vld [tilespmem:s29+$0xFFFFFF20];
	_ =	sdelay $0x4  }
0x10e: {  	v0 =	vadd.f32 v1, v0;
	_ =	sdelay $0x1  }
0x10f: {  	[tilespmem:s31+$0xFFFFFE30] =	vst v0  }
0x110: {  	v0 =	vld [tilespmem:s30+$0xB030]  }
0x111: {  	v1 =	vld [tilespmem:s29+$0xFFFFFF30];
	_ =	sdelay $0x4  }
0x112: {  	v0 =	vadd.f32 v1, v0;
	_ =	sdelay $0x1  }
0x113: {  	[tilespmem:s31+$0xFFFFFE40] =	vst v0  }
0x114: {  	v0 =	vld [tilespmem:s30+$0xB080]  }
0x115: {  	v1 =	vld [tilespmem:s29+$0xFFFFFF40];
	_ =	sdelay $0x4  }
0x116: {  	v0 =	vadd.f32 v1, v0;
	_ =	sdelay $0x1  }
0x117: {  	[tilespmem:s31+$0xFFFFFE50] =	vst v0  }
0x118: {  	v0 =	vld [tilespmem:s30+$0xB090]  }
0x119: {  	v1 =	vld [tilespmem:s29+$0xFFFFFF50];
	_ =	sdelay $0x4  }
0x11a: {  	v0 =	vadd.f32 v1, v0;
	_ =	sdelay $0x1  }
0x11b: {  	[tilespmem:s31+$0xFFFFFE60] =	vst v0  }
0x11c: {  	v0 =	vld [tilespmem:s30+$0xB0A0]  }
0x11d: {  	v1 =	vld [tilespmem:s29+$0xFFFFFF60];
	_ =	sdelay $0x4  }
0x11e: {  	v0 =	vadd.f32 v1, v0;
	_ =	sdelay $0x1  }
0x11f: {  	[tilespmem:s31+$0xFFFFFE70] =	vst v0  }
0x120: {  	v0 =	vld [tilespmem:s30+$0xB0B0]  }
0x121: {  	v1 =	vld [tilespmem:s29+$0xFFFFFF70];
	_ =	sdelay $0x4  }
0x122: {  	v0 =	vadd.f32 v1, v0;
	_ =	sdelay $0x1  }
0x123: {  	[tilespmem:s31+$0xFFFFFE80] =	vst v0  }
0x124: {  	v0 =	vld [tilespmem:s30+$0xB100]  }
0x125: {  	v1 =	vld [tilespmem:s29+$0xFFFFFF80];
	_ =	sdelay $0x4  }
0x126: {  	v0 =	vadd.f32 v1, v0;
	_ =	sdelay $0x1  }
0x127: {  	[tilespmem:s31+$0xFFFFFE90] =	vst v0  }
0x128: {  	v0 =	vld [tilespmem:s30+$0xB110]  }
0x129: {  	v1 =	vld [tilespmem:s29+$0xFFFFFF90];
	_ =	sdelay $0x4  }
0x12a: {  	v0 =	vadd.f32 v1, v0;
	_ =	sdelay $0x1  }
0x12b: {  	[tilespmem:s31+$0xFFFFFEA0] =	vst v0  }
0x12c: {  	v0 =	vld [tilespmem:s30+$0xB120]  }
0x12d: {  	v1 =	vld [tilespmem:s29+$0xFFFFFFA0];
	_ =	sdelay $0x4  }
0x12e: {  	v0 =	vadd.f32 v1, v0;
	_ =	sdelay $0x1  }
0x12f: {  	[tilespmem:s31+$0xFFFFFEB0] =	vst v0  }
0x130: {  	v0 =	vld [tilespmem:s30+$0xB130]  }
0x131: {  	v1 =	vld [tilespmem:s29+$0xFFFFFFB0];
	_ =	sdelay $0x4  }
0x132: {  	v0 =	vadd.f32 v1, v0;
	_ =	sdelay $0x1  }
0x133: {  	[tilespmem:s31+$0xFFFFFEC0] =	vst v0  }
0x134: {  	v0 =	vld [tilespmem:s30+$0xB180]  }
0x135: {  	v1 =	vld [tilespmem:s29+$0xFFFFFFC0];
	_ =	sdelay $0x4  }
0x136: {  	v0 =	vadd.f32 v1, v0;
	_ =	sdelay $0x1  }
0x137: {  	[tilespmem:s31+$0xFFFFFED0] =	vst v0  }
0x138: {  	v0 =	vld [tilespmem:s30+$0xB190]  }
0x139: {  	v1 =	vld [tilespmem:s29+$0xFFFFFFD0];
	_ =	sdelay $0x4  }
0x13a: {  	v0 =	vadd.f32 v1, v0;
	_ =	sdelay $0x1  }
0x13b: {  	[tilespmem:s31+$0xFFFFFEE0] =	vst v0  }
0x13c: {  	v0 =	vld [tilespmem:s30+$0xB1A0]  }
0x13d: {  	v1 =	vld [tilespmem:s29+$0xFFFFFFE0];
	_ =	sdelay $0x4  }
0x13e: {  	v0 =	vadd.f32 v1, v0;
	_ =	sdelay $0x1  }
0x13f: {  	[tilespmem:s31+$0xFFFFFEF0] =	vst v0  }
0x140: {  	v0 =	vld [tilespmem:s30+$0xB1B0]  }
0x141: {  	v1 =	vld [tilespmem:s29+$0xFFFFFFF0];
	_ =	sdelay $0x4  }
0x142: {  	v0 =	vadd.f32 v1, v0;
	_ =	sdelay $0x1  }
0x143: {  	[tilespmem:s31+$0xFFFFFF00] =	vst v0  }
0x144: {  	v0 =	vld [tilespmem:s30+$0xB200]  }
0x145: {  	v1 =	vld [tilespmem:s29+$0x0];
	_ =	sdelay $0x4  }
0x146: {  	v0 =	vadd.f32 v1, v0;
	_ =	sdelay $0x1  }
0x147: {  	[tilespmem:s31+$0xFFFFFF10] =	vst v0  }
0x148: {  	v0 =	vld [tilespmem:s30+$0xB210]  }
0x149: {  	v1 =	vld [tilespmem:s29+$0x10];
	_ =	sdelay $0x4  }
0x14a: {  	v0 =	vadd.f32 v1, v0;
	_ =	sdelay $0x1  }
0x14b: {  	[tilespmem:s31+$0xFFFFFF20] =	vst v0  }
0x14c: {  	v0 =	vld [tilespmem:s30+$0xB220]  }
0x14d: {  	v1 =	vld [tilespmem:s29+$0x20];
	_ =	sdelay $0x4  }
0x14e: {  	v0 =	vadd.f32 v1, v0;
	_ =	sdelay $0x1  }
0x14f: {  	[tilespmem:s31+$0xFFFFFF30] =	vst v0  }
0x150: {  	v0 =	vld [tilespmem:s30+$0xB230]  }
0x151: {  	v1 =	vld [tilespmem:s29+$0x30];
	_ =	sdelay $0x4  }
0x152: {  	v0 =	vadd.f32 v1, v0;
	_ =	sdelay $0x1  }
0x153: {  	[tilespmem:s31+$0xFFFFFF40] =	vst v0  }
0x154: {  	v0 =	vld [tilespmem:s30+$0xB280]  }
0x155: {  	v1 =	vld [tilespmem:s29+$0x40];
	_ =	sdelay $0x4  }
0x156: {  	v0 =	vadd.f32 v1, v0;
	_ =	sdelay $0x1  }
0x157: {  	[tilespmem:s31+$0xFFFFFF50] =	vst v0  }
0x158: {  	v0 =	vld [tilespmem:s30+$0xB290]  }
0x159: {  	v1 =	vld [tilespmem:s29+$0x50];
	_ =	sdelay $0x4  }
0x15a: {  	v0 =	vadd.f32 v1, v0;
	_ =	sdelay $0x1  }
0x15b: {  	[tilespmem:s31+$0xFFFFFF60] =	vst v0  }
0x15c: {  	v0 =	vld [tilespmem:s30+$0xB2A0]  }
0x15d: {  	v1 =	vld [tilespmem:s29+$0x60];
	_ =	sdelay $0x4  }
0x15e: {  	v0 =	vadd.f32 v1, v0;
	_ =	sdelay $0x1  }
0x15f: {  	[tilespmem:s31+$0xFFFFFF70] =	vst v0  }
0x160: {  	v0 =	vld [tilespmem:s30+$0xB2B0]  }
0x161: {  	v1 =	vld [tilespmem:s29+$0x70];
	_ =	sdelay $0x4  }
0x162: {  	v0 =	vadd.f32 v1, v0;
	_ =	sdelay $0x1  }
0x163: {  	[tilespmem:s31+$0xFFFFFF80] =	vst v0  }
0x164: {  	v0 =	vld [tilespmem:s30+$0xB300]  }
0x165: {  	v1 =	vld [tilespmem:s29+$0x80];
	_ =	sdelay $0x4  }
0x166: {  	v0 =	vadd.f32 v1, v0;
	_ =	sdelay $0x1  }
0x167: {  	[tilespmem:s31+$0xFFFFFF90] =	vst v0  }
0x168: {  	v0 =	vld [tilespmem:s30+$0xB310]  }
0x169: {  	v1 =	vld [tilespmem:s29+$0x90];
	_ =	sdelay $0x4  }
0x16a: {  	v0 =	vadd.f32 v1, v0;
	_ =	sdelay $0x1  }
0x16b: {  	[tilespmem:s31+$0xFFFFFFA0] =	vst v0  }
0x16c: {  	v0 =	vld [tilespmem:s30+$0xB320]  }
0x16d: {  	v1 =	vld [tilespmem:s29+$0xA0];
	_ =	sdelay $0x4  }
0x16e: {  	v0 =	vadd.f32 v1, v0;
	_ =	sdelay $0x1  }
0x16f: {  	[tilespmem:s31+$0xFFFFFFB0] =	vst v0  }
0x170: {  	v0 =	vld [tilespmem:s30+$0xB330]  }
0x171: {  	v1 =	vld [tilespmem:s29+$0xB0];
	_ =	sdelay $0x4  }
0x172: {  	v0 =	vadd.f32 v1, v0;
	_ =	sdelay $0x1  }
0x173: {  	[tilespmem:s31+$0xFFFFFFC0] =	vst v0  }
0x174: {  	s28 =	sor.u32 $0x1, s28;
	v0 =	vld [tilespmem:s30+$0xB380]  }
0x175: {  	s9 =	simm.s32 $0x1000;
	s1 =	simm.s32 $0x147F0;
	s0 =	simm.s32 $0x1B00;
	v1 =	vld [tilespmem:s29+$0xC0]  }
.LBB2_5:
0x176: {  	_ =	sdelay $0x1  }
0x177: {  	p1 =	sne.s32 s9, $0x18000;
	s31 =	sadd.s32 $0x200, s31;
	s29 =	sadd.s32 $0x200, s29  }
0x178: {  	s12 =	smov.u32 s9;
	s9 =	sadd.s32 $0x1000, s9  }
0x179: {  	v0 =	vadd.f32 v1, v0;
	_ =	sdelay $0x1  }
0x17a: {  	[tilespmem:s1+$0xFFFFFFD0] =	vst v0  }
0x17b: {  	v0 =	vld [tilespmem:s30+$0xB390]  }
0x17c: {  	v1 =	vld [tilespmem:s0+$0xD0];
	_ =	sdelay $0x4  }
0x17d: {  	v0 =	vadd.f32 v1, v0;
	_ =	sdelay $0x1  }
0x17e: {  	[tilespmem:s1+$0xFFFFFFE0] =	vst v0  }
0x17f: {  	v0 =	vld [tilespmem:s30+$0xB3A0]  }
0x180: {  	v1 =	vld [tilespmem:s0+$0xE0];
	_ =	sdelay $0x4  }
0x181: {  	v0 =	vadd.f32 v1, v0;
	_ =	sdelay $0x1  }
0x182: {  	[tilespmem:s1+$0xFFFFFFF0] =	vst v0  }
0x183: {  	v0 =	vld [tilespmem:s30+$0xB3B0]  }
0x184: {  	v1 =	vld [tilespmem:s0+$0xF0];
	s0 =	smov.u32 s29;
	_ =	sdelay $0x4  }
0x185: {  	v0 =	vadd.f32 v1, v0;
	_ =	sdelay $0x1  }
0x186: {  	[tilespmem:s1+$0x0] =	vst v0;
	s1 =	smov.u32 s31  }
0x187: {  	s30 =	sshra.s32 s12, $0x2;
	v0 =	vld [tilespmem:s29+$0xFFFFFF00]  }
0x188: {  	v1 =	vld [tilespmem:s30+$0xB000];
	_ =	sdelay $0x4  }
0x189: {  	v0 =	vadd.f32 v0, v1;
	_ =	sdelay $0x1  }
0x18a: {  	[tilespmem:s31+$0xFFFFFE10] =	vst v0  }
0x18b: {  	v0 =	vld [tilespmem:s30+$0xB010]  }
0x18c: {  	v1 =	vld [tilespmem:s29+$0xFFFFFF10];
	_ =	sdelay $0x4  }
0x18d: {  	v0 =	vadd.f32 v1, v0;
	_ =	sdelay $0x1  }
0x18e: {  	[tilespmem:s31+$0xFFFFFE20] =	vst v0  }
0x18f: {  	v0 =	vld [tilespmem:s30+$0xB020]  }
0x190: {  	v1 =	vld [tilespmem:s29+$0xFFFFFF20];
	_ =	sdelay $0x4  }
0x191: {  	v0 =	vadd.f32 v1, v0;
	_ =	sdelay $0x1  }
0x192: {  	[tilespmem:s31+$0xFFFFFE30] =	vst v0  }
0x193: {  	v0 =	vld [tilespmem:s30+$0xB030]  }
0x194: {  	v1 =	vld [tilespmem:s29+$0xFFFFFF30];
	_ =	sdelay $0x4  }
0x195: {  	v0 =	vadd.f32 v1, v0;
	_ =	sdelay $0x1  }
0x196: {  	[tilespmem:s31+$0xFFFFFE40] =	vst v0  }
0x197: {  	v0 =	vld [tilespmem:s30+$0xB080]  }
0x198: {  	v1 =	vld [tilespmem:s29+$0xFFFFFF40];
	_ =	sdelay $0x4  }
0x199: {  	v0 =	vadd.f32 v1, v0;
	_ =	sdelay $0x1  }
0x19a: {  	[tilespmem:s31+$0xFFFFFE50] =	vst v0  }
0x19b: {  	v0 =	vld [tilespmem:s30+$0xB090]  }
0x19c: {  	v1 =	vld [tilespmem:s29+$0xFFFFFF50];
	_ =	sdelay $0x4  }
0x19d: {  	v0 =	vadd.f32 v1, v0;
	_ =	sdelay $0x1  }
0x19e: {  	[tilespmem:s31+$0xFFFFFE60] =	vst v0  }
0x19f: {  	v0 =	vld [tilespmem:s30+$0xB0A0]  }
0x1a0: {  	v1 =	vld [tilespmem:s29+$0xFFFFFF60];
	_ =	sdelay $0x4  }
0x1a1: {  	v0 =	vadd.f32 v1, v0;
	_ =	sdelay $0x1  }
0x1a2: {  	[tilespmem:s31+$0xFFFFFE70] =	vst v0  }
0x1a3: {  	v0 =	vld [tilespmem:s30+$0xB0B0]  }
0x1a4: {  	v1 =	vld [tilespmem:s29+$0xFFFFFF70];
	_ =	sdelay $0x4  }
0x1a5: {  	v0 =	vadd.f32 v1, v0;
	_ =	sdelay $0x1  }
0x1a6: {  	[tilespmem:s31+$0xFFFFFE80] =	vst v0  }
0x1a7: {  	v0 =	vld [tilespmem:s30+$0xB100]  }
0x1a8: {  	v1 =	vld [tilespmem:s29+$0xFFFFFF80];
	_ =	sdelay $0x4  }
0x1a9: {  	v0 =	vadd.f32 v1, v0;
	_ =	sdelay $0x1  }
0x1aa: {  	[tilespmem:s31+$0xFFFFFE90] =	vst v0  }
0x1ab: {  	v0 =	vld [tilespmem:s30+$0xB110]  }
0x1ac: {  	v1 =	vld [tilespmem:s29+$0xFFFFFF90];
	_ =	sdelay $0x4  }
0x1ad: {  	v0 =	vadd.f32 v1, v0;
	_ =	sdelay $0x1  }
0x1ae: {  	[tilespmem:s31+$0xFFFFFEA0] =	vst v0  }
0x1af: {  	v0 =	vld [tilespmem:s30+$0xB120]  }
0x1b0: {  	v1 =	vld [tilespmem:s29+$0xFFFFFFA0];
	_ =	sdelay $0x4  }
0x1b1: {  	v0 =	vadd.f32 v1, v0;
	_ =	sdelay $0x1  }
0x1b2: {  	[tilespmem:s31+$0xFFFFFEB0] =	vst v0  }
0x1b3: {  	v0 =	vld [tilespmem:s30+$0xB130]  }
0x1b4: {  	v1 =	vld [tilespmem:s29+$0xFFFFFFB0];
	_ =	sdelay $0x4  }
0x1b5: {  	v0 =	vadd.f32 v1, v0;
	_ =	sdelay $0x1  }
0x1b6: {  	[tilespmem:s31+$0xFFFFFEC0] =	vst v0  }
0x1b7: {  	v0 =	vld [tilespmem:s30+$0xB180]  }
0x1b8: {  	v1 =	vld [tilespmem:s29+$0xFFFFFFC0];
	_ =	sdelay $0x4  }
0x1b9: {  	v0 =	vadd.f32 v1, v0;
	_ =	sdelay $0x1  }
0x1ba: {  	[tilespmem:s31+$0xFFFFFED0] =	vst v0  }
0x1bb: {  	v0 =	vld [tilespmem:s30+$0xB190]  }
0x1bc: {  	v1 =	vld [tilespmem:s29+$0xFFFFFFD0];
	_ =	sdelay $0x4  }
0x1bd: {  	v0 =	vadd.f32 v1, v0;
	_ =	sdelay $0x1  }
0x1be: {  	[tilespmem:s31+$0xFFFFFEE0] =	vst v0  }
0x1bf: {  	v0 =	vld [tilespmem:s30+$0xB1A0]  }
0x1c0: {  	v1 =	vld [tilespmem:s29+$0xFFFFFFE0];
	_ =	sdelay $0x4  }
0x1c1: {  	v0 =	vadd.f32 v1, v0;
	_ =	sdelay $0x1  }
0x1c2: {  	[tilespmem:s31+$0xFFFFFEF0] =	vst v0  }
0x1c3: {  	v0 =	vld [tilespmem:s30+$0xB1B0]  }
0x1c4: {  	v1 =	vld [tilespmem:s29+$0xFFFFFFF0];
	_ =	sdelay $0x4  }
0x1c5: {  	v0 =	vadd.f32 v1, v0;
	_ =	sdelay $0x1  }
0x1c6: {  	[tilespmem:s31+$0xFFFFFF00] =	vst v0  }
0x1c7: {  	v0 =	vld [tilespmem:s30+$0xB200]  }
0x1c8: {  	v1 =	vld [tilespmem:s29+$0x0];
	_ =	sdelay $0x4  }
0x1c9: {  	v0 =	vadd.f32 v1, v0;
	_ =	sdelay $0x1  }
0x1ca: {  	[tilespmem:s31+$0xFFFFFF10] =	vst v0  }
0x1cb: {  	v0 =	vld [tilespmem:s30+$0xB210]  }
0x1cc: {  	v1 =	vld [tilespmem:s29+$0x10];
	_ =	sdelay $0x4  }
0x1cd: {  	v0 =	vadd.f32 v1, v0;
	_ =	sdelay $0x1  }
0x1ce: {  	[tilespmem:s31+$0xFFFFFF20] =	vst v0  }
0x1cf: {  	v0 =	vld [tilespmem:s30+$0xB220]  }
0x1d0: {  	v1 =	vld [tilespmem:s29+$0x20];
	_ =	sdelay $0x4  }
0x1d1: {  	v0 =	vadd.f32 v1, v0;
	_ =	sdelay $0x1  }
0x1d2: {  	[tilespmem:s31+$0xFFFFFF30] =	vst v0  }
0x1d3: {  	v0 =	vld [tilespmem:s30+$0xB230]  }
0x1d4: {  	v1 =	vld [tilespmem:s29+$0x30];
	_ =	sdelay $0x4  }
0x1d5: {  	v0 =	vadd.f32 v1, v0;
	_ =	sdelay $0x1  }
0x1d6: {  	[tilespmem:s31+$0xFFFFFF40] =	vst v0  }
0x1d7: {  	v0 =	vld [tilespmem:s30+$0xB280]  }
0x1d8: {  	v1 =	vld [tilespmem:s29+$0x40];
	_ =	sdelay $0x4  }
0x1d9: {  	v0 =	vadd.f32 v1, v0;
	_ =	sdelay $0x1  }
0x1da: {  	[tilespmem:s31+$0xFFFFFF50] =	vst v0  }
0x1db: {  	v0 =	vld [tilespmem:s30+$0xB290]  }
0x1dc: {  	v1 =	vld [tilespmem:s29+$0x50];
	_ =	sdelay $0x4  }
0x1dd: {  	v0 =	vadd.f32 v1, v0;
	_ =	sdelay $0x1  }
0x1de: {  	[tilespmem:s31+$0xFFFFFF60] =	vst v0  }
0x1df: {  	v0 =	vld [tilespmem:s30+$0xB2A0]  }
0x1e0: {  	v1 =	vld [tilespmem:s29+$0x60];
	_ =	sdelay $0x4  }
0x1e1: {  	v0 =	vadd.f32 v1, v0;
	_ =	sdelay $0x1  }
0x1e2: {  	[tilespmem:s31+$0xFFFFFF70] =	vst v0  }
0x1e3: {  	v0 =	vld [tilespmem:s30+$0xB2B0]  }
0x1e4: {  	v1 =	vld [tilespmem:s29+$0x70];
	_ =	sdelay $0x4  }
0x1e5: {  	v0 =	vadd.f32 v1, v0;
	_ =	sdelay $0x1  }
0x1e6: {  	[tilespmem:s31+$0xFFFFFF80] =	vst v0  }
0x1e7: {  	v0 =	vld [tilespmem:s30+$0xB300]  }
0x1e8: {  	v1 =	vld [tilespmem:s29+$0x80];
	_ =	sdelay $0x4  }
0x1e9: {  	v0 =	vadd.f32 v1, v0;
	_ =	sdelay $0x1  }
0x1ea: {  	[tilespmem:s31+$0xFFFFFF90] =	vst v0  }
0x1eb: {  	v0 =	vld [tilespmem:s30+$0xB310]  }
0x1ec: {  	v1 =	vld [tilespmem:s29+$0x90];
	_ =	sdelay $0x4  }
0x1ed: {  	v0 =	vadd.f32 v1, v0;
	_ =	sdelay $0x1  }
0x1ee: {  	[tilespmem:s31+$0xFFFFFFA0] =	vst v0  }
0x1ef: {  	v0 =	vld [tilespmem:s30+$0xB320]  }
0x1f0: {  	v1 =	vld [tilespmem:s29+$0xA0];
	_ =	sdelay $0x4  }
0x1f1: {  	v0 =	vadd.f32 v1, v0;
	_ =	sdelay $0x1  }
0x1f2: {  	[tilespmem:s31+$0xFFFFFFB0] =	vst v0  }
0x1f3: {  	v0 =	vld [tilespmem:s30+$0xB330]  }
0x1f4: {  	v1 =	vld [tilespmem:s29+$0xB0];
	_ =	sdelay $0x4  }
.Ltmp3:
0x1f5: {  	v0 =	vadd.f32 v1, v0;
	(pc) =	sbr.rel @p1 .LBB2_5-.Ltmp3, $4  }
0x1f6: {  	_ = 	snop  }
0x1f7: {  	[tilespmem:s31+$0xFFFFFFC0] =	vst v0  }
0x1f8: {  	v0 =	vld [tilespmem:s30+$0xB380]  }
0x1f9: {  	v1 =	vld [tilespmem:s29+$0xC0]  }
0x1fa: {  	_ =	sdelay $0x3  }
0x1fb: {  	v0 =	vadd.f32 v1, v0;
	_ =	sdelay $0x1  }
0x1fc: {  	[tilespmem:s1+$0xFFFFFFD0] =	vst v0  }
0x1fd: {  	v0 =	vld [tilespmem:s30+$0xB390]  }
0x1fe: {  	v61 =	vld [tilespmem:s0+$0xD0];
	_ =	sdelay $0x4  }
0x1ff: {  	v0 =	vadd.f32 v61, v0;
	_ =	sdelay $0x1  }
0x200: {  	[tilespmem:s1+$0xFFFFFFE0] =	vst v0  }
0x201: {  	v0 =	vld [tilespmem:s30+$0xB3A0]  }
0x202: {  	v62 =	vld [tilespmem:s0+$0xE0];
	_ =	sdelay $0x4  }
0x203: {  	v0 =	vadd.f32 v62, v0;
	_ =	sdelay $0x1  }
0x204: {  	[tilespmem:s1+$0xFFFFFFF0] =	vst v0  }
0x205: {  	v0 =	vld [tilespmem:s30+$0xB3B0]  }
0x206: {  	v63 =	vld [tilespmem:s0+$0xF0];
	_ =	sdelay $0x3  }
.Ltmp4:
0x207: {  	s31 =	sadd.s32 s4, s28;
	(pc) =	sbr.rel @p0 .LBB2_8-.Ltmp4, $3  }
0x208: {  	s0 =	smul.u32 $0x640, s31;
	v0 =	vadd.f32 v63, v0;
	_ =	sdelay $0x1  }
0x209: {  	s0 =	sadd.s32 s2, s0;
	[tilespmem:s1+$0x0] =	vst v0  }
0x20a: {  	[hbm4b:s0+s3] =	stream.linear.scatter [tilespmem:s22], [sflag:$0x4], $0x3200, $0x38;
	[tilespmem:$0x17800] =	vst v63  }
0x20b: {  	s0 =	smul.u32 $0x680, s26;
	_ =	sdelay $0x1  }
.Ltmp5:
0x20c: {  	s0 =	sshra.s32 s0, $0x2;
	(pc) =	sbr.rel .LBB2_2-.Ltmp5, $4  }
0x20d: {  	s1 =	sadd.s32 $0x270, s0  }
0x20e: {  	[tilespmem:s16], [sflag:$0x2] =	stream.indirect.gather [hbm4b:s5+s11], $0x80, s1, s11, $0xb8;
	[tilespmem:$0x17800] =	vst v63  }
0x20f: {  	s26 =	sadd.s32 $0x1, s26;
	s0 =	sadd.s32 $0x2D8, s0  }
0x210: {  	[tilespmem:s18], [sflag:$0x2] =	stream.indirect.gather [hbm4b:s5+s11], $0x80, s0, s11, $0xb8;
	[tilespmem:$0x17800] =	vst v63  }
.LBB2_9:
0x211: {  	_ =	sfence.sel $0x180000  }
0x212: {  	[bflag:$0x0] =	sbarrier.arrive $0xFFFF  }
0x213: {  	_ =	strace $0x90000047  }
0x214: {  	s0 =	stileid.u32;
	[bflag:$0x2] =	sbarrier.arrive $0xFFFF  }
0x215: {  	p0 =	sne.s32 s0, $0x0;
	s0 =	rddreg [dreg:$0x2]  }
0x216: {  	s0 =	sadd.s32 @!p0 $0x100000, s0  }
0x217: {  	[sflag:s0] =	ssyncadd.tile.s32 @!p0 $0x1;
	_ =	shalt  }
.Lfunc_end2:
_tile_overlayer_lowered:
.L_overlay_start_2:
0x218: {  	(tag) =	ssettag $0x2  }
0x219: {  	s0 =	rddreg [dreg:$0x0];
	s2 =	stileid.u32  }
0x21a: {  	s1 =	rddreg [dreg:$0x1];
	p0 =	sne.s32 s2, $0x0  }
0x21b: {  	s3 =	rddreg [dreg:$0x2];
	[bflag:$0x3] =	sbarrier.arrive $0xFFFF;
	s2 =	simm.s32 @!p0 $0x1C05  }
0x21c: {  	[timem:s3], [sflag:s2] =	dma.local @!p0 [hbm:s0], s1  }
0x21d: {  	s0 =	simm.s32 @!p0 $0x5  }
0x21e: {  	_ =	swait.ge @!p0 [sflag:s0], s1  }
0x21f: {  	s1 =	ssub.s32 @!p0 $0x0, s1;
	[sflag:s0] =	ssyncset.done @!p0 $0x0  }
0x220: {  	[sflag:s0] =	ssyncadd.s32 @!p0 s1  }
0x221: {  	[bflag:$0x3] =	sbarrier.arrive $0xFFFF  }
0x222: {  	_ =	shalt  }

// kernel: sparse-core-data-format-call.cloned.1.call-start
scs
called_computation_lowered:
.L_overlay_start_0:
0x0: {  	s2 =	sld [smem:$0x3FD9]  }
0x1: {  	s3 =	sld [smem:$0x3FFE];
	_ =	sdelay $0x1  }
0x2: {  	s1 =	srdreg.scid  }
0x3: {  	s0 =	sand.u32 $0x1, s1  }
0x4: {  	s18 =	sshll.u32 s0, $0xA;
	s2 =	sadd.s32 s3, s2  }
0x5: {  	s2 =	sadd.s32 s2, s18  }
0x6: {  	[smem:$0x3FC5] =	sst s2  }
0x7: {  	_ = 	snop  }
0x8: {  	s2 =	sld [smem:$0x3FD0];
	(tm) =	ssettm $0x1  }
0x9: {  	s19 =	sld [smem:$0x3FFB];
	_ =	sdelay $0x3  }
0xa: {  	_ =	strace s19  }
0xb: {  	s3 =	sld [smem:$0x3FFC];
	_ =	sdelay $0x3  }
0xc: {  	_ =	strace s3  }
0xd: {  	s3 =	sld [smem:$0x3FFD];
	_ =	sdelay $0x3  }
0xe: {  	_ =	strace s3  }
0xf: {  	_ =	strace $0x8FFFFFFF  }
0x10: {  	s20 =	sld [smem:$0x3FDB];
	_ =	sdelay $0x1  }
0x11: {  	s4 =	simm.s32 $_scs_section_size  }
0x12: {  	s5 =	simm.s32 $_size__tile_overlayer_lowered;
	s6 =	simm.s32 $_tile_overlayer_lowered  }
0x13: {  	s23 =	simm.s32 $0x1BFF;
	s22 =	sshll.u32 s6, $0x1;
	s3 =	sadd.s32 s4, s20  }
0x14: {  	s7 =	simm.s32 $0x0;
	s21 =	sshll.u32 s5, $0x1;
	s5 =	sadd.s32 s22, s3  }
0x15: {  	[timem:s7], [sflag:s23] =	dma.local [hbm:s5], s21  }
0x16: {  	_ =	swait.ge [sflag:s23], s21  }
0x17: {  	s4 =	ssub.s32 $0x0, s21;
	[sflag:s23] =	ssyncset.done $0x0  }
0x18: {  	[sflag:s23] =	ssyncadd.s32 s4;
	_ =	sdelay $0x1  }
0x19: {  	s24 =	simm.s32 $0x1B8B  }
0x1a: {  	_ =	swait.ge [sflag:s24], $0x1  }
0x1b: {  	[sflag:s24] =	ssyncset.done $0x0  }
0x1c: {  	s26 =	simm.s32 $0x1B8E;
	s25 =	sld [smem:$0x3FFE];
	[sflag:s24] =	ssyncadd.s32 $0xFFFFFFFF  }
0x1d: {  	s27 =	simm.s32 $execute0_lowered;
	[smem:$0x3FD2] =	sst s26  }
0x1e: {  	s5 =	sshll.u32 s27, $0x1;
	_ =	strace $0x80000049;
	[dreg:$0x1] =	wrdreg $0xFFFFFFFF  }
0x1f: {  	s28 =	simm.s32 $_size_execute0_lowered;
	s3 =	sadd.s32 s3, s5;
	[dreg:$0x0] =	wrdreg $0x0  }
0x20: {  	s5 =	sshll.u32 s28, $0x1;
	[dreg:$0x2] =	wrdreg s3  }
0x21: {  	[dreg:$0x3] =	wrdreg s5  }
0x22: {  	[dreg:$0x4] =	wrdreg $0xC0  }
0x23: {  	_ =	task [dreg:s7], $0x5FFFF  }
0x24: {  	[dreg:$0x1] =	wrdreg $0xFFFFFFFF  }
0x25: {  	[dreg:$0x0] =	wrdreg $0x60  }
0x26: {  	[dreg:$0x2] =	wrdreg s25  }
0x27: {  	[dreg:$0x3] =	wrdreg s2  }
0x28: {  	[dreg:$0x4] =	wrdreg $0x9  }
0x29: {  	_ =	task.clear_ibuf [dreg:s7], $0x5FFFF;
	_ =	strace $0x90000049  }
0x2a: {  	s29 =	simm.s32 $0x9;
	_ =	strace $0x8000004B  }
0x2b: {  	_ =	swait.ge [sflag:s29], $0x1  }
0x2c: {  	[sflag:s29] =	ssyncadd.s32 $0xFFFFFFFF  }
0x2d: {  	_ =	strace $0x9000004B  }
0x2e: {  	_ =	sfence  }
0x2f: {  	s30 =	sld [smem:$0x0];
	_ =	sdelay $0x2  }
0x30: {  	s31 =	sshll.u32 s1, $0xD;
	s1 =	sshrl.u32 s1, $0x2  }
0x31: {  	s3 =	sand.u32 $0x4000, s31;
	s1 =	sadd.s32 s1, s30  }
0x32: {  	s0 =	sor.u32 s3, s0;
	s1 =	sshll.u32 s1, $0x11  }
0x33: {  	s0 =	sor.u32 s1, s0  }
0x34: {  	s0 =	sadd.s32 $0x8F2B, s0  }
0x35: {  	[sflag:s0] =	ssyncadd.remote.s32 $0x1  }
0x36: {  	_ =	sfence.sel $0xFFFF  }
0x37: {  	[dreg:$0x0] =	wrdreg $0xFFFFFFFF;
	(pc) =	sbr.abs _section_cstart, $3  }
0x38: {  	[dreg:$0x1] =	wrdreg $0xFFFFFFFF  }
0x39: {  	_ =	task.clear_ibuf [dreg:s7], $0x2FFFF;
	_ =	strace $0x9FFFFFFF  }
0x3a: {  	(tm) =	ssettm $0x7FFFFFFF  }
0x3b: {  	_ =	shalt  }
tec
execute0_lowered:
.L_overlay_start_1:
0x0: {  	(tag) =	ssettag $0x1  }
0x1: {  	s0 =	stileid.u32;
	s6 =	rddreg [dreg:$0x0]  }
0x2: {  	s2 =	rddreg [dreg:$0x1];
	s5 =	srdreg.scid  }
0x3: {  	s31 =	simm.s32 $0x2;
	s13 =	simm.s32 $0x0;
	s1 =	sshll.u32 s0, $0x7  }
0x4: {  	s14 =	simm.s32 $0x0;
	s12 =	simm.s32 $0x0;
	s3 =	sand.u32 $0x380, s1  }
0x5: {  	s5 =	sshll.u32 s5, $0x4;
	s6 =	sadd.s32 $0xC00, s6;
	s4 =	ssub.s32 $0x400, s3  }
0x6: {  	s1 =	rddreg [dreg:$0x2];
	_ =	strace $0x8000004A;
	s7 =	sand.u32 $0x380, s4  }
0x7: {  	s5 =	sand.u32 $0x10, s5;
	p0 =	sne.s32 s7, $0x0;
	s7 =	simm.s32 $0x1  }
.Ltmp0:
0x8: {  	s8 =	sshrl.u32 s4, $0xA;
	s7 =	simm.s32 @!p0 $0x0;
	(pc) =	sbr.rel .LBB1_1-.Ltmp0, $4  }
0x9: {  	s9 =	sor.u32 s0, s5;
	s4 =	simm.s32 $0x1;
	s30 =	sadd.s32 s7, s8  }
0xa: {  	s11 =	smov.u32 s3;
	[sflag:s4] =	ssyncpa.u1 $0x0;
	s5 =	smul.u32 $0x32, s30  }
0xb: {  	[sflag:s31] =	ssyncpa.u1 $0x0;
	p0 =	por $0x0, $0x0;
	s7 =	sshrl.u32 s9, $0x3  }
0xc: {  	s9 =	simm.s32 $0x2000;
	s10 =	smov.u32 s7;
	s8 =	sor.u32 $0x1, s5  }
.LBB1_4:
0xd: {  	s17 =	sand.u32 $0x1F80, s14;
	s13 =	sshll.u32 s13, $0xD  }
0xe: {  	[tilespmem:s16+$0x810 ss:$0x81] =	vst.msk $0xffff, v2;
	s18 =	sshrl.u32 s14, $0x3;
	s31 =	sand.u32 $0x7, s14;
	s17 =	sadd.s32 s2, s17  }
0xf: {  	[tilespmem:s16+$0x1020 ss:$0x81] =	vst.msk $0xffff, v0;
	s18 =	sand.u32 $0xF, s18;
	s14 =	sshll.u32 s31, $0x12;
	s13 =	sadd.s32 s13, s17  }
0x10: {  	[tilespmem:s16+$0x0 ss:$0x81] =	vst.msk $0xffff, v1;
	s14 =	sor.u32 $0x400, s14;
	s13 =	sadd.s32 s18, s13  }
0x11: {  	[hbm4b:s13+s14] =	stream.strided.scatter [tilespmem:s15], [sflag:$0x2], $0x2000, s9, s14, $0x20;
	[tilespmem:$0x8080] =	vst v63  }
.LBB1_5:
0x12: {  	s15 =	sadd.s32 $0x4, s10  }
0x13: {  	s13 =	sadd.s32 $0x400, s11;
	s17 =	smov.u32 s11;
	p2 =	sgt.s32 s15, $0xC7  }
0x14: {  	s17 =	smov.u32 @p2 s13  }
0x15: {  	s15 =	smov.u32 @p2 s7;
	p2 =	sgt.s32 s17, $0x3FF  }
0x16: {  	s17 =	smov.u32 @p2 s3;
	p2 =	sne.s32 s12, s8  }
.Ltmp1:
0x17: {  	p1 =	slt.u32 s12, $0x2;
	(pc) =	sbr.rel @!p2 .LBB1_6-.Ltmp1, $4  }
0x18: {  	s16 =	simm.s32 @!p1 $0x2  }
0x19: {  	s14 =	smov.u32 s11;
	p0 =	por !p0, !p0;
	_ =	swait.ge @!p1 [sflag:s16], $0x2000  }
0x1a: {  	s13 =	smov.u32 s10;
	[sflag:s16] =	ssyncset.done @!p1 $0x0;
	s10 =	smov.u32 s15  }
0x1b: {  	s12 =	sadd.s32 $0x1, s12;
	[sflag:s16] =	ssyncadd.s32 @!p1 $0xFFFFE000;
	s11 =	smov.u32 s17  }
.LBB1_1:
0x1c: {  	p1 =	sge.u32 s12, s5  }
0x1d: {  	s15 =	sand.u32 @!p1 $0x1FFFFFF, s10  }
0x1e: {  	s16 =	smulhi.u32 @!p1 $0x147AE15, s15;
	_ =	sdelay $0x1  }
0x1f: {  	s16 =	smul.u32 @!p1 $0xC8, s16  }
0x20: {  	s17 =	sxor.u32 @!p1 $0xFFFFFFFF, s12;
	s18 =	smul.u32 @!p1 $0xC80, s11  }
0x21: {  	s31 =	sadd.s32 $0xFFFFFFFF, s12;
	s17 =	sshll.u32 @!p1 s17, $0xD;
	s15 =	ssub.s32 @!p1 s15, s16  }
0x22: {  	s16 =	sand.u32 @!p1 $0x2000, s17;
	s17 =	sadd.s32 @!p1 s6, s18;
	s15 =	sshll.u32 @!p1 s15, $0x4  }
0x23: {  	s18 =	simm.s32 @!p1 $0x6400;
	s15 =	sadd.s32 @!p1 s15, s17;
	s17 =	simm.s32 @!p1 $0x40  }
0x24: {  	[tilespmem:s16], [sflag:$0x1] =	stream.strided.gather @!p1 [hbm4b:s15+s17], $0x2000, s18, s17, $0x38;
	[tilespmem:$0x8080] =	vst v63  }
0x25: {  	p1 =	sge.u32 s31, s5  }
.Ltmp2:
0x26: {  	_ = 	snop;
	(pc) =	sbr.rel @p1 .LBB1_5-.Ltmp2, $1  }
0x27: {  	_ =	sdelay $0x3  }
0x28: {  	s15 =	simm.s32 $0x1  }
0x29: {  	_ =	swait.ge [sflag:s4], $0x2000;
	s15 =	simm.s32 @!p0 $0x0  }
0x2a: {  	[sflag:s4] =	ssyncset.done $0x0;
	s16 =	sshll.u32 s15, $0xD  }
0x2b: {  	[sflag:s4] =	ssyncadd.s32 $0xFFFFE000;
	s19 =	sor.u32 $0x20, s16  }
0x2c: {  	s15 =	smul.u32 $0x8100, s15;
	v3 =	vld [tilespmem:s19+$0x10]  }
0x2d: {  	s30 =	sand.u32 $0x1, s12;
	v2 =	vld [tilespmem:s19+$0xFFFFFFF0]  }
0x2e: {  	s16 =	smul.u32 $0x8100, s30;
	s15 =	sshrl.u32 s15, $0x2;
	v0 =	vld [tilespmem:s19+$0x0]  }
0x2f: {  	v1 =	vld [tilespmem:s19+$0xFFFFFFE0];
	s17 =	sor.u32 $0x4000, s15  }
0x30: {  	s31 =	sshrl.u32 s16, $0x2;
	s16 =	sadd.s32 $0x0, s17  }
0x31: {  	s18 =	simm.s32 $0x4;
	s19 =	sadd.s32 $0x40, s19;
	s15 =	sor.u32 $0x4000, s31;
	[tilespmem:s16+$0x1830 ss:$0x81] =	vst.msk $0xffff, v3  }
.LBB1_3:
0x32: {  	v3 =	vld [tilespmem:s19+$0x10];
	p1 =	sne.s32 s18, $0x1FC;
	[tilespmem:s16+$0x810 ss:$0x81] =	vst.msk $0xffff, v2;
	s20 =	smov.u32 s18;
	s18 =	sadd.s32 $0x4, s18  }
.Ltmp3:
0x33: {  	v2 =	vld [tilespmem:s19+$0xFFFFFFF0];
	[tilespmem:s16+$0x1020 ss:$0x81] =	vst.msk $0xffff, v0;
	(pc) =	sbr.rel @p1 .LBB1_3-.Ltmp3, $4  }
0x34: {  	v0 =	vld [tilespmem:s19+$0x0];
	[tilespmem:s16+$0x0 ss:$0x81] =	vst.msk $0xffff, v1  }
0x35: {  	s16 =	sshra.s32 s20, $0x2;
	v1 =	vld [tilespmem:s19+$0xFFFFFFE0]  }
0x36: {  	s16 =	sadd.s32 s16, s17  }
0x37: {  	s19 =	sadd.s32 $0x40, s19;
	[tilespmem:s16+$0x1830 ss:$0x81] =	vst.msk $0xffff, v3  }
.Ltmp4:
0x38: {  	_ = 	snop;
	(pc) =	sbr.rel .LBB1_4-.Ltmp4, $1  }
0x39: {  	_ =	sdelay $0x3  }
.LBB1_6:
0x3a: {  	_ =	sfence.sel $0x180000  }
0x3b: {  	s2 =	simm.s32 $0x1;
	[bflag:$0x0] =	sbarrier.arrive $0xFFFF  }
0x3c: {  	s31 =	simm.s32 $0x2;
	[sflag:s2] =	ssyncpa.u1 $0x1  }
0x3d: {  	[sflag:s31] =	ssyncpa.u1 $0x1  }
0x3e: {  	p0 =	sne.s32 s0, $0x0;
	_ =	strace $0x9000004A  }
0x3f: {  	s0 =	sadd.s32 @!p0 $0x100000, s1;
	[bflag:$0x2] =	sbarrier.arrive $0xFFFF  }
0x40: {  	[sflag:s0] =	ssyncadd.tile.s32 @!p0 $0x1;
	_ =	shalt  }
.Lfunc_end1:
_tile_overlayer_lowered:
.L_overlay_start_2:
0x41: {  	(tag) =	ssettag $0x2  }
0x42: {  	s0 =	rddreg [dreg:$0x0];
	s2 =	stileid.u32  }
0x43: {  	s1 =	rddreg [dreg:$0x1];
	p0 =	sne.s32 s2, $0x0  }
0x44: {  	s3 =	rddreg [dreg:$0x2];
	[bflag:$0x3] =	sbarrier.arrive $0xFFFF;
	s2 =	simm.s32 @!p0 $0x1C01  }
0x45: {  	[timem:s3], [sflag:s2] =	dma.local @!p0 [hbm:s0], s1  }
0x46: {  	s0 =	simm.s32 @!p0 $0x1  }
0x47: {  	_ =	swait.ge @!p0 [sflag:s0], s1  }
0x48: {  	s1 =	ssub.s32 @!p0 $0x0, s1;
	[sflag:s0] =	ssyncset.done @!p0 $0x0  }
0x49: {  	[sflag:s0] =	ssyncadd.s32 @!p0 s1  }
0x4a: {  	[bflag:$0x3] =	sbarrier.arrive $0xFFFF  }
0x4b: {  	_ =	shalt  }

</sc_bundles>
